<compile_context>
chip_gen: v7x
topology: tpu7x:2x2x1
jax: 0.10.2.dev20260603
libtpu: 0.0.44.dev20260713+nightly
codegen_flags: <defaults>
</compile_context>

<pallas_src>
import functools

import jax
import jax.numpy as jnp
from jax import lax
from jax.experimental import pallas as pl
from jax.experimental.pallas import tpu as pltpu
from jax.experimental.pallas import tpu_sc as plsc

R = 64
C = 32768
L = 16
NC = 2
NS = 16
NW = NC * NS
ROWS_PER_W = R // NW
UNROLL = 8
BLK = UNROLL * L
NCHUNK = 4
CHUNK = C // NCHUNK
BPC = CHUNK // BLK

_mesh = plsc.VectorSubcoreMesh(core_axis_name="c", subcore_axis_name="s")


def _row_body(buf):
    def body(b, carry):
        mvs = list(carry[0])
        mbs = list(carry[1])
        bb = lax.broadcast(b, (L,))
        base = b * BLK
        for u in range(UNROLL):
            v = buf[pl.ds(base + u * L, L)]
            gt = v > mvs[u]
            mvs[u] = jnp.maximum(v, mvs[u])
            mbs[u] = jnp.where(gt, bb, mbs[u])
        return tuple(mvs), tuple(mbs)
    return body


def _finalize(carry, lane):
    mvs, mbs = carry
    mv = mvs[0]
    mi = mbs[0] * BLK + lane
    for u in range(1, UNROLL):
        idx_u = mbs[u] * BLK + (lane + u * L)
        better = (mvs[u] > mv) | ((mvs[u] == mv) & (idx_u < mi))
        mv = jnp.where(better, mvs[u], mv)
        mi = jnp.where(better, idx_u, mi)
    for s in (8, 4, 2, 1):
        perm = lane ^ s
        mvp = mv.at[perm].get(mode="promise_in_bounds")
        mip = mi.at[perm].get(mode="promise_in_bounds")
        take = (mvp > mv) | ((mvp == mv) & (mip < mi))
        mv = jnp.where(take, mvp, mv)
        mi = jnp.where(take, mip, mi)
    return mv, mi


@functools.partial(
    pl.kernel,
    mesh=_mesh,
    out_type=[
        jax.ShapeDtypeStruct((R,), jnp.float32),
        jax.ShapeDtypeStruct((R,), jnp.int32),
    ],
    scratch_types=[
        pltpu.VMEM((C,), jnp.float32),
        pltpu.VMEM((C,), jnp.float32),
        pltpu.VMEM((L,), jnp.float32),
        pltpu.VMEM((L,), jnp.int32),
        pltpu.VMEM_SHARED((NS * L,), jnp.float32),
        pltpu.VMEM_SHARED((NS * L,), jnp.int32),
        pltpu.VMEM((NS * L,), jnp.float32),
        pltpu.VMEM((NS * L,), jnp.int32),
        pltpu.VMEM((2 * NS,), jnp.float32),
        pltpu.VMEM((2 * NS,), jnp.int32),
    ] + [pltpu.SemaphoreType.DMA] * (ROWS_PER_W * NCHUNK),
)
def _topk1_sc(x_hbm, vals_hbm, idxs_hbm, buf0, buf1, vstage, istage,
              shv, shi, gv, gi, ov, oi, *sems):
    cid = lax.axis_index("c")
    sid = lax.axis_index("s")
    wid = cid * NS + sid
    row0 = wid * ROWS_PER_W

    copies = []
    for r, buf in ((0, buf0), (1, buf1)):
        for c in range(NCHUNK):
            copies.append(pltpu.async_copy(
                x_hbm.at[row0 + r, pl.ds(c * CHUNK, CHUNK)],
                buf.at[pl.ds(c * CHUNK, CHUNK)],
                sems[r * NCHUNK + c]))

    lane = lax.iota(jnp.int32, L)
    neg_inf = jnp.full((L,), -jnp.inf, dtype=jnp.float32)
    zero = jnp.zeros((L,), jnp.int32)
    results = []
    for r, buf in ((0, buf0), (1, buf1)):
        carry = ((neg_inf,) * UNROLL, (zero,) * UNROLL)
        for c in range(NCHUNK):
            copies[r * NCHUNK + c].wait()
            carry = lax.fori_loop(c * BPC, (c + 1) * BPC, _row_body(buf),
                                  carry)
        results.append(_finalize(carry, lane))

    (m0, i0), (m1, i1) = results
    vstage[...] = jnp.where(lane == 0, m0, m1)
    istage[...] = jnp.where(lane == 0, i0, i1)
    pltpu.sync_copy(vstage, shv.at[pl.ds(sid * L, L)])
    pltpu.sync_copy(istage, shi.at[pl.ds(sid * L, L)])
    plsc.subcore_barrier()

    @pl.when(sid == 0)
    def _aggregate():
        pltpu.sync_copy(shv, gv)
        pltpu.sync_copy(shi, gi)
        half = lax.shift_right_logical(lane, 1)

        def compact(src, out_ref, init):
            for h in range(2):
                acc = init
                for j in range(NS // 2):
                    w = h * (NS // 2) + j
                    wv = src[pl.ds(w * L, L)]
                    perm = (lane - 2 * j) & (L - 1)
                    g = wv.at[perm].get(mode="promise_in_bounds")
                    acc = jnp.where(half == j, g, acc)
                out_ref[pl.ds(h * L, L)] = acc

        compact(gv, ov, jnp.zeros((L,), jnp.float32))
        compact(gi, oi, jnp.zeros((L,), jnp.int32))
        pltpu.sync_copy(ov, vals_hbm.at[pl.ds(cid * 2 * NS, 2 * NS)])
        pltpu.sync_copy(oi, idxs_hbm.at[pl.ds(cid * 2 * NS, 2 * NS)])


def kernel(x):
    values, indices = _topk1_sc(x)
    return values.reshape(R, 1), indices.reshape(R, 1)

# --- scband reference (transcript-rebuilt; emitter-appended) ---
"""Pipeline reference for scband-model-17789754540511 (READ-ONLY COPY).

The authoritative reference and input builder live on the scoring server;
editing this copy changes nothing except your own understanding.
"""

import jax, jax.numpy as jnp
import numpy as np

def setup_inputs(seed: int = 0) -> dict:
    key = jax.random.key(seed)
    x = jax.random.normal(key, (64, 32768), dtype=jnp.float32)
    return {"x": x}

def reference(x):
    # Faithful translation of tf.math.top_k(x, 1): returns (values, indices)
    values, indices = jax.lax.top_k(x, 1)
    return values, indices

if __name__ == "__main__":
    import jax
    _d = setup_inputs()
    print(jax.jit(kernel)(*tuple(_d.values())))

</pallas_src>

<mosaic_0001>
#map = affine_map<(d0, d1) -> (0, 0)>
#map1 = affine_map<(d0, d1) -> (0)>
module attributes {stable_mosaic.version = 14 : i64} {
  func.func @_topk1_sc(%arg0: i32, %arg1: i32, %arg2: memref<64x32768xf32, #tpu.memory_space<hbm>>, %arg3: memref<64xf32, #tpu.memory_space<hbm>>, %arg4: memref<64xi32, #tpu.memory_space<hbm>>, %arg5: memref<32768xf32, #tpu.memory_space<vmem>>, %arg6: memref<32768xf32, #tpu.memory_space<vmem>>, %arg7: memref<16xf32, #tpu.memory_space<vmem>>, %arg8: memref<16xi32, #tpu.memory_space<vmem>>, %arg9: memref<256xf32, #tpu.memory_space<vmem_shared>>, %arg10: memref<256xi32, #tpu.memory_space<vmem_shared>>, %arg11: memref<256xf32, #tpu.memory_space<vmem>>, %arg12: memref<256xi32, #tpu.memory_space<vmem>>, %arg13: memref<32xf32, #tpu.memory_space<vmem>>, %arg14: memref<32xi32, #tpu.memory_space<vmem>>, %arg15: memref<!tpu.dma_semaphore, #tpu.memory_space<semaphore_mem>>, %arg16: memref<!tpu.dma_semaphore, #tpu.memory_space<semaphore_mem>>, %arg17: memref<!tpu.dma_semaphore, #tpu.memory_space<semaphore_mem>>, %arg18: memref<!tpu.dma_semaphore, #tpu.memory_space<semaphore_mem>>, %arg19: memref<!tpu.dma_semaphore, #tpu.memory_space<semaphore_mem>>, %arg20: memref<!tpu.dma_semaphore, #tpu.memory_space<semaphore_mem>>, %arg21: memref<!tpu.dma_semaphore, #tpu.memory_space<semaphore_mem>>, %arg22: memref<!tpu.dma_semaphore, #tpu.memory_space<semaphore_mem>>) attributes {dimension_semantics = [#tpu.dimension_semantics<core_parallel>, #tpu.dimension_semantics<subcore_parallel>], iteration_bounds = array<i64: 2, 16>, scalar_prefetch = 0 : i64, scratch_operands = 18 : i64, tpu.core_type = #tpu.core_type<sc_vector_subcore>, window_params = [{transform_indices = #map}, {transform_indices = #map1}, {transform_indices = #map1}]} {
    %mul3A = arith.constant 16 : i32
    %mul3A_0 = arith.muli %arg0, %mul3A : i32
    %add3A = arith.addi %mul3A_0, %arg1 : i32
    %mul3A_1 = arith.constant 2 : i32
    %mul3A_2 = arith.muli %add3A, %mul3A_1 : i32
    %add3A_3 = arith.constant 0 : i32
    %add3A_4 = arith.addi %mul3A_2, %add3A_3 : i32
    %dma_start3A = arith.constant 0 : i32
    %dma_start3A_5 = tpu.memref_slice %arg5[%dma_start3A] : memref<32768xf32, #tpu.memory_space<vmem>> -> memref<8192xf32, #tpu.memory_space<vmem>>
    %dma_start3A_6 = arith.constant 0 : i32
    %dma_start3A_7 = tpu.memref_slice %arg2[%add3A_4, %dma_start3A_6] : memref<64x32768xf32, #tpu.memory_space<hbm>> -> memref<1x8192xf32, #tpu.memory_space<hbm>>
    %dma_start3A_8 = tpu.memref_squeeze %dma_start3A_7 : memref<1x8192xf32, #tpu.memory_space<hbm>> -> memref<8192xf32, #tpu.memory_space<hbm>>
    %dma_start3A_9 = arith.constant 0 : i32
    %dma_start3A_10 = tpu.memref_slice %arg5[%dma_start3A_9] : memref<32768xf32, #tpu.memory_space<vmem>> -> memref<8192xf32, #tpu.memory_space<vmem>>
    %dma_start3A_11 = arith.constant 0 : i32
    %dma_start3A_12 = tpu.memref_slice %arg2[%add3A_4, %dma_start3A_11] : memref<64x32768xf32, #tpu.memory_space<hbm>> -> memref<1x8192xf32, #tpu.memory_space<hbm>>
    %dma_start3A_13 = tpu.memref_squeeze %dma_start3A_12 : memref<1x8192xf32, #tpu.memory_space<hbm>> -> memref<8192xf32, #tpu.memory_space<hbm>>
    tpu.enqueue_dma source(%dma_start3A_13 : memref<8192xf32, #tpu.memory_space<hbm>>) target(%dma_start3A_10 : memref<8192xf32, #tpu.memory_space<vmem>>) target_semaphore(%arg15 : memref<!tpu.dma_semaphore, #tpu.memory_space<semaphore_mem>>)
    %add3A_14 = arith.constant 0 : i32
    %add3A_15 = arith.addi %mul3A_2, %add3A_14 : i32
    %dma_start3A_16 = arith.constant 8192 : i32
    %dma_start3A_17 = tpu.memref_slice %arg5[%dma_start3A_16] : memref<32768xf32, #tpu.memory_space<vmem>> -> memref<8192xf32, #tpu.memory_space<vmem>>
    %dma_start3A_18 = arith.constant 8192 : i32
    %dma_start3A_19 = tpu.memref_slice %arg2[%add3A_15, %dma_start3A_18] : memref<64x32768xf32, #tpu.memory_space<hbm>> -> memref<1x8192xf32, #tpu.memory_space<hbm>>
    %dma_start3A_20 = tpu.memref_squeeze %dma_start3A_19 : memref<1x8192xf32, #tpu.memory_space<hbm>> -> memref<8192xf32, #tpu.memory_space<hbm>>
    %dma_start3A_21 = arith.constant 8192 : i32
    %dma_start3A_22 = tpu.memref_slice %arg5[%dma_start3A_21] : memref<32768xf32, #tpu.memory_space<vmem>> -> memref<8192xf32, #tpu.memory_space<vmem>>
    %dma_start3A_23 = arith.constant 8192 : i32
    %dma_start3A_24 = tpu.memref_slice %arg2[%add3A_15, %dma_start3A_23] : memref<64x32768xf32, #tpu.memory_space<hbm>> -> memref<1x8192xf32, #tpu.memory_space<hbm>>
    %dma_start3A_25 = tpu.memref_squeeze %dma_start3A_24 : memref<1x8192xf32, #tpu.memory_space<hbm>> -> memref<8192xf32, #tpu.memory_space<hbm>>
    tpu.enqueue_dma source(%dma_start3A_25 : memref<8192xf32, #tpu.memory_space<hbm>>) target(%dma_start3A_22 : memref<8192xf32, #tpu.memory_space<vmem>>) target_semaphore(%arg16 : memref<!tpu.dma_semaphore, #tpu.memory_space<semaphore_mem>>)
    %add3A_26 = arith.constant 0 : i32
    %add3A_27 = arith.addi %mul3A_2, %add3A_26 : i32
    %dma_start3A_28 = arith.constant 16384 : i32
    %dma_start3A_29 = tpu.memref_slice %arg5[%dma_start3A_28] : memref<32768xf32, #tpu.memory_space<vmem>> -> memref<8192xf32, #tpu.memory_space<vmem>>
    %dma_start3A_30 = arith.constant 16384 : i32
    %dma_start3A_31 = tpu.memref_slice %arg2[%add3A_27, %dma_start3A_30] : memref<64x32768xf32, #tpu.memory_space<hbm>> -> memref<1x8192xf32, #tpu.memory_space<hbm>>
    %dma_start3A_32 = tpu.memref_squeeze %dma_start3A_31 : memref<1x8192xf32, #tpu.memory_space<hbm>> -> memref<8192xf32, #tpu.memory_space<hbm>>
    %dma_start3A_33 = arith.constant 16384 : i32
    %dma_start3A_34 = tpu.memref_slice %arg5[%dma_start3A_33] : memref<32768xf32, #tpu.memory_space<vmem>> -> memref<8192xf32, #tpu.memory_space<vmem>>
    %dma_start3A_35 = arith.constant 16384 : i32
    %dma_start3A_36 = tpu.memref_slice %arg2[%add3A_27, %dma_start3A_35] : memref<64x32768xf32, #tpu.memory_space<hbm>> -> memref<1x8192xf32, #tpu.memory_space<hbm>>
    %dma_start3A_37 = tpu.memref_squeeze %dma_start3A_36 : memref<1x8192xf32, #tpu.memory_space<hbm>> -> memref<8192xf32, #tpu.memory_space<hbm>>
    tpu.enqueue_dma source(%dma_start3A_37 : memref<8192xf32, #tpu.memory_space<hbm>>) target(%dma_start3A_34 : memref<8192xf32, #tpu.memory_space<vmem>>) target_semaphore(%arg17 : memref<!tpu.dma_semaphore, #tpu.memory_space<semaphore_mem>>)
    %add3A_38 = arith.constant 0 : i32
    %add3A_39 = arith.addi %mul3A_2, %add3A_38 : i32
    %dma_start3A_40 = arith.constant 24576 : i32
    %dma_start3A_41 = tpu.memref_slice %arg5[%dma_start3A_40] : memref<32768xf32, #tpu.memory_space<vmem>> -> memref<8192xf32, #tpu.memory_space<vmem>>
    %dma_start3A_42 = arith.constant 24576 : i32
    %dma_start3A_43 = tpu.memref_slice %arg2[%add3A_39, %dma_start3A_42] : memref<64x32768xf32, #tpu.memory_space<hbm>> -> memref<1x8192xf32, #tpu.memory_space<hbm>>
    %dma_start3A_44 = tpu.memref_squeeze %dma_start3A_43 : memref<1x8192xf32, #tpu.memory_space<hbm>> -> memref<8192xf32, #tpu.memory_space<hbm>>
    %dma_start3A_45 = arith.constant 24576 : i32
    %dma_start3A_46 = tpu.memref_slice %arg5[%dma_start3A_45] : memref<32768xf32, #tpu.memory_space<vmem>> -> memref<8192xf32, #tpu.memory_space<vmem>>
    %dma_start3A_47 = arith.constant 24576 : i32
    %dma_start3A_48 = tpu.memref_slice %arg2[%add3A_39, %dma_start3A_47] : memref<64x32768xf32, #tpu.memory_space<hbm>> -> memref<1x8192xf32, #tpu.memory_space<hbm>>
    %dma_start3A_49 = tpu.memref_squeeze %dma_start3A_48 : memref<1x8192xf32, #tpu.memory_space<hbm>> -> memref<8192xf32, #tpu.memory_space<hbm>>
    tpu.enqueue_dma source(%dma_start3A_49 : memref<8192xf32, #tpu.memory_space<hbm>>) target(%dma_start3A_46 : memref<8192xf32, #tpu.memory_space<vmem>>) target_semaphore(%arg18 : memref<!tpu.dma_semaphore, #tpu.memory_space<semaphore_mem>>)
    %add3A_50 = arith.constant 1 : i32
    %add3A_51 = arith.addi %mul3A_2, %add3A_50 : i32
    %dma_start3A_52 = arith.constant 0 : i32
    %dma_start3A_53 = tpu.memref_slice %arg6[%dma_start3A_52] : memref<32768xf32, #tpu.memory_space<vmem>> -> memref<8192xf32, #tpu.memory_space<vmem>>
    %dma_start3A_54 = arith.constant 0 : i32
    %dma_start3A_55 = tpu.memref_slice %arg2[%add3A_51, %dma_start3A_54] : memref<64x32768xf32, #tpu.memory_space<hbm>> -> memref<1x8192xf32, #tpu.memory_space<hbm>>
    %dma_start3A_56 = tpu.memref_squeeze %dma_start3A_55 : memref<1x8192xf32, #tpu.memory_space<hbm>> -> memref<8192xf32, #tpu.memory_space<hbm>>
    %dma_start3A_57 = arith.constant 0 : i32
    %dma_start3A_58 = tpu.memref_slice %arg6[%dma_start3A_57] : memref<32768xf32, #tpu.memory_space<vmem>> -> memref<8192xf32, #tpu.memory_space<vmem>>
    %dma_start3A_59 = arith.constant 0 : i32
    %dma_start3A_60 = tpu.memref_slice %arg2[%add3A_51, %dma_start3A_59] : memref<64x32768xf32, #tpu.memory_space<hbm>> -> memref<1x8192xf32, #tpu.memory_space<hbm>>
    %dma_start3A_61 = tpu.memref_squeeze %dma_start3A_60 : memref<1x8192xf32, #tpu.memory_space<hbm>> -> memref<8192xf32, #tpu.memory_space<hbm>>
    tpu.enqueue_dma source(%dma_start3A_61 : memref<8192xf32, #tpu.memory_space<hbm>>) target(%dma_start3A_58 : memref<8192xf32, #tpu.memory_space<vmem>>) target_semaphore(%arg19 : memref<!tpu.dma_semaphore, #tpu.memory_space<semaphore_mem>>)
    %add3A_62 = arith.constant 1 : i32
    %add3A_63 = arith.addi %mul3A_2, %add3A_62 : i32
    %dma_start3A_64 = arith.constant 8192 : i32
    %dma_start3A_65 = tpu.memref_slice %arg6[%dma_start3A_64] : memref<32768xf32, #tpu.memory_space<vmem>> -> memref<8192xf32, #tpu.memory_space<vmem>>
    %dma_start3A_66 = arith.constant 8192 : i32
    %dma_start3A_67 = tpu.memref_slice %arg2[%add3A_63, %dma_start3A_66] : memref<64x32768xf32, #tpu.memory_space<hbm>> -> memref<1x8192xf32, #tpu.memory_space<hbm>>
    %dma_start3A_68 = tpu.memref_squeeze %dma_start3A_67 : memref<1x8192xf32, #tpu.memory_space<hbm>> -> memref<8192xf32, #tpu.memory_space<hbm>>
    %dma_start3A_69 = arith.constant 8192 : i32
    %dma_start3A_70 = tpu.memref_slice %arg6[%dma_start3A_69] : memref<32768xf32, #tpu.memory_space<vmem>> -> memref<8192xf32, #tpu.memory_space<vmem>>
    %dma_start3A_71 = arith.constant 8192 : i32
    %dma_start3A_72 = tpu.memref_slice %arg2[%add3A_63, %dma_start3A_71] : memref<64x32768xf32, #tpu.memory_space<hbm>> -> memref<1x8192xf32, #tpu.memory_space<hbm>>
    %dma_start3A_73 = tpu.memref_squeeze %dma_start3A_72 : memref<1x8192xf32, #tpu.memory_space<hbm>> -> memref<8192xf32, #tpu.memory_space<hbm>>
    tpu.enqueue_dma source(%dma_start3A_73 : memref<8192xf32, #tpu.memory_space<hbm>>) target(%dma_start3A_70 : memref<8192xf32, #tpu.memory_space<vmem>>) target_semaphore(%arg20 : memref<!tpu.dma_semaphore, #tpu.memory_space<semaphore_mem>>)
    %add3A_74 = arith.constant 1 : i32
    %add3A_75 = arith.addi %mul3A_2, %add3A_74 : i32
    %dma_start3A_76 = arith.constant 16384 : i32
    %dma_start3A_77 = tpu.memref_slice %arg6[%dma_start3A_76] : memref<32768xf32, #tpu.memory_space<vmem>> -> memref<8192xf32, #tpu.memory_space<vmem>>
    %dma_start3A_78 = arith.constant 16384 : i32
    %dma_start3A_79 = tpu.memref_slice %arg2[%add3A_75, %dma_start3A_78] : memref<64x32768xf32, #tpu.memory_space<hbm>> -> memref<1x8192xf32, #tpu.memory_space<hbm>>
    %dma_start3A_80 = tpu.memref_squeeze %dma_start3A_79 : memref<1x8192xf32, #tpu.memory_space<hbm>> -> memref<8192xf32, #tpu.memory_space<hbm>>
    %dma_start3A_81 = arith.constant 16384 : i32
    %dma_start3A_82 = tpu.memref_slice %arg6[%dma_start3A_81] : memref<32768xf32, #tpu.memory_space<vmem>> -> memref<8192xf32, #tpu.memory_space<vmem>>
    %dma_start3A_83 = arith.constant 16384 : i32
    %dma_start3A_84 = tpu.memref_slice %arg2[%add3A_75, %dma_start3A_83] : memref<64x32768xf32, #tpu.memory_space<hbm>> -> memref<1x8192xf32, #tpu.memory_space<hbm>>
    %dma_start3A_85 = tpu.memref_squeeze %dma_start3A_84 : memref<1x8192xf32, #tpu.memory_space<hbm>> -> memref<8192xf32, #tpu.memory_space<hbm>>
    tpu.enqueue_dma source(%dma_start3A_85 : memref<8192xf32, #tpu.memory_space<hbm>>) target(%dma_start3A_82 : memref<8192xf32, #tpu.memory_space<vmem>>) target_semaphore(%arg21 : memref<!tpu.dma_semaphore, #tpu.memory_space<semaphore_mem>>)
    %add3A_86 = arith.constant 1 : i32
    %add3A_87 = arith.addi %mul3A_2, %add3A_86 : i32
    %dma_start3A_88 = arith.constant 24576 : i32
    %dma_start3A_89 = tpu.memref_slice %arg6[%dma_start3A_88] : memref<32768xf32, #tpu.memory_space<vmem>> -> memref<8192xf32, #tpu.memory_space<vmem>>
    %dma_start3A_90 = arith.constant 24576 : i32
    %dma_start3A_91 = tpu.memref_slice %arg2[%add3A_87, %dma_start3A_90] : memref<64x32768xf32, #tpu.memory_space<hbm>> -> memref<1x8192xf32, #tpu.memory_space<hbm>>
    %dma_start3A_92 = tpu.memref_squeeze %dma_start3A_91 : memref<1x8192xf32, #tpu.memory_space<hbm>> -> memref<8192xf32, #tpu.memory_space<hbm>>
    %dma_start3A_93 = arith.constant 24576 : i32
    %dma_start3A_94 = tpu.memref_slice %arg6[%dma_start3A_93] : memref<32768xf32, #tpu.memory_space<vmem>> -> memref<8192xf32, #tpu.memory_space<vmem>>
    %dma_start3A_95 = arith.constant 24576 : i32
    %dma_start3A_96 = tpu.memref_slice %arg2[%add3A_87, %dma_start3A_95] : memref<64x32768xf32, #tpu.memory_space<hbm>> -> memref<1x8192xf32, #tpu.memory_space<hbm>>
    %dma_start3A_97 = tpu.memref_squeeze %dma_start3A_96 : memref<1x8192xf32, #tpu.memory_space<hbm>> -> memref<8192xf32, #tpu.memory_space<hbm>>
    tpu.enqueue_dma source(%dma_start3A_97 : memref<8192xf32, #tpu.memory_space<hbm>>) target(%dma_start3A_94 : memref<8192xf32, #tpu.memory_space<vmem>>) target_semaphore(%arg22 : memref<!tpu.dma_semaphore, #tpu.memory_space<semaphore_mem>>)
    %iota3A = tpu.iota {dimensions = array<i32: 0>} : vector<16xi32>
    %broadcast_in_dim3A = arith.constant 0xFF800000 : f32
    %broadcast_in_dim3A_98 = vector.broadcast %broadcast_in_dim3A : f32 to vector<16xf32>
    %broadcast_in_dim3A_99 = arith.constant 0 : i32
    %broadcast_in_dim3A_100 = vector.broadcast %broadcast_in_dim3A_99 : i32 to vector<16xi32>
    %dma_wait3A = arith.constant 0 : i32
    %dma_wait3A_101 = tpu.memref_slice %arg5[%dma_wait3A] : memref<32768xf32, #tpu.memory_space<vmem>> -> memref<8192xf32, #tpu.memory_space<vmem>>
    %dma_wait3A_102 = arith.constant 0 : i32
    %dma_wait3A_103 = tpu.memref_slice %arg2[%add3A_4, %dma_wait3A_102] : memref<64x32768xf32, #tpu.memory_space<hbm>> -> memref<1x8192xf32, #tpu.memory_space<hbm>>
    %dma_wait3A_104 = tpu.memref_squeeze %dma_wait3A_103 : memref<1x8192xf32, #tpu.memory_space<hbm>> -> memref<8192xf32, #tpu.memory_space<hbm>>
    %dma_wait3A_105 = arith.constant 0 : i32
    %dma_wait3A_106 = tpu.memref_slice %arg5[%dma_wait3A_105] : memref<32768xf32, #tpu.memory_space<vmem>> -> memref<8192xf32, #tpu.memory_space<vmem>>
    %dma_wait3A_107 = arith.constant 0 : i32
    %dma_wait3A_108 = tpu.memref_slice %arg2[%add3A_4, %dma_wait3A_107] : memref<64x32768xf32, #tpu.memory_space<hbm>> -> memref<1x8192xf32, #tpu.memory_space<hbm>>
    %dma_wait3A_109 = tpu.memref_squeeze %dma_wait3A_108 : memref<1x8192xf32, #tpu.memory_space<hbm>> -> memref<8192xf32, #tpu.memory_space<hbm>>
    tpu.wait_dma2 semaphore(%arg15 : memref<!tpu.dma_semaphore, #tpu.memory_space<semaphore_mem>>) src(%dma_wait3A_109 : memref<8192xf32, #tpu.memory_space<hbm>>) dst(%dma_wait3A_106 : memref<8192xf32, #tpu.memory_space<vmem>>)
    %scan3A = arith.constant 0 : i32
    %scan3A_110 = arith.constant 64 : i32
    %scan3A_111 = arith.addi %scan3A, %scan3A_110 : i32
    %scan3A_112 = arith.constant 1 : i32
    %scan3A_113:16 = scf.for %scan3A_685 = %scan3A to %scan3A_111 step %scan3A_112 iter_args(%scan3A_686 = %broadcast_in_dim3A_98, %scan3A_687 = %broadcast_in_dim3A_98, %scan3A_688 = %broadcast_in_dim3A_98, %scan3A_689 = %broadcast_in_dim3A_98, %scan3A_690 = %broadcast_in_dim3A_98, %scan3A_691 = %broadcast_in_dim3A_98, %scan3A_692 = %broadcast_in_dim3A_98, %scan3A_693 = %broadcast_in_dim3A_98, %scan3A_694 = %broadcast_in_dim3A_100, %scan3A_695 = %broadcast_in_dim3A_100, %scan3A_696 = %broadcast_in_dim3A_100, %scan3A_697 = %broadcast_in_dim3A_100, %scan3A_698 = %broadcast_in_dim3A_100, %scan3A_699 = %broadcast_in_dim3A_100, %scan3A_700 = %broadcast_in_dim3A_100, %scan3A_701 = %broadcast_in_dim3A_100) -> (vector<16xf32>, vector<16xf32>, vector<16xf32>, vector<16xf32>, vector<16xf32>, vector<16xf32>, vector<16xf32>, vector<16xf32>, vector<16xi32>, vector<16xi32>, vector<16xi32>, vector<16xi32>, vector<16xi32>, vector<16xi32>, vector<16xi32>, vector<16xi32>)  : i32 {
      %broadcast_in_dim3A_702 = vector.broadcast %scan3A_685 : i32 to vector<16xi32>
      %mul3A_703 = arith.constant 128 : i32
      %mul3A_704 = arith.muli %scan3A_685, %mul3A_703 : i32
      %add3A_705 = arith.constant 0 : i32
      %add3A_706 = arith.addi %mul3A_704, %add3A_705 : i32
      %get3A = arith.index_cast %add3A_706 : i32 to index
      %get3A_707 = tpu.vector_load %arg5[%get3A] {strides = array<i32>} : memref<32768xf32, #tpu.memory_space<vmem>>, vector<16xf32>,
      %get3A_708 = vector.shape_cast %get3A_707 : vector<16xf32> to vector<16xf32>
      %gt3A_709 = arith.cmpf ogt, %get3A_708, %scan3A_686 : vector<16xf32>
      %max3A = arith.maximumf %get3A_708, %scan3A_686 : vector<16xf32>
      %select_n3A_710 = arith.select %gt3A_709, %broadcast_in_dim3A_702, %scan3A_694 : vector<16xi1>, vector<16xi32>
      %add3A_711 = arith.constant 16 : i32
      %add3A_712 = arith.addi %mul3A_704, %add3A_711 : i32
      %get3A_713 = arith.index_cast %add3A_712 : i32 to index
      %get3A_714 = tpu.vector_load %arg5[%get3A_713] {strides = array<i32>} : memref<32768xf32, #tpu.memory_space<vmem>>, vector<16xf32>,
      %get3A_715 = vector.shape_cast %get3A_714 : vector<16xf32> to vector<16xf32>
      %gt3A_716 = arith.cmpf ogt, %get3A_715, %scan3A_687 : vector<16xf32>
      %max3A_717 = arith.maximumf %get3A_715, %scan3A_687 : vector<16xf32>
      %select_n3A_718 = arith.select %gt3A_716, %broadcast_in_dim3A_702, %scan3A_695 : vector<16xi1>, vector<16xi32>
      %add3A_719 = arith.constant 32 : i32
      %add3A_720 = arith.addi %mul3A_704, %add3A_719 : i32
      %get3A_721 = arith.index_cast %add3A_720 : i32 to index
      %get3A_722 = tpu.vector_load %arg5[%get3A_721] {strides = array<i32>} : memref<32768xf32, #tpu.memory_space<vmem>>, vector<16xf32>,
      %get3A_723 = vector.shape_cast %get3A_722 : vector<16xf32> to vector<16xf32>
      %gt3A_724 = arith.cmpf ogt, %get3A_723, %scan3A_688 : vector<16xf32>
      %max3A_725 = arith.maximumf %get3A_723, %scan3A_688 : vector<16xf32>
      %select_n3A_726 = arith.select %gt3A_724, %broadcast_in_dim3A_702, %scan3A_696 : vector<16xi1>, vector<16xi32>
      %add3A_727 = arith.constant 48 : i32
      %add3A_728 = arith.addi %mul3A_704, %add3A_727 : i32
      %get3A_729 = arith.index_cast %add3A_728 : i32 to index
      %get3A_730 = tpu.vector_load %arg5[%get3A_729] {strides = array<i32>} : memref<32768xf32, #tpu.memory_space<vmem>>, vector<16xf32>,
      %get3A_731 = vector.shape_cast %get3A_730 : vector<16xf32> to vector<16xf32>
      %gt3A_732 = arith.cmpf ogt, %get3A_731, %scan3A_689 : vector<16xf32>
      %max3A_733 = arith.maximumf %get3A_731, %scan3A_689 : vector<16xf32>
      %select_n3A_734 = arith.select %gt3A_732, %broadcast_in_dim3A_702, %scan3A_697 : vector<16xi1>, vector<16xi32>
      %add3A_735 = arith.constant 64 : i32
      %add3A_736 = arith.addi %mul3A_704, %add3A_735 : i32
      %get3A_737 = arith.index_cast %add3A_736 : i32 to index
      %get3A_738 = tpu.vector_load %arg5[%get3A_737] {strides = array<i32>} : memref<32768xf32, #tpu.memory_space<vmem>>, vector<16xf32>,
      %get3A_739 = vector.shape_cast %get3A_738 : vector<16xf32> to vector<16xf32>
      %gt3A_740 = arith.cmpf ogt, %get3A_739, %scan3A_690 : vector<16xf32>
      %max3A_741 = arith.maximumf %get3A_739, %scan3A_690 : vector<16xf32>
      %select_n3A_742 = arith.select %gt3A_740, %broadcast_in_dim3A_702, %scan3A_698 : vector<16xi1>, vector<16xi32>
      %add3A_743 = arith.constant 80 : i32
      %add3A_744 = arith.addi %mul3A_704, %add3A_743 : i32
      %get3A_745 = arith.index_cast %add3A_744 : i32 to index
      %get3A_746 = tpu.vector_load %arg5[%get3A_745] {strides = array<i32>} : memref<32768xf32, #tpu.memory_space<vmem>>, vector<16xf32>,
      %get3A_747 = vector.shape_cast %get3A_746 : vector<16xf32> to vector<16xf32>
      %gt3A_748 = arith.cmpf ogt, %get3A_747, %scan3A_691 : vector<16xf32>
      %max3A_749 = arith.maximumf %get3A_747, %scan3A_691 : vector<16xf32>
      %select_n3A_750 = arith.select %gt3A_748, %broadcast_in_dim3A_702, %scan3A_699 : vector<16xi1>, vector<16xi32>
      %add3A_751 = arith.constant 96 : i32
      %add3A_752 = arith.addi %mul3A_704, %add3A_751 : i32
      %get3A_753 = arith.index_cast %add3A_752 : i32 to index
      %get3A_754 = tpu.vector_load %arg5[%get3A_753] {strides = array<i32>} : memref<32768xf32, #tpu.memory_space<vmem>>, vector<16xf32>,
      %get3A_755 = vector.shape_cast %get3A_754 : vector<16xf32> to vector<16xf32>
      %gt3A_756 = arith.cmpf ogt, %get3A_755, %scan3A_692 : vector<16xf32>
      %max3A_757 = arith.maximumf %get3A_755, %scan3A_692 : vector<16xf32>
      %select_n3A_758 = arith.select %gt3A_756, %broadcast_in_dim3A_702, %scan3A_700 : vector<16xi1>, vector<16xi32>
      %add3A_759 = arith.constant 112 : i32
      %add3A_760 = arith.addi %mul3A_704, %add3A_759 : i32
      %get3A_761 = arith.index_cast %add3A_760 : i32 to index
      %get3A_762 = tpu.vector_load %arg5[%get3A_761] {strides = array<i32>} : memref<32768xf32, #tpu.memory_space<vmem>>, vector<16xf32>,
      %get3A_763 = vector.shape_cast %get3A_762 : vector<16xf32> to vector<16xf32>
      %gt3A_764 = arith.cmpf ogt, %get3A_763, %scan3A_693 : vector<16xf32>
      %max3A_765 = arith.maximumf %get3A_763, %scan3A_693 : vector<16xf32>
      %select_n3A_766 = arith.select %gt3A_764, %broadcast_in_dim3A_702, %scan3A_701 : vector<16xi1>, vector<16xi32>
      scf.yield %max3A, %max3A_717, %max3A_725, %max3A_733, %max3A_741, %max3A_749, %max3A_757, %max3A_765, %select_n3A_710, %select_n3A_718, %select_n3A_726, %select_n3A_734, %select_n3A_742, %select_n3A_750, %select_n3A_758, %select_n3A_766 : vector<16xf32>, vector<16xf32>, vector<16xf32>, vector<16xf32>, vector<16xf32>, vector<16xf32>, vector<16xf32>, vector<16xf32>, vector<16xi32>, vector<16xi32>, vector<16xi32>, vector<16xi32>, vector<16xi32>, vector<16xi32>, vector<16xi32>, vector<16xi32>
    }
    %scan3A_114 = arith.constant 64 : i32
    %dma_wait3A_115 = arith.constant 8192 : i32
    %dma_wait3A_116 = tpu.memref_slice %arg5[%dma_wait3A_115] : memref<32768xf32, #tpu.memory_space<vmem>> -> memref<8192xf32, #tpu.memory_space<vmem>>
    %dma_wait3A_117 = arith.constant 8192 : i32
    %dma_wait3A_118 = tpu.memref_slice %arg2[%add3A_15, %dma_wait3A_117] : memref<64x32768xf32, #tpu.memory_space<hbm>> -> memref<1x8192xf32, #tpu.memory_space<hbm>>
    %dma_wait3A_119 = tpu.memref_squeeze %dma_wait3A_118 : memref<1x8192xf32, #tpu.memory_space<hbm>> -> memref<8192xf32, #tpu.memory_space<hbm>>
    %dma_wait3A_120 = arith.constant 8192 : i32
    %dma_wait3A_121 = tpu.memref_slice %arg5[%dma_wait3A_120] : memref<32768xf32, #tpu.memory_space<vmem>> -> memref<8192xf32, #tpu.memory_space<vmem>>
    %dma_wait3A_122 = arith.constant 8192 : i32
    %dma_wait3A_123 = tpu.memref_slice %arg2[%add3A_15, %dma_wait3A_122] : memref<64x32768xf32, #tpu.memory_space<hbm>> -> memref<1x8192xf32, #tpu.memory_space<hbm>>
    %dma_wait3A_124 = tpu.memref_squeeze %dma_wait3A_123 : memref<1x8192xf32, #tpu.memory_space<hbm>> -> memref<8192xf32, #tpu.memory_space<hbm>>
    tpu.wait_dma2 semaphore(%arg16 : memref<!tpu.dma_semaphore, #tpu.memory_space<semaphore_mem>>) src(%dma_wait3A_124 : memref<8192xf32, #tpu.memory_space<hbm>>) dst(%dma_wait3A_121 : memref<8192xf32, #tpu.memory_space<vmem>>)
    %scan3A_125 = arith.constant 64 : i32
    %scan3A_126 = arith.constant 64 : i32
    %scan3A_127 = arith.addi %scan3A_125, %scan3A_126 : i32
    %scan3A_128 = arith.constant 1 : i32
    %scan3A_129:16 = scf.for %scan3A_685 = %scan3A_125 to %scan3A_127 step %scan3A_128 iter_args(%scan3A_686 = %scan3A_113#0, %scan3A_687 = %scan3A_113#1, %scan3A_688 = %scan3A_113#2, %scan3A_689 = %scan3A_113#3, %scan3A_690 = %scan3A_113#4, %scan3A_691 = %scan3A_113#5, %scan3A_692 = %scan3A_113#6, %scan3A_693 = %scan3A_113#7, %scan3A_694 = %scan3A_113#8, %scan3A_695 = %scan3A_113#9, %scan3A_696 = %scan3A_113#10, %scan3A_697 = %scan3A_113#11, %scan3A_698 = %scan3A_113#12, %scan3A_699 = %scan3A_113#13, %scan3A_700 = %scan3A_113#14, %scan3A_701 = %scan3A_113#15) -> (vector<16xf32>, vector<16xf32>, vector<16xf32>, vector<16xf32>, vector<16xf32>, vector<16xf32>, vector<16xf32>, vector<16xf32>, vector<16xi32>, vector<16xi32>, vector<16xi32>, vector<16xi32>, vector<16xi32>, vector<16xi32>, vector<16xi32>, vector<16xi32>)  : i32 {
      %broadcast_in_dim3A_702 = vector.broadcast %scan3A_685 : i32 to vector<16xi32>
      %mul3A_703 = arith.constant 128 : i32
      %mul3A_704 = arith.muli %scan3A_685, %mul3A_703 : i32
      %add3A_705 = arith.constant 0 : i32
      %add3A_706 = arith.addi %mul3A_704, %add3A_705 : i32
      %get3A = arith.index_cast %add3A_706 : i32 to index
      %get3A_707 = tpu.vector_load %arg5[%get3A] {strides = array<i32>} : memref<32768xf32, #tpu.memory_space<vmem>>, vector<16xf32>,
      %get3A_708 = vector.shape_cast %get3A_707 : vector<16xf32> to vector<16xf32>
      %gt3A_709 = arith.cmpf ogt, %get3A_708, %scan3A_686 : vector<16xf32>
      %max3A = arith.maximumf %get3A_708, %scan3A_686 : vector<16xf32>
      %select_n3A_710 = arith.select %gt3A_709, %broadcast_in_dim3A_702, %scan3A_694 : vector<16xi1>, vector<16xi32>
      %add3A_711 = arith.constant 16 : i32
      %add3A_712 = arith.addi %mul3A_704, %add3A_711 : i32
      %get3A_713 = arith.index_cast %add3A_712 : i32 to index
      %get3A_714 = tpu.vector_load %arg5[%get3A_713] {strides = array<i32>} : memref<32768xf32, #tpu.memory_space<vmem>>, vector<16xf32>,
      %get3A_715 = vector.shape_cast %get3A_714 : vector<16xf32> to vector<16xf32>
      %gt3A_716 = arith.cmpf ogt, %get3A_715, %scan3A_687 : vector<16xf32>
      %max3A_717 = arith.maximumf %get3A_715, %scan3A_687 : vector<16xf32>
      %select_n3A_718 = arith.select %gt3A_716, %broadcast_in_dim3A_702, %scan3A_695 : vector<16xi1>, vector<16xi32>
      %add3A_719 = arith.constant 32 : i32
      %add3A_720 = arith.addi %mul3A_704, %add3A_719 : i32
      %get3A_721 = arith.index_cast %add3A_720 : i32 to index
      %get3A_722 = tpu.vector_load %arg5[%get3A_721] {strides = array<i32>} : memref<32768xf32, #tpu.memory_space<vmem>>, vector<16xf32>,
      %get3A_723 = vector.shape_cast %get3A_722 : vector<16xf32> to vector<16xf32>
      %gt3A_724 = arith.cmpf ogt, %get3A_723, %scan3A_688 : vector<16xf32>
      %max3A_725 = arith.maximumf %get3A_723, %scan3A_688 : vector<16xf32>
      %select_n3A_726 = arith.select %gt3A_724, %broadcast_in_dim3A_702, %scan3A_696 : vector<16xi1>, vector<16xi32>
      %add3A_727 = arith.constant 48 : i32
      %add3A_728 = arith.addi %mul3A_704, %add3A_727 : i32
      %get3A_729 = arith.index_cast %add3A_728 : i32 to index
      %get3A_730 = tpu.vector_load %arg5[%get3A_729] {strides = array<i32>} : memref<32768xf32, #tpu.memory_space<vmem>>, vector<16xf32>,
      %get3A_731 = vector.shape_cast %get3A_730 : vector<16xf32> to vector<16xf32>
      %gt3A_732 = arith.cmpf ogt, %get3A_731, %scan3A_689 : vector<16xf32>
      %max3A_733 = arith.maximumf %get3A_731, %scan3A_689 : vector<16xf32>
      %select_n3A_734 = arith.select %gt3A_732, %broadcast_in_dim3A_702, %scan3A_697 : vector<16xi1>, vector<16xi32>
      %add3A_735 = arith.constant 64 : i32
      %add3A_736 = arith.addi %mul3A_704, %add3A_735 : i32
      %get3A_737 = arith.index_cast %add3A_736 : i32 to index
      %get3A_738 = tpu.vector_load %arg5[%get3A_737] {strides = array<i32>} : memref<32768xf32, #tpu.memory_space<vmem>>, vector<16xf32>,
      %get3A_739 = vector.shape_cast %get3A_738 : vector<16xf32> to vector<16xf32>
      %gt3A_740 = arith.cmpf ogt, %get3A_739, %scan3A_690 : vector<16xf32>
      %max3A_741 = arith.maximumf %get3A_739, %scan3A_690 : vector<16xf32>
      %select_n3A_742 = arith.select %gt3A_740, %broadcast_in_dim3A_702, %scan3A_698 : vector<16xi1>, vector<16xi32>
      %add3A_743 = arith.constant 80 : i32
      %add3A_744 = arith.addi %mul3A_704, %add3A_743 : i32
      %get3A_745 = arith.index_cast %add3A_744 : i32 to index
      %get3A_746 = tpu.vector_load %arg5[%get3A_745] {strides = array<i32>} : memref<32768xf32, #tpu.memory_space<vmem>>, vector<16xf32>,
      %get3A_747 = vector.shape_cast %get3A_746 : vector<16xf32> to vector<16xf32>
      %gt3A_748 = arith.cmpf ogt, %get3A_747, %scan3A_691 : vector<16xf32>
      %max3A_749 = arith.maximumf %get3A_747, %scan3A_691 : vector<16xf32>
      %select_n3A_750 = arith.select %gt3A_748, %broadcast_in_dim3A_702, %scan3A_699 : vector<16xi1>, vector<16xi32>
      %add3A_751 = arith.constant 96 : i32
      %add3A_752 = arith.addi %mul3A_704, %add3A_751 : i32
      %get3A_753 = arith.index_cast %add3A_752 : i32 to index
      %get3A_754 = tpu.vector_load %arg5[%get3A_753] {strides = array<i32>} : memref<32768xf32, #tpu.memory_space<vmem>>, vector<16xf32>,
      %get3A_755 = vector.shape_cast %get3A_754 : vector<16xf32> to vector<16xf32>
      %gt3A_756 = arith.cmpf ogt, %get3A_755, %scan3A_692 : vector<16xf32>
      %max3A_757 = arith.maximumf %get3A_755, %scan3A_692 : vector<16xf32>
      %select_n3A_758 = arith.select %gt3A_756, %broadcast_in_dim3A_702, %scan3A_700 : vector<16xi1>, vector<16xi32>
      %add3A_759 = arith.constant 112 : i32
      %add3A_760 = arith.addi %mul3A_704, %add3A_759 : i32
      %get3A_761 = arith.index_cast %add3A_760 : i32 to index
      %get3A_762 = tpu.vector_load %arg5[%get3A_761] {strides = array<i32>} : memref<32768xf32, #tpu.memory_space<vmem>>, vector<16xf32>,
      %get3A_763 = vector.shape_cast %get3A_762 : vector<16xf32> to vector<16xf32>
      %gt3A_764 = arith.cmpf ogt, %get3A_763, %scan3A_693 : vector<16xf32>
      %max3A_765 = arith.maximumf %get3A_763, %scan3A_693 : vector<16xf32>
      %select_n3A_766 = arith.select %gt3A_764, %broadcast_in_dim3A_702, %scan3A_701 : vector<16xi1>, vector<16xi32>
      scf.yield %max3A, %max3A_717, %max3A_725, %max3A_733, %max3A_741, %max3A_749, %max3A_757, %max3A_765, %select_n3A_710, %select_n3A_718, %select_n3A_726, %select_n3A_734, %select_n3A_742, %select_n3A_750, %select_n3A_758, %select_n3A_766 : vector<16xf32>, vector<16xf32>, vector<16xf32>, vector<16xf32>, vector<16xf32>, vector<16xf32>, vector<16xf32>, vector<16xf32>, vector<16xi32>, vector<16xi32>, vector<16xi32>, vector<16xi32>, vector<16xi32>, vector<16xi32>, vector<16xi32>, vector<16xi32>
    }
    %scan3A_130 = arith.constant 64 : i32
    %dma_wait3A_131 = arith.constant 16384 : i32
    %dma_wait3A_132 = tpu.memref_slice %arg5[%dma_wait3A_131] : memref<32768xf32, #tpu.memory_space<vmem>> -> memref<8192xf32, #tpu.memory_space<vmem>>
    %dma_wait3A_133 = arith.constant 16384 : i32
    %dma_wait3A_134 = tpu.memref_slice %arg2[%add3A_27, %dma_wait3A_133] : memref<64x32768xf32, #tpu.memory_space<hbm>> -> memref<1x8192xf32, #tpu.memory_space<hbm>>
    %dma_wait3A_135 = tpu.memref_squeeze %dma_wait3A_134 : memref<1x8192xf32, #tpu.memory_space<hbm>> -> memref<8192xf32, #tpu.memory_space<hbm>>
    %dma_wait3A_136 = arith.constant 16384 : i32
    %dma_wait3A_137 = tpu.memref_slice %arg5[%dma_wait3A_136] : memref<32768xf32, #tpu.memory_space<vmem>> -> memref<8192xf32, #tpu.memory_space<vmem>>
    %dma_wait3A_138 = arith.constant 16384 : i32
    %dma_wait3A_139 = tpu.memref_slice %arg2[%add3A_27, %dma_wait3A_138] : memref<64x32768xf32, #tpu.memory_space<hbm>> -> memref<1x8192xf32, #tpu.memory_space<hbm>>
    %dma_wait3A_140 = tpu.memref_squeeze %dma_wait3A_139 : memref<1x8192xf32, #tpu.memory_space<hbm>> -> memref<8192xf32, #tpu.memory_space<hbm>>
    tpu.wait_dma2 semaphore(%arg17 : memref<!tpu.dma_semaphore, #tpu.memory_space<semaphore_mem>>) src(%dma_wait3A_140 : memref<8192xf32, #tpu.memory_space<hbm>>) dst(%dma_wait3A_137 : memref<8192xf32, #tpu.memory_space<vmem>>)
    %scan3A_141 = arith.constant 128 : i32
    %scan3A_142 = arith.constant 64 : i32
    %scan3A_143 = arith.addi %scan3A_141, %scan3A_142 : i32
    %scan3A_144 = arith.constant 1 : i32
    %scan3A_145:16 = scf.for %scan3A_685 = %scan3A_141 to %scan3A_143 step %scan3A_144 iter_args(%scan3A_686 = %scan3A_129#0, %scan3A_687 = %scan3A_129#1, %scan3A_688 = %scan3A_129#2, %scan3A_689 = %scan3A_129#3, %scan3A_690 = %scan3A_129#4, %scan3A_691 = %scan3A_129#5, %scan3A_692 = %scan3A_129#6, %scan3A_693 = %scan3A_129#7, %scan3A_694 = %scan3A_129#8, %scan3A_695 = %scan3A_129#9, %scan3A_696 = %scan3A_129#10, %scan3A_697 = %scan3A_129#11, %scan3A_698 = %scan3A_129#12, %scan3A_699 = %scan3A_129#13, %scan3A_700 = %scan3A_129#14, %scan3A_701 = %scan3A_129#15) -> (vector<16xf32>, vector<16xf32>, vector<16xf32>, vector<16xf32>, vector<16xf32>, vector<16xf32>, vector<16xf32>, vector<16xf32>, vector<16xi32>, vector<16xi32>, vector<16xi32>, vector<16xi32>, vector<16xi32>, vector<16xi32>, vector<16xi32>, vector<16xi32>)  : i32 {
      %broadcast_in_dim3A_702 = vector.broadcast %scan3A_685 : i32 to vector<16xi32>
      %mul3A_703 = arith.constant 128 : i32
      %mul3A_704 = arith.muli %scan3A_685, %mul3A_703 : i32
      %add3A_705 = arith.constant 0 : i32
      %add3A_706 = arith.addi %mul3A_704, %add3A_705 : i32
      %get3A = arith.index_cast %add3A_706 : i32 to index
      %get3A_707 = tpu.vector_load %arg5[%get3A] {strides = array<i32>} : memref<32768xf32, #tpu.memory_space<vmem>>, vector<16xf32>,
      %get3A_708 = vector.shape_cast %get3A_707 : vector<16xf32> to vector<16xf32>
      %gt3A_709 = arith.cmpf ogt, %get3A_708, %scan3A_686 : vector<16xf32>
      %max3A = arith.maximumf %get3A_708, %scan3A_686 : vector<16xf32>
      %select_n3A_710 = arith.select %gt3A_709, %broadcast_in_dim3A_702, %scan3A_694 : vector<16xi1>, vector<16xi32>
      %add3A_711 = arith.constant 16 : i32
      %add3A_712 = arith.addi %mul3A_704, %add3A_711 : i32
      %get3A_713 = arith.index_cast %add3A_712 : i32 to index
      %get3A_714 = tpu.vector_load %arg5[%get3A_713] {strides = array<i32>} : memref<32768xf32, #tpu.memory_space<vmem>>, vector<16xf32>,
      %get3A_715 = vector.shape_cast %get3A_714 : vector<16xf32> to vector<16xf32>
      %gt3A_716 = arith.cmpf ogt, %get3A_715, %scan3A_687 : vector<16xf32>
      %max3A_717 = arith.maximumf %get3A_715, %scan3A_687 : vector<16xf32>
      %select_n3A_718 = arith.select %gt3A_716, %broadcast_in_dim3A_702, %scan3A_695 : vector<16xi1>, vector<16xi32>
      %add3A_719 = arith.constant 32 : i32
      %add3A_720 = arith.addi %mul3A_704, %add3A_719 : i32
      %get3A_721 = arith.index_cast %add3A_720 : i32 to index
      %get3A_722 = tpu.vector_load %arg5[%get3A_721] {strides = array<i32>} : memref<32768xf32, #tpu.memory_space<vmem>>, vector<16xf32>,
      %get3A_723 = vector.shape_cast %get3A_722 : vector<16xf32> to vector<16xf32>
      %gt3A_724 = arith.cmpf ogt, %get3A_723, %scan3A_688 : vector<16xf32>
      %max3A_725 = arith.maximumf %get3A_723, %scan3A_688 : vector<16xf32>
      %select_n3A_726 = arith.select %gt3A_724, %broadcast_in_dim3A_702, %scan3A_696 : vector<16xi1>, vector<16xi32>
      %add3A_727 = arith.constant 48 : i32
      %add3A_728 = arith.addi %mul3A_704, %add3A_727 : i32
      %get3A_729 = arith.index_cast %add3A_728 : i32 to index
      %get3A_730 = tpu.vector_load %arg5[%get3A_729] {strides = array<i32>} : memref<32768xf32, #tpu.memory_space<vmem>>, vector<16xf32>,
      %get3A_731 = vector.shape_cast %get3A_730 : vector<16xf32> to vector<16xf32>
      %gt3A_732 = arith.cmpf ogt, %get3A_731, %scan3A_689 : vector<16xf32>
      %max3A_733 = arith.maximumf %get3A_731, %scan3A_689 : vector<16xf32>
      %select_n3A_734 = arith.select %gt3A_732, %broadcast_in_dim3A_702, %scan3A_697 : vector<16xi1>, vector<16xi32>
      %add3A_735 = arith.constant 64 : i32
      %add3A_736 = arith.addi %mul3A_704, %add3A_735 : i32
      %get3A_737 = arith.index_cast %add3A_736 : i32 to index
      %get3A_738 = tpu.vector_load %arg5[%get3A_737] {strides = array<i32>} : memref<32768xf32, #tpu.memory_space<vmem>>, vector<16xf32>,
      %get3A_739 = vector.shape_cast %get3A_738 : vector<16xf32> to vector<16xf32>
      %gt3A_740 = arith.cmpf ogt, %get3A_739, %scan3A_690 : vector<16xf32>
      %max3A_741 = arith.maximumf %get3A_739, %scan3A_690 : vector<16xf32>
      %select_n3A_742 = arith.select %gt3A_740, %broadcast_in_dim3A_702, %scan3A_698 : vector<16xi1>, vector<16xi32>
      %add3A_743 = arith.constant 80 : i32
      %add3A_744 = arith.addi %mul3A_704, %add3A_743 : i32
      %get3A_745 = arith.index_cast %add3A_744 : i32 to index
      %get3A_746 = tpu.vector_load %arg5[%get3A_745] {strides = array<i32>} : memref<32768xf32, #tpu.memory_space<vmem>>, vector<16xf32>,
      %get3A_747 = vector.shape_cast %get3A_746 : vector<16xf32> to vector<16xf32>
      %gt3A_748 = arith.cmpf ogt, %get3A_747, %scan3A_691 : vector<16xf32>
      %max3A_749 = arith.maximumf %get3A_747, %scan3A_691 : vector<16xf32>
      %select_n3A_750 = arith.select %gt3A_748, %broadcast_in_dim3A_702, %scan3A_699 : vector<16xi1>, vector<16xi32>
      %add3A_751 = arith.constant 96 : i32
      %add3A_752 = arith.addi %mul3A_704, %add3A_751 : i32
      %get3A_753 = arith.index_cast %add3A_752 : i32 to index
      %get3A_754 = tpu.vector_load %arg5[%get3A_753] {strides = array<i32>} : memref<32768xf32, #tpu.memory_space<vmem>>, vector<16xf32>,
      %get3A_755 = vector.shape_cast %get3A_754 : vector<16xf32> to vector<16xf32>
      %gt3A_756 = arith.cmpf ogt, %get3A_755, %scan3A_692 : vector<16xf32>
      %max3A_757 = arith.maximumf %get3A_755, %scan3A_692 : vector<16xf32>
      %select_n3A_758 = arith.select %gt3A_756, %broadcast_in_dim3A_702, %scan3A_700 : vector<16xi1>, vector<16xi32>
      %add3A_759 = arith.constant 112 : i32
      %add3A_760 = arith.addi %mul3A_704, %add3A_759 : i32
      %get3A_761 = arith.index_cast %add3A_760 : i32 to index
      %get3A_762 = tpu.vector_load %arg5[%get3A_761] {strides = array<i32>} : memref<32768xf32, #tpu.memory_space<vmem>>, vector<16xf32>,
      %get3A_763 = vector.shape_cast %get3A_762 : vector<16xf32> to vector<16xf32>
      %gt3A_764 = arith.cmpf ogt, %get3A_763, %scan3A_693 : vector<16xf32>
      %max3A_765 = arith.maximumf %get3A_763, %scan3A_693 : vector<16xf32>
      %select_n3A_766 = arith.select %gt3A_764, %broadcast_in_dim3A_702, %scan3A_701 : vector<16xi1>, vector<16xi32>
      scf.yield %max3A, %max3A_717, %max3A_725, %max3A_733, %max3A_741, %max3A_749, %max3A_757, %max3A_765, %select_n3A_710, %select_n3A_718, %select_n3A_726, %select_n3A_734, %select_n3A_742, %select_n3A_750, %select_n3A_758, %select_n3A_766 : vector<16xf32>, vector<16xf32>, vector<16xf32>, vector<16xf32>, vector<16xf32>, vector<16xf32>, vector<16xf32>, vector<16xf32>, vector<16xi32>, vector<16xi32>, vector<16xi32>, vector<16xi32>, vector<16xi32>, vector<16xi32>, vector<16xi32>, vector<16xi32>
    }
    %scan3A_146 = arith.constant 64 : i32
    %dma_wait3A_147 = arith.constant 24576 : i32
    %dma_wait3A_148 = tpu.memref_slice %arg5[%dma_wait3A_147] : memref<32768xf32, #tpu.memory_space<vmem>> -> memref<8192xf32, #tpu.memory_space<vmem>>
    %dma_wait3A_149 = arith.constant 24576 : i32
    %dma_wait3A_150 = tpu.memref_slice %arg2[%add3A_39, %dma_wait3A_149] : memref<64x32768xf32, #tpu.memory_space<hbm>> -> memref<1x8192xf32, #tpu.memory_space<hbm>>
    %dma_wait3A_151 = tpu.memref_squeeze %dma_wait3A_150 : memref<1x8192xf32, #tpu.memory_space<hbm>> -> memref<8192xf32, #tpu.memory_space<hbm>>
    %dma_wait3A_152 = arith.constant 24576 : i32
    %dma_wait3A_153 = tpu.memref_slice %arg5[%dma_wait3A_152] : memref<32768xf32, #tpu.memory_space<vmem>> -> memref<8192xf32, #tpu.memory_space<vmem>>
    %dma_wait3A_154 = arith.constant 24576 : i32
    %dma_wait3A_155 = tpu.memref_slice %arg2[%add3A_39, %dma_wait3A_154] : memref<64x32768xf32, #tpu.memory_space<hbm>> -> memref<1x8192xf32, #tpu.memory_space<hbm>>
    %dma_wait3A_156 = tpu.memref_squeeze %dma_wait3A_155 : memref<1x8192xf32, #tpu.memory_space<hbm>> -> memref<8192xf32, #tpu.memory_space<hbm>>
    tpu.wait_dma2 semaphore(%arg18 : memref<!tpu.dma_semaphore, #tpu.memory_space<semaphore_mem>>) src(%dma_wait3A_156 : memref<8192xf32, #tpu.memory_space<hbm>>) dst(%dma_wait3A_153 : memref<8192xf32, #tpu.memory_space<vmem>>)
    %scan3A_157 = arith.constant 192 : i32
    %scan3A_158 = arith.constant 64 : i32
    %scan3A_159 = arith.addi %scan3A_157, %scan3A_158 : i32
    %scan3A_160 = arith.constant 1 : i32
    %scan3A_161:16 = scf.for %scan3A_685 = %scan3A_157 to %scan3A_159 step %scan3A_160 iter_args(%scan3A_686 = %scan3A_145#0, %scan3A_687 = %scan3A_145#1, %scan3A_688 = %scan3A_145#2, %scan3A_689 = %scan3A_145#3, %scan3A_690 = %scan3A_145#4, %scan3A_691 = %scan3A_145#5, %scan3A_692 = %scan3A_145#6, %scan3A_693 = %scan3A_145#7, %scan3A_694 = %scan3A_145#8, %scan3A_695 = %scan3A_145#9, %scan3A_696 = %scan3A_145#10, %scan3A_697 = %scan3A_145#11, %scan3A_698 = %scan3A_145#12, %scan3A_699 = %scan3A_145#13, %scan3A_700 = %scan3A_145#14, %scan3A_701 = %scan3A_145#15) -> (vector<16xf32>, vector<16xf32>, vector<16xf32>, vector<16xf32>, vector<16xf32>, vector<16xf32>, vector<16xf32>, vector<16xf32>, vector<16xi32>, vector<16xi32>, vector<16xi32>, vector<16xi32>, vector<16xi32>, vector<16xi32>, vector<16xi32>, vector<16xi32>)  : i32 {
      %broadcast_in_dim3A_702 = vector.broadcast %scan3A_685 : i32 to vector<16xi32>
      %mul3A_703 = arith.constant 128 : i32
      %mul3A_704 = arith.muli %scan3A_685, %mul3A_703 : i32
      %add3A_705 = arith.constant 0 : i32
      %add3A_706 = arith.addi %mul3A_704, %add3A_705 : i32
      %get3A = arith.index_cast %add3A_706 : i32 to index
      %get3A_707 = tpu.vector_load %arg5[%get3A] {strides = array<i32>} : memref<32768xf32, #tpu.memory_space<vmem>>, vector<16xf32>,
      %get3A_708 = vector.shape_cast %get3A_707 : vector<16xf32> to vector<16xf32>
      %gt3A_709 = arith.cmpf ogt, %get3A_708, %scan3A_686 : vector<16xf32>
      %max3A = arith.maximumf %get3A_708, %scan3A_686 : vector<16xf32>
      %select_n3A_710 = arith.select %gt3A_709, %broadcast_in_dim3A_702, %scan3A_694 : vector<16xi1>, vector<16xi32>
      %add3A_711 = arith.constant 16 : i32
      %add3A_712 = arith.addi %mul3A_704, %add3A_711 : i32
      %get3A_713 = arith.index_cast %add3A_712 : i32 to index
      %get3A_714 = tpu.vector_load %arg5[%get3A_713] {strides = array<i32>} : memref<32768xf32, #tpu.memory_space<vmem>>, vector<16xf32>,
      %get3A_715 = vector.shape_cast %get3A_714 : vector<16xf32> to vector<16xf32>
      %gt3A_716 = arith.cmpf ogt, %get3A_715, %scan3A_687 : vector<16xf32>
      %max3A_717 = arith.maximumf %get3A_715, %scan3A_687 : vector<16xf32>
      %select_n3A_718 = arith.select %gt3A_716, %broadcast_in_dim3A_702, %scan3A_695 : vector<16xi1>, vector<16xi32>
      %add3A_719 = arith.constant 32 : i32
      %add3A_720 = arith.addi %mul3A_704, %add3A_719 : i32
      %get3A_721 = arith.index_cast %add3A_720 : i32 to index
      %get3A_722 = tpu.vector_load %arg5[%get3A_721] {strides = array<i32>} : memref<32768xf32, #tpu.memory_space<vmem>>, vector<16xf32>,
      %get3A_723 = vector.shape_cast %get3A_722 : vector<16xf32> to vector<16xf32>
      %gt3A_724 = arith.cmpf ogt, %get3A_723, %scan3A_688 : vector<16xf32>
      %max3A_725 = arith.maximumf %get3A_723, %scan3A_688 : vector<16xf32>
      %select_n3A_726 = arith.select %gt3A_724, %broadcast_in_dim3A_702, %scan3A_696 : vector<16xi1>, vector<16xi32>
      %add3A_727 = arith.constant 48 : i32
      %add3A_728 = arith.addi %mul3A_704, %add3A_727 : i32
      %get3A_729 = arith.index_cast %add3A_728 : i32 to index
      %get3A_730 = tpu.vector_load %arg5[%get3A_729] {strides = array<i32>} : memref<32768xf32, #tpu.memory_space<vmem>>, vector<16xf32>,
      %get3A_731 = vector.shape_cast %get3A_730 : vector<16xf32> to vector<16xf32>
      %gt3A_732 = arith.cmpf ogt, %get3A_731, %scan3A_689 : vector<16xf32>
      %max3A_733 = arith.maximumf %get3A_731, %scan3A_689 : vector<16xf32>
      %select_n3A_734 = arith.select %gt3A_732, %broadcast_in_dim3A_702, %scan3A_697 : vector<16xi1>, vector<16xi32>
      %add3A_735 = arith.constant 64 : i32
      %add3A_736 = arith.addi %mul3A_704, %add3A_735 : i32
      %get3A_737 = arith.index_cast %add3A_736 : i32 to index
      %get3A_738 = tpu.vector_load %arg5[%get3A_737] {strides = array<i32>} : memref<32768xf32, #tpu.memory_space<vmem>>, vector<16xf32>,
      %get3A_739 = vector.shape_cast %get3A_738 : vector<16xf32> to vector<16xf32>
      %gt3A_740 = arith.cmpf ogt, %get3A_739, %scan3A_690 : vector<16xf32>
      %max3A_741 = arith.maximumf %get3A_739, %scan3A_690 : vector<16xf32>
      %select_n3A_742 = arith.select %gt3A_740, %broadcast_in_dim3A_702, %scan3A_698 : vector<16xi1>, vector<16xi32>
      %add3A_743 = arith.constant 80 : i32
      %add3A_744 = arith.addi %mul3A_704, %add3A_743 : i32
      %get3A_745 = arith.index_cast %add3A_744 : i32 to index
      %get3A_746 = tpu.vector_load %arg5[%get3A_745] {strides = array<i32>} : memref<32768xf32, #tpu.memory_space<vmem>>, vector<16xf32>,
      %get3A_747 = vector.shape_cast %get3A_746 : vector<16xf32> to vector<16xf32>
      %gt3A_748 = arith.cmpf ogt, %get3A_747, %scan3A_691 : vector<16xf32>
      %max3A_749 = arith.maximumf %get3A_747, %scan3A_691 : vector<16xf32>
      %select_n3A_750 = arith.select %gt3A_748, %broadcast_in_dim3A_702, %scan3A_699 : vector<16xi1>, vector<16xi32>
      %add3A_751 = arith.constant 96 : i32
      %add3A_752 = arith.addi %mul3A_704, %add3A_751 : i32
      %get3A_753 = arith.index_cast %add3A_752 : i32 to index
      %get3A_754 = tpu.vector_load %arg5[%get3A_753] {strides = array<i32>} : memref<32768xf32, #tpu.memory_space<vmem>>, vector<16xf32>,
      %get3A_755 = vector.shape_cast %get3A_754 : vector<16xf32> to vector<16xf32>
      %gt3A_756 = arith.cmpf ogt, %get3A_755, %scan3A_692 : vector<16xf32>
      %max3A_757 = arith.maximumf %get3A_755, %scan3A_692 : vector<16xf32>
      %select_n3A_758 = arith.select %gt3A_756, %broadcast_in_dim3A_702, %scan3A_700 : vector<16xi1>, vector<16xi32>
      %add3A_759 = arith.constant 112 : i32
      %add3A_760 = arith.addi %mul3A_704, %add3A_759 : i32
      %get3A_761 = arith.index_cast %add3A_760 : i32 to index
      %get3A_762 = tpu.vector_load %arg5[%get3A_761] {strides = array<i32>} : memref<32768xf32, #tpu.memory_space<vmem>>, vector<16xf32>,
      %get3A_763 = vector.shape_cast %get3A_762 : vector<16xf32> to vector<16xf32>
      %gt3A_764 = arith.cmpf ogt, %get3A_763, %scan3A_693 : vector<16xf32>
      %max3A_765 = arith.maximumf %get3A_763, %scan3A_693 : vector<16xf32>
      %select_n3A_766 = arith.select %gt3A_764, %broadcast_in_dim3A_702, %scan3A_701 : vector<16xi1>, vector<16xi32>
      scf.yield %max3A, %max3A_717, %max3A_725, %max3A_733, %max3A_741, %max3A_749, %max3A_757, %max3A_765, %select_n3A_710, %select_n3A_718, %select_n3A_726, %select_n3A_734, %select_n3A_742, %select_n3A_750, %select_n3A_758, %select_n3A_766 : vector<16xf32>, vector<16xf32>, vector<16xf32>, vector<16xf32>, vector<16xf32>, vector<16xf32>, vector<16xf32>, vector<16xf32>, vector<16xi32>, vector<16xi32>, vector<16xi32>, vector<16xi32>, vector<16xi32>, vector<16xi32>, vector<16xi32>, vector<16xi32>
    }
    %scan3A_162 = arith.constant 64 : i32
    %mul3A_163 = arith.constant 128 : i32
    %mul3A_164 = vector.broadcast %mul3A_163 : i32 to vector<16xi32>
    %mul3A_165 = arith.muli %scan3A_161#8, %mul3A_164 : vector<16xi32>
    %add3A_166 = arith.addi %mul3A_165, %iota3A : vector<16xi32>
    %mul3A_167 = arith.constant 128 : i32
    %mul3A_168 = vector.broadcast %mul3A_167 : i32 to vector<16xi32>
    %mul3A_169 = arith.muli %scan3A_161#9, %mul3A_168 : vector<16xi32>
    %add3A_170 = arith.constant 16 : i32
    %add3A_171 = vector.broadcast %add3A_170 : i32 to vector<16xi32>
    %add3A_172 = arith.addi %iota3A, %add3A_171 : vector<16xi32>
    %add3A_173 = arith.addi %mul3A_169, %add3A_172 : vector<16xi32>
    %gt3A = arith.cmpf ogt, %scan3A_161#1, %scan3A_161#0 : vector<16xf32>
    %eq3A = arith.cmpf oeq, %scan3A_161#1, %scan3A_161#0 : vector<16xf32>
    %lt3A = arith.cmpi slt, %add3A_173, %add3A_166 : vector<16xi32>
    %and3A = arith.andi %eq3A, %lt3A : vector<16xi1>
    %or3A = arith.ori %gt3A, %and3A : vector<16xi1>
    %select_n3A = arith.select %or3A, %scan3A_161#1, %scan3A_161#0 : vector<16xi1>, vector<16xf32>
    %select_n3A_174 = arith.select %or3A, %add3A_173, %add3A_166 : vector<16xi1>, vector<16xi32>
    %mul3A_175 = arith.constant 128 : i32
    %mul3A_176 = vector.broadcast %mul3A_175 : i32 to vector<16xi32>
    %mul3A_177 = arith.muli %scan3A_161#10, %mul3A_176 : vector<16xi32>
    %add3A_178 = arith.constant 32 : i32
    %add3A_179 = vector.broadcast %add3A_178 : i32 to vector<16xi32>
    %add3A_180 = arith.addi %iota3A, %add3A_179 : vector<16xi32>
    %add3A_181 = arith.addi %mul3A_177, %add3A_180 : vector<16xi32>
    %gt3A_182 = arith.cmpf ogt, %scan3A_161#2, %select_n3A : vector<16xf32>
    %eq3A_183 = arith.cmpf oeq, %scan3A_161#2, %select_n3A : vector<16xf32>
    %lt3A_184 = arith.cmpi slt, %add3A_181, %select_n3A_174 : vector<16xi32>
    %and3A_185 = arith.andi %eq3A_183, %lt3A_184 : vector<16xi1>
    %or3A_186 = arith.ori %gt3A_182, %and3A_185 : vector<16xi1>
    %select_n3A_187 = arith.select %or3A_186, %scan3A_161#2, %select_n3A : vector<16xi1>, vector<16xf32>
    %select_n3A_188 = arith.select %or3A_186, %add3A_181, %select_n3A_174 : vector<16xi1>, vector<16xi32>
    %mul3A_189 = arith.constant 128 : i32
    %mul3A_190 = vector.broadcast %mul3A_189 : i32 to vector<16xi32>
    %mul3A_191 = arith.muli %scan3A_161#11, %mul3A_190 : vector<16xi32>
    %add3A_192 = arith.constant 48 : i32
    %add3A_193 = vector.broadcast %add3A_192 : i32 to vector<16xi32>
    %add3A_194 = arith.addi %iota3A, %add3A_193 : vector<16xi32>
    %add3A_195 = arith.addi %mul3A_191, %add3A_194 : vector<16xi32>
    %gt3A_196 = arith.cmpf ogt, %scan3A_161#3, %select_n3A_187 : vector<16xf32>
    %eq3A_197 = arith.cmpf oeq, %scan3A_161#3, %select_n3A_187 : vector<16xf32>
    %lt3A_198 = arith.cmpi slt, %add3A_195, %select_n3A_188 : vector<16xi32>
    %and3A_199 = arith.andi %eq3A_197, %lt3A_198 : vector<16xi1>
    %or3A_200 = arith.ori %gt3A_196, %and3A_199 : vector<16xi1>
    %select_n3A_201 = arith.select %or3A_200, %scan3A_161#3, %select_n3A_187 : vector<16xi1>, vector<16xf32>
    %select_n3A_202 = arith.select %or3A_200, %add3A_195, %select_n3A_188 : vector<16xi1>, vector<16xi32>
    %mul3A_203 = arith.constant 128 : i32
    %mul3A_204 = vector.broadcast %mul3A_203 : i32 to vector<16xi32>
    %mul3A_205 = arith.muli %scan3A_161#12, %mul3A_204 : vector<16xi32>
    %add3A_206 = arith.constant 64 : i32
    %add3A_207 = vector.broadcast %add3A_206 : i32 to vector<16xi32>
    %add3A_208 = arith.addi %iota3A, %add3A_207 : vector<16xi32>
    %add3A_209 = arith.addi %mul3A_205, %add3A_208 : vector<16xi32>
    %gt3A_210 = arith.cmpf ogt, %scan3A_161#4, %select_n3A_201 : vector<16xf32>
    %eq3A_211 = arith.cmpf oeq, %scan3A_161#4, %select_n3A_201 : vector<16xf32>
    %lt3A_212 = arith.cmpi slt, %add3A_209, %select_n3A_202 : vector<16xi32>
    %and3A_213 = arith.andi %eq3A_211, %lt3A_212 : vector<16xi1>
    %or3A_214 = arith.ori %gt3A_210, %and3A_213 : vector<16xi1>
    %select_n3A_215 = arith.select %or3A_214, %scan3A_161#4, %select_n3A_201 : vector<16xi1>, vector<16xf32>
    %select_n3A_216 = arith.select %or3A_214, %add3A_209, %select_n3A_202 : vector<16xi1>, vector<16xi32>
    %mul3A_217 = arith.constant 128 : i32
    %mul3A_218 = vector.broadcast %mul3A_217 : i32 to vector<16xi32>
    %mul3A_219 = arith.muli %scan3A_161#13, %mul3A_218 : vector<16xi32>
    %add3A_220 = arith.constant 80 : i32
    %add3A_221 = vector.broadcast %add3A_220 : i32 to vector<16xi32>
    %add3A_222 = arith.addi %iota3A, %add3A_221 : vector<16xi32>
    %add3A_223 = arith.addi %mul3A_219, %add3A_222 : vector<16xi32>
    %gt3A_224 = arith.cmpf ogt, %scan3A_161#5, %select_n3A_215 : vector<16xf32>
    %eq3A_225 = arith.cmpf oeq, %scan3A_161#5, %select_n3A_215 : vector<16xf32>
    %lt3A_226 = arith.cmpi slt, %add3A_223, %select_n3A_216 : vector<16xi32>
    %and3A_227 = arith.andi %eq3A_225, %lt3A_226 : vector<16xi1>
    %or3A_228 = arith.ori %gt3A_224, %and3A_227 : vector<16xi1>
    %select_n3A_229 = arith.select %or3A_228, %scan3A_161#5, %select_n3A_215 : vector<16xi1>, vector<16xf32>
    %select_n3A_230 = arith.select %or3A_228, %add3A_223, %select_n3A_216 : vector<16xi1>, vector<16xi32>
    %mul3A_231 = arith.constant 128 : i32
    %mul3A_232 = vector.broadcast %mul3A_231 : i32 to vector<16xi32>
    %mul3A_233 = arith.muli %scan3A_161#14, %mul3A_232 : vector<16xi32>
    %add3A_234 = arith.constant 96 : i32
    %add3A_235 = vector.broadcast %add3A_234 : i32 to vector<16xi32>
    %add3A_236 = arith.addi %iota3A, %add3A_235 : vector<16xi32>
    %add3A_237 = arith.addi %mul3A_233, %add3A_236 : vector<16xi32>
    %gt3A_238 = arith.cmpf ogt, %scan3A_161#6, %select_n3A_229 : vector<16xf32>
    %eq3A_239 = arith.cmpf oeq, %scan3A_161#6, %select_n3A_229 : vector<16xf32>
    %lt3A_240 = arith.cmpi slt, %add3A_237, %select_n3A_230 : vector<16xi32>
    %and3A_241 = arith.andi %eq3A_239, %lt3A_240 : vector<16xi1>
    %or3A_242 = arith.ori %gt3A_238, %and3A_241 : vector<16xi1>
    %select_n3A_243 = arith.select %or3A_242, %scan3A_161#6, %select_n3A_229 : vector<16xi1>, vector<16xf32>
    %select_n3A_244 = arith.select %or3A_242, %add3A_237, %select_n3A_230 : vector<16xi1>, vector<16xi32>
    %mul3A_245 = arith.constant 128 : i32
    %mul3A_246 = vector.broadcast %mul3A_245 : i32 to vector<16xi32>
    %mul3A_247 = arith.muli %scan3A_161#15, %mul3A_246 : vector<16xi32>
    %add3A_248 = arith.constant 112 : i32
    %add3A_249 = vector.broadcast %add3A_248 : i32 to vector<16xi32>
    %add3A_250 = arith.addi %iota3A, %add3A_249 : vector<16xi32>
    %add3A_251 = arith.addi %mul3A_247, %add3A_250 : vector<16xi32>
    %gt3A_252 = arith.cmpf ogt, %scan3A_161#7, %select_n3A_243 : vector<16xf32>
    %eq3A_253 = arith.cmpf oeq, %scan3A_161#7, %select_n3A_243 : vector<16xf32>
    %lt3A_254 = arith.cmpi slt, %add3A_251, %select_n3A_244 : vector<16xi32>
    %and3A_255 = arith.andi %eq3A_253, %lt3A_254 : vector<16xi1>
    %or3A_256 = arith.ori %gt3A_252, %and3A_255 : vector<16xi1>
    %select_n3A_257 = arith.select %or3A_256, %scan3A_161#7, %select_n3A_243 : vector<16xi1>, vector<16xf32>
    %select_n3A_258 = arith.select %or3A_256, %add3A_251, %select_n3A_244 : vector<16xi1>, vector<16xi32>
    %xor3A = arith.constant 8 : i32
    %xor3A_259 = vector.broadcast %xor3A : i32 to vector<16xi32>
    %xor3A_260 = arith.xori %iota3A, %xor3A_259 : vector<16xi32>
    %lt3A_261 = arith.constant 0 : i32
    %lt3A_262 = vector.broadcast %lt3A_261 : i32 to vector<16xi32>
    %lt3A_263 = arith.cmpi slt, %xor3A_260, %lt3A_262 : vector<16xi32>
    %add3A_264 = arith.constant 16 : i32
    %add3A_265 = vector.broadcast %add3A_264 : i32 to vector<16xi32>
    %add3A_266 = arith.addi %xor3A_260, %add3A_265 : vector<16xi32>
    %select_n3A_267 = arith.select %lt3A_263, %add3A_266, %xor3A_260 : vector<16xi1>, vector<16xi32>
    %broadcast_in_dim3A_268 = vector.shape_cast %select_n3A_267 : vector<16xi32> to vector<16x1xi32>
    %gather3A = vector.shape_cast %broadcast_in_dim3A_268 : vector<16x1xi32> to vector<16xi32>
    %gather3A_269 = tpu.dynamic_gather %select_n3A_257[%gather3A] in [0] : vector<16xf32>, vector<16xi32> -> vector<16xf32>
    %lt3A_270 = arith.constant 0 : i32
    %lt3A_271 = vector.broadcast %lt3A_270 : i32 to vector<16xi32>
    %lt3A_272 = arith.cmpi slt, %xor3A_260, %lt3A_271 : vector<16xi32>
    %add3A_273 = arith.constant 16 : i32
    %add3A_274 = vector.broadcast %add3A_273 : i32 to vector<16xi32>
    %add3A_275 = arith.addi %xor3A_260, %add3A_274 : vector<16xi32>
    %select_n3A_276 = arith.select %lt3A_272, %add3A_275, %xor3A_260 : vector<16xi1>, vector<16xi32>
    %broadcast_in_dim3A_277 = vector.shape_cast %select_n3A_276 : vector<16xi32> to vector<16x1xi32>
    %gather3A_278 = vector.shape_cast %broadcast_in_dim3A_277 : vector<16x1xi32> to vector<16xi32>
    %gather3A_279 = tpu.dynamic_gather %select_n3A_258[%gather3A_278] in [0] : vector<16xi32>, vector<16xi32> -> vector<16xi32>
    %gt3A_280 = arith.cmpf ogt, %gather3A_269, %select_n3A_257 : vector<16xf32>
    %eq3A_281 = arith.cmpf oeq, %gather3A_269, %select_n3A_257 : vector<16xf32>
    %lt3A_282 = arith.cmpi slt, %gather3A_279, %select_n3A_258 : vector<16xi32>
    %and3A_283 = arith.andi %eq3A_281, %lt3A_282 : vector<16xi1>
    %or3A_284 = arith.ori %gt3A_280, %and3A_283 : vector<16xi1>
    %select_n3A_285 = arith.select %or3A_284, %gather3A_269, %select_n3A_257 : vector<16xi1>, vector<16xf32>
    %select_n3A_286 = arith.select %or3A_284, %gather3A_279, %select_n3A_258 : vector<16xi1>, vector<16xi32>
    %xor3A_287 = arith.constant 4 : i32
    %xor3A_288 = vector.broadcast %xor3A_287 : i32 to vector<16xi32>
    %xor3A_289 = arith.xori %iota3A, %xor3A_288 : vector<16xi32>
    %lt3A_290 = arith.constant 0 : i32
    %lt3A_291 = vector.broadcast %lt3A_290 : i32 to vector<16xi32>
    %lt3A_292 = arith.cmpi slt, %xor3A_289, %lt3A_291 : vector<16xi32>
    %add3A_293 = arith.constant 16 : i32
    %add3A_294 = vector.broadcast %add3A_293 : i32 to vector<16xi32>
    %add3A_295 = arith.addi %xor3A_289, %add3A_294 : vector<16xi32>
    %select_n3A_296 = arith.select %lt3A_292, %add3A_295, %xor3A_289 : vector<16xi1>, vector<16xi32>
    %broadcast_in_dim3A_297 = vector.shape_cast %select_n3A_296 : vector<16xi32> to vector<16x1xi32>
    %gather3A_298 = vector.shape_cast %broadcast_in_dim3A_297 : vector<16x1xi32> to vector<16xi32>
    %gather3A_299 = tpu.dynamic_gather %select_n3A_285[%gather3A_298] in [0] : vector<16xf32>, vector<16xi32> -> vector<16xf32>
    %lt3A_300 = arith.constant 0 : i32
    %lt3A_301 = vector.broadcast %lt3A_300 : i32 to vector<16xi32>
    %lt3A_302 = arith.cmpi slt, %xor3A_289, %lt3A_301 : vector<16xi32>
    %add3A_303 = arith.constant 16 : i32
    %add3A_304 = vector.broadcast %add3A_303 : i32 to vector<16xi32>
    %add3A_305 = arith.addi %xor3A_289, %add3A_304 : vector<16xi32>
    %select_n3A_306 = arith.select %lt3A_302, %add3A_305, %xor3A_289 : vector<16xi1>, vector<16xi32>
    %broadcast_in_dim3A_307 = vector.shape_cast %select_n3A_306 : vector<16xi32> to vector<16x1xi32>
    %gather3A_308 = vector.shape_cast %broadcast_in_dim3A_307 : vector<16x1xi32> to vector<16xi32>
    %gather3A_309 = tpu.dynamic_gather %select_n3A_286[%gather3A_308] in [0] : vector<16xi32>, vector<16xi32> -> vector<16xi32>
    %gt3A_310 = arith.cmpf ogt, %gather3A_299, %select_n3A_285 : vector<16xf32>
    %eq3A_311 = arith.cmpf oeq, %gather3A_299, %select_n3A_285 : vector<16xf32>
    %lt3A_312 = arith.cmpi slt, %gather3A_309, %select_n3A_286 : vector<16xi32>
    %and3A_313 = arith.andi %eq3A_311, %lt3A_312 : vector<16xi1>
    %or3A_314 = arith.ori %gt3A_310, %and3A_313 : vector<16xi1>
    %select_n3A_315 = arith.select %or3A_314, %gather3A_299, %select_n3A_285 : vector<16xi1>, vector<16xf32>
    %select_n3A_316 = arith.select %or3A_314, %gather3A_309, %select_n3A_286 : vector<16xi1>, vector<16xi32>
    %xor3A_317 = arith.constant 2 : i32
    %xor3A_318 = vector.broadcast %xor3A_317 : i32 to vector<16xi32>
    %xor3A_319 = arith.xori %iota3A, %xor3A_318 : vector<16xi32>
    %lt3A_320 = arith.constant 0 : i32
    %lt3A_321 = vector.broadcast %lt3A_320 : i32 to vector<16xi32>
    %lt3A_322 = arith.cmpi slt, %xor3A_319, %lt3A_321 : vector<16xi32>
    %add3A_323 = arith.constant 16 : i32
    %add3A_324 = vector.broadcast %add3A_323 : i32 to vector<16xi32>
    %add3A_325 = arith.addi %xor3A_319, %add3A_324 : vector<16xi32>
    %select_n3A_326 = arith.select %lt3A_322, %add3A_325, %xor3A_319 : vector<16xi1>, vector<16xi32>
    %broadcast_in_dim3A_327 = vector.shape_cast %select_n3A_326 : vector<16xi32> to vector<16x1xi32>
    %gather3A_328 = vector.shape_cast %broadcast_in_dim3A_327 : vector<16x1xi32> to vector<16xi32>
    %gather3A_329 = tpu.dynamic_gather %select_n3A_315[%gather3A_328] in [0] : vector<16xf32>, vector<16xi32> -> vector<16xf32>
    %lt3A_330 = arith.constant 0 : i32
    %lt3A_331 = vector.broadcast %lt3A_330 : i32 to vector<16xi32>
    %lt3A_332 = arith.cmpi slt, %xor3A_319, %lt3A_331 : vector<16xi32>
    %add3A_333 = arith.constant 16 : i32
    %add3A_334 = vector.broadcast %add3A_333 : i32 to vector<16xi32>
    %add3A_335 = arith.addi %xor3A_319, %add3A_334 : vector<16xi32>
    %select_n3A_336 = arith.select %lt3A_332, %add3A_335, %xor3A_319 : vector<16xi1>, vector<16xi32>
    %broadcast_in_dim3A_337 = vector.shape_cast %select_n3A_336 : vector<16xi32> to vector<16x1xi32>
    %gather3A_338 = vector.shape_cast %broadcast_in_dim3A_337 : vector<16x1xi32> to vector<16xi32>
    %gather3A_339 = tpu.dynamic_gather %select_n3A_316[%gather3A_338] in [0] : vector<16xi32>, vector<16xi32> -> vector<16xi32>
    %gt3A_340 = arith.cmpf ogt, %gather3A_329, %select_n3A_315 : vector<16xf32>
    %eq3A_341 = arith.cmpf oeq, %gather3A_329, %select_n3A_315 : vector<16xf32>
    %lt3A_342 = arith.cmpi slt, %gather3A_339, %select_n3A_316 : vector<16xi32>
    %and3A_343 = arith.andi %eq3A_341, %lt3A_342 : vector<16xi1>
    %or3A_344 = arith.ori %gt3A_340, %and3A_343 : vector<16xi1>
    %select_n3A_345 = arith.select %or3A_344, %gather3A_329, %select_n3A_315 : vector<16xi1>, vector<16xf32>
    %select_n3A_346 = arith.select %or3A_344, %gather3A_339, %select_n3A_316 : vector<16xi1>, vector<16xi32>
    %xor3A_347 = arith.constant 1 : i32
    %xor3A_348 = vector.broadcast %xor3A_347 : i32 to vector<16xi32>
    %xor3A_349 = arith.xori %iota3A, %xor3A_348 : vector<16xi32>
    %lt3A_350 = arith.constant 0 : i32
    %lt3A_351 = vector.broadcast %lt3A_350 : i32 to vector<16xi32>
    %lt3A_352 = arith.cmpi slt, %xor3A_349, %lt3A_351 : vector<16xi32>
    %add3A_353 = arith.constant 16 : i32
    %add3A_354 = vector.broadcast %add3A_353 : i32 to vector<16xi32>
    %add3A_355 = arith.addi %xor3A_349, %add3A_354 : vector<16xi32>
    %select_n3A_356 = arith.select %lt3A_352, %add3A_355, %xor3A_349 : vector<16xi1>, vector<16xi32>
    %broadcast_in_dim3A_357 = vector.shape_cast %select_n3A_356 : vector<16xi32> to vector<16x1xi32>
    %gather3A_358 = vector.shape_cast %broadcast_in_dim3A_357 : vector<16x1xi32> to vector<16xi32>
    %gather3A_359 = tpu.dynamic_gather %select_n3A_345[%gather3A_358] in [0] : vector<16xf32>, vector<16xi32> -> vector<16xf32>
    %lt3A_360 = arith.constant 0 : i32
    %lt3A_361 = vector.broadcast %lt3A_360 : i32 to vector<16xi32>
    %lt3A_362 = arith.cmpi slt, %xor3A_349, %lt3A_361 : vector<16xi32>
    %add3A_363 = arith.constant 16 : i32
    %add3A_364 = vector.broadcast %add3A_363 : i32 to vector<16xi32>
    %add3A_365 = arith.addi %xor3A_349, %add3A_364 : vector<16xi32>
    %select_n3A_366 = arith.select %lt3A_362, %add3A_365, %xor3A_349 : vector<16xi1>, vector<16xi32>
    %broadcast_in_dim3A_367 = vector.shape_cast %select_n3A_366 : vector<16xi32> to vector<16x1xi32>
    %gather3A_368 = vector.shape_cast %broadcast_in_dim3A_367 : vector<16x1xi32> to vector<16xi32>
    %gather3A_369 = tpu.dynamic_gather %select_n3A_346[%gather3A_368] in [0] : vector<16xi32>, vector<16xi32> -> vector<16xi32>
    %gt3A_370 = arith.cmpf ogt, %gather3A_359, %select_n3A_345 : vector<16xf32>
    %eq3A_371 = arith.cmpf oeq, %gather3A_359, %select_n3A_345 : vector<16xf32>
    %lt3A_372 = arith.cmpi slt, %gather3A_369, %select_n3A_346 : vector<16xi32>
    %and3A_373 = arith.andi %eq3A_371, %lt3A_372 : vector<16xi1>
    %or3A_374 = arith.ori %gt3A_370, %and3A_373 : vector<16xi1>
    %select_n3A_375 = arith.select %or3A_374, %gather3A_359, %select_n3A_345 : vector<16xi1>, vector<16xf32>
    %select_n3A_376 = arith.select %or3A_374, %gather3A_369, %select_n3A_346 : vector<16xi1>, vector<16xi32>
    %dma_wait3A_377 = arith.constant 0 : i32
    %dma_wait3A_378 = tpu.memref_slice %arg6[%dma_wait3A_377] : memref<32768xf32, #tpu.memory_space<vmem>> -> memref<8192xf32, #tpu.memory_space<vmem>>
    %dma_wait3A_379 = arith.constant 0 : i32
    %dma_wait3A_380 = tpu.memref_slice %arg2[%add3A_51, %dma_wait3A_379] : memref<64x32768xf32, #tpu.memory_space<hbm>> -> memref<1x8192xf32, #tpu.memory_space<hbm>>
    %dma_wait3A_381 = tpu.memref_squeeze %dma_wait3A_380 : memref<1x8192xf32, #tpu.memory_space<hbm>> -> memref<8192xf32, #tpu.memory_space<hbm>>
    %dma_wait3A_382 = arith.constant 0 : i32
    %dma_wait3A_383 = tpu.memref_slice %arg6[%dma_wait3A_382] : memref<32768xf32, #tpu.memory_space<vmem>> -> memref<8192xf32, #tpu.memory_space<vmem>>
    %dma_wait3A_384 = arith.constant 0 : i32
    %dma_wait3A_385 = tpu.memref_slice %arg2[%add3A_51, %dma_wait3A_384] : memref<64x32768xf32, #tpu.memory_space<hbm>> -> memref<1x8192xf32, #tpu.memory_space<hbm>>
    %dma_wait3A_386 = tpu.memref_squeeze %dma_wait3A_385 : memref<1x8192xf32, #tpu.memory_space<hbm>> -> memref<8192xf32, #tpu.memory_space<hbm>>
    tpu.wait_dma2 semaphore(%arg19 : memref<!tpu.dma_semaphore, #tpu.memory_space<semaphore_mem>>) src(%dma_wait3A_386 : memref<8192xf32, #tpu.memory_space<hbm>>) dst(%dma_wait3A_383 : memref<8192xf32, #tpu.memory_space<vmem>>)
    %scan3A_387 = arith.constant 0 : i32
    %scan3A_388 = arith.constant 64 : i32
    %scan3A_389 = arith.addi %scan3A_387, %scan3A_388 : i32
    %scan3A_390 = arith.constant 1 : i32
    %scan3A_391:16 = scf.for %scan3A_685 = %scan3A_387 to %scan3A_389 step %scan3A_390 iter_args(%scan3A_686 = %broadcast_in_dim3A_98, %scan3A_687 = %broadcast_in_dim3A_98, %scan3A_688 = %broadcast_in_dim3A_98, %scan3A_689 = %broadcast_in_dim3A_98, %scan3A_690 = %broadcast_in_dim3A_98, %scan3A_691 = %broadcast_in_dim3A_98, %scan3A_692 = %broadcast_in_dim3A_98, %scan3A_693 = %broadcast_in_dim3A_98, %scan3A_694 = %broadcast_in_dim3A_100, %scan3A_695 = %broadcast_in_dim3A_100, %scan3A_696 = %broadcast_in_dim3A_100, %scan3A_697 = %broadcast_in_dim3A_100, %scan3A_698 = %broadcast_in_dim3A_100, %scan3A_699 = %broadcast_in_dim3A_100, %scan3A_700 = %broadcast_in_dim3A_100, %scan3A_701 = %broadcast_in_dim3A_100) -> (vector<16xf32>, vector<16xf32>, vector<16xf32>, vector<16xf32>, vector<16xf32>, vector<16xf32>, vector<16xf32>, vector<16xf32>, vector<16xi32>, vector<16xi32>, vector<16xi32>, vector<16xi32>, vector<16xi32>, vector<16xi32>, vector<16xi32>, vector<16xi32>)  : i32 {
      %broadcast_in_dim3A_702 = vector.broadcast %scan3A_685 : i32 to vector<16xi32>
      %mul3A_703 = arith.constant 128 : i32
      %mul3A_704 = arith.muli %scan3A_685, %mul3A_703 : i32
      %add3A_705 = arith.constant 0 : i32
      %add3A_706 = arith.addi %mul3A_704, %add3A_705 : i32
      %get3A = arith.index_cast %add3A_706 : i32 to index
      %get3A_707 = tpu.vector_load %arg6[%get3A] {strides = array<i32>} : memref<32768xf32, #tpu.memory_space<vmem>>, vector<16xf32>,
      %get3A_708 = vector.shape_cast %get3A_707 : vector<16xf32> to vector<16xf32>
      %gt3A_709 = arith.cmpf ogt, %get3A_708, %scan3A_686 : vector<16xf32>
      %max3A = arith.maximumf %get3A_708, %scan3A_686 : vector<16xf32>
      %select_n3A_710 = arith.select %gt3A_709, %broadcast_in_dim3A_702, %scan3A_694 : vector<16xi1>, vector<16xi32>
      %add3A_711 = arith.constant 16 : i32
      %add3A_712 = arith.addi %mul3A_704, %add3A_711 : i32
      %get3A_713 = arith.index_cast %add3A_712 : i32 to index
      %get3A_714 = tpu.vector_load %arg6[%get3A_713] {strides = array<i32>} : memref<32768xf32, #tpu.memory_space<vmem>>, vector<16xf32>,
      %get3A_715 = vector.shape_cast %get3A_714 : vector<16xf32> to vector<16xf32>
      %gt3A_716 = arith.cmpf ogt, %get3A_715, %scan3A_687 : vector<16xf32>
      %max3A_717 = arith.maximumf %get3A_715, %scan3A_687 : vector<16xf32>
      %select_n3A_718 = arith.select %gt3A_716, %broadcast_in_dim3A_702, %scan3A_695 : vector<16xi1>, vector<16xi32>
      %add3A_719 = arith.constant 32 : i32
      %add3A_720 = arith.addi %mul3A_704, %add3A_719 : i32
      %get3A_721 = arith.index_cast %add3A_720 : i32 to index
      %get3A_722 = tpu.vector_load %arg6[%get3A_721] {strides = array<i32>} : memref<32768xf32, #tpu.memory_space<vmem>>, vector<16xf32>,
      %get3A_723 = vector.shape_cast %get3A_722 : vector<16xf32> to vector<16xf32>
      %gt3A_724 = arith.cmpf ogt, %get3A_723, %scan3A_688 : vector<16xf32>
      %max3A_725 = arith.maximumf %get3A_723, %scan3A_688 : vector<16xf32>
      %select_n3A_726 = arith.select %gt3A_724, %broadcast_in_dim3A_702, %scan3A_696 : vector<16xi1>, vector<16xi32>
      %add3A_727 = arith.constant 48 : i32
      %add3A_728 = arith.addi %mul3A_704, %add3A_727 : i32
      %get3A_729 = arith.index_cast %add3A_728 : i32 to index
      %get3A_730 = tpu.vector_load %arg6[%get3A_729] {strides = array<i32>} : memref<32768xf32, #tpu.memory_space<vmem>>, vector<16xf32>,
      %get3A_731 = vector.shape_cast %get3A_730 : vector<16xf32> to vector<16xf32>
      %gt3A_732 = arith.cmpf ogt, %get3A_731, %scan3A_689 : vector<16xf32>
      %max3A_733 = arith.maximumf %get3A_731, %scan3A_689 : vector<16xf32>
      %select_n3A_734 = arith.select %gt3A_732, %broadcast_in_dim3A_702, %scan3A_697 : vector<16xi1>, vector<16xi32>
      %add3A_735 = arith.constant 64 : i32
      %add3A_736 = arith.addi %mul3A_704, %add3A_735 : i32
      %get3A_737 = arith.index_cast %add3A_736 : i32 to index
      %get3A_738 = tpu.vector_load %arg6[%get3A_737] {strides = array<i32>} : memref<32768xf32, #tpu.memory_space<vmem>>, vector<16xf32>,
      %get3A_739 = vector.shape_cast %get3A_738 : vector<16xf32> to vector<16xf32>
      %gt3A_740 = arith.cmpf ogt, %get3A_739, %scan3A_690 : vector<16xf32>
      %max3A_741 = arith.maximumf %get3A_739, %scan3A_690 : vector<16xf32>
      %select_n3A_742 = arith.select %gt3A_740, %broadcast_in_dim3A_702, %scan3A_698 : vector<16xi1>, vector<16xi32>
      %add3A_743 = arith.constant 80 : i32
      %add3A_744 = arith.addi %mul3A_704, %add3A_743 : i32
      %get3A_745 = arith.index_cast %add3A_744 : i32 to index
      %get3A_746 = tpu.vector_load %arg6[%get3A_745] {strides = array<i32>} : memref<32768xf32, #tpu.memory_space<vmem>>, vector<16xf32>,
      %get3A_747 = vector.shape_cast %get3A_746 : vector<16xf32> to vector<16xf32>
      %gt3A_748 = arith.cmpf ogt, %get3A_747, %scan3A_691 : vector<16xf32>
      %max3A_749 = arith.maximumf %get3A_747, %scan3A_691 : vector<16xf32>
      %select_n3A_750 = arith.select %gt3A_748, %broadcast_in_dim3A_702, %scan3A_699 : vector<16xi1>, vector<16xi32>
      %add3A_751 = arith.constant 96 : i32
      %add3A_752 = arith.addi %mul3A_704, %add3A_751 : i32
      %get3A_753 = arith.index_cast %add3A_752 : i32 to index
      %get3A_754 = tpu.vector_load %arg6[%get3A_753] {strides = array<i32>} : memref<32768xf32, #tpu.memory_space<vmem>>, vector<16xf32>,
      %get3A_755 = vector.shape_cast %get3A_754 : vector<16xf32> to vector<16xf32>
      %gt3A_756 = arith.cmpf ogt, %get3A_755, %scan3A_692 : vector<16xf32>
      %max3A_757 = arith.maximumf %get3A_755, %scan3A_692 : vector<16xf32>
      %select_n3A_758 = arith.select %gt3A_756, %broadcast_in_dim3A_702, %scan3A_700 : vector<16xi1>, vector<16xi32>
      %add3A_759 = arith.constant 112 : i32
      %add3A_760 = arith.addi %mul3A_704, %add3A_759 : i32
      %get3A_761 = arith.index_cast %add3A_760 : i32 to index
      %get3A_762 = tpu.vector_load %arg6[%get3A_761] {strides = array<i32>} : memref<32768xf32, #tpu.memory_space<vmem>>, vector<16xf32>,
      %get3A_763 = vector.shape_cast %get3A_762 : vector<16xf32> to vector<16xf32>
      %gt3A_764 = arith.cmpf ogt, %get3A_763, %scan3A_693 : vector<16xf32>
      %max3A_765 = arith.maximumf %get3A_763, %scan3A_693 : vector<16xf32>
      %select_n3A_766 = arith.select %gt3A_764, %broadcast_in_dim3A_702, %scan3A_701 : vector<16xi1>, vector<16xi32>
      scf.yield %max3A, %max3A_717, %max3A_725, %max3A_733, %max3A_741, %max3A_749, %max3A_757, %max3A_765, %select_n3A_710, %select_n3A_718, %select_n3A_726, %select_n3A_734, %select_n3A_742, %select_n3A_750, %select_n3A_758, %select_n3A_766 : vector<16xf32>, vector<16xf32>, vector<16xf32>, vector<16xf32>, vector<16xf32>, vector<16xf32>, vector<16xf32>, vector<16xf32>, vector<16xi32>, vector<16xi32>, vector<16xi32>, vector<16xi32>, vector<16xi32>, vector<16xi32>, vector<16xi32>, vector<16xi32>
    }
    %scan3A_392 = arith.constant 64 : i32
    %dma_wait3A_393 = arith.constant 8192 : i32
    %dma_wait3A_394 = tpu.memref_slice %arg6[%dma_wait3A_393] : memref<32768xf32, #tpu.memory_space<vmem>> -> memref<8192xf32, #tpu.memory_space<vmem>>
    %dma_wait3A_395 = arith.constant 8192 : i32
    %dma_wait3A_396 = tpu.memref_slice %arg2[%add3A_63, %dma_wait3A_395] : memref<64x32768xf32, #tpu.memory_space<hbm>> -> memref<1x8192xf32, #tpu.memory_space<hbm>>
    %dma_wait3A_397 = tpu.memref_squeeze %dma_wait3A_396 : memref<1x8192xf32, #tpu.memory_space<hbm>> -> memref<8192xf32, #tpu.memory_space<hbm>>
    %dma_wait3A_398 = arith.constant 8192 : i32
    %dma_wait3A_399 = tpu.memref_slice %arg6[%dma_wait3A_398] : memref<32768xf32, #tpu.memory_space<vmem>> -> memref<8192xf32, #tpu.memory_space<vmem>>
    %dma_wait3A_400 = arith.constant 8192 : i32
    %dma_wait3A_401 = tpu.memref_slice %arg2[%add3A_63, %dma_wait3A_400] : memref<64x32768xf32, #tpu.memory_space<hbm>> -> memref<1x8192xf32, #tpu.memory_space<hbm>>
    %dma_wait3A_402 = tpu.memref_squeeze %dma_wait3A_401 : memref<1x8192xf32, #tpu.memory_space<hbm>> -> memref<8192xf32, #tpu.memory_space<hbm>>
    tpu.wait_dma2 semaphore(%arg20 : memref<!tpu.dma_semaphore, #tpu.memory_space<semaphore_mem>>) src(%dma_wait3A_402 : memref<8192xf32, #tpu.memory_space<hbm>>) dst(%dma_wait3A_399 : memref<8192xf32, #tpu.memory_space<vmem>>)
    %scan3A_403 = arith.constant 64 : i32
    %scan3A_404 = arith.constant 64 : i32
    %scan3A_405 = arith.addi %scan3A_403, %scan3A_404 : i32
    %scan3A_406 = arith.constant 1 : i32
    %scan3A_407:16 = scf.for %scan3A_685 = %scan3A_403 to %scan3A_405 step %scan3A_406 iter_args(%scan3A_686 = %scan3A_391#0, %scan3A_687 = %scan3A_391#1, %scan3A_688 = %scan3A_391#2, %scan3A_689 = %scan3A_391#3, %scan3A_690 = %scan3A_391#4, %scan3A_691 = %scan3A_391#5, %scan3A_692 = %scan3A_391#6, %scan3A_693 = %scan3A_391#7, %scan3A_694 = %scan3A_391#8, %scan3A_695 = %scan3A_391#9, %scan3A_696 = %scan3A_391#10, %scan3A_697 = %scan3A_391#11, %scan3A_698 = %scan3A_391#12, %scan3A_699 = %scan3A_391#13, %scan3A_700 = %scan3A_391#14, %scan3A_701 = %scan3A_391#15) -> (vector<16xf32>, vector<16xf32>, vector<16xf32>, vector<16xf32>, vector<16xf32>, vector<16xf32>, vector<16xf32>, vector<16xf32>, vector<16xi32>, vector<16xi32>, vector<16xi32>, vector<16xi32>, vector<16xi32>, vector<16xi32>, vector<16xi32>, vector<16xi32>)  : i32 {
      %broadcast_in_dim3A_702 = vector.broadcast %scan3A_685 : i32 to vector<16xi32>
      %mul3A_703 = arith.constant 128 : i32
      %mul3A_704 = arith.muli %scan3A_685, %mul3A_703 : i32
      %add3A_705 = arith.constant 0 : i32
      %add3A_706 = arith.addi %mul3A_704, %add3A_705 : i32
      %get3A = arith.index_cast %add3A_706 : i32 to index
      %get3A_707 = tpu.vector_load %arg6[%get3A] {strides = array<i32>} : memref<32768xf32, #tpu.memory_space<vmem>>, vector<16xf32>,
      %get3A_708 = vector.shape_cast %get3A_707 : vector<16xf32> to vector<16xf32>
      %gt3A_709 = arith.cmpf ogt, %get3A_708, %scan3A_686 : vector<16xf32>
      %max3A = arith.maximumf %get3A_708, %scan3A_686 : vector<16xf32>
      %select_n3A_710 = arith.select %gt3A_709, %broadcast_in_dim3A_702, %scan3A_694 : vector<16xi1>, vector<16xi32>
      %add3A_711 = arith.constant 16 : i32
      %add3A_712 = arith.addi %mul3A_704, %add3A_711 : i32
      %get3A_713 = arith.index_cast %add3A_712 : i32 to index
      %get3A_714 = tpu.vector_load %arg6[%get3A_713] {strides = array<i32>} : memref<32768xf32, #tpu.memory_space<vmem>>, vector<16xf32>,
      %get3A_715 = vector.shape_cast %get3A_714 : vector<16xf32> to vector<16xf32>
      %gt3A_716 = arith.cmpf ogt, %get3A_715, %scan3A_687 : vector<16xf32>
      %max3A_717 = arith.maximumf %get3A_715, %scan3A_687 : vector<16xf32>
      %select_n3A_718 = arith.select %gt3A_716, %broadcast_in_dim3A_702, %scan3A_695 : vector<16xi1>, vector<16xi32>
      %add3A_719 = arith.constant 32 : i32
      %add3A_720 = arith.addi %mul3A_704, %add3A_719 : i32
      %get3A_721 = arith.index_cast %add3A_720 : i32 to index
      %get3A_722 = tpu.vector_load %arg6[%get3A_721] {strides = array<i32>} : memref<32768xf32, #tpu.memory_space<vmem>>, vector<16xf32>,
      %get3A_723 = vector.shape_cast %get3A_722 : vector<16xf32> to vector<16xf32>
      %gt3A_724 = arith.cmpf ogt, %get3A_723, %scan3A_688 : vector<16xf32>
      %max3A_725 = arith.maximumf %get3A_723, %scan3A_688 : vector<16xf32>
      %select_n3A_726 = arith.select %gt3A_724, %broadcast_in_dim3A_702, %scan3A_696 : vector<16xi1>, vector<16xi32>
      %add3A_727 = arith.constant 48 : i32
      %add3A_728 = arith.addi %mul3A_704, %add3A_727 : i32
      %get3A_729 = arith.index_cast %add3A_728 : i32 to index
      %get3A_730 = tpu.vector_load %arg6[%get3A_729] {strides = array<i32>} : memref<32768xf32, #tpu.memory_space<vmem>>, vector<16xf32>,
      %get3A_731 = vector.shape_cast %get3A_730 : vector<16xf32> to vector<16xf32>
      %gt3A_732 = arith.cmpf ogt, %get3A_731, %scan3A_689 : vector<16xf32>
      %max3A_733 = arith.maximumf %get3A_731, %scan3A_689 : vector<16xf32>
      %select_n3A_734 = arith.select %gt3A_732, %broadcast_in_dim3A_702, %scan3A_697 : vector<16xi1>, vector<16xi32>
      %add3A_735 = arith.constant 64 : i32
      %add3A_736 = arith.addi %mul3A_704, %add3A_735 : i32
      %get3A_737 = arith.index_cast %add3A_736 : i32 to index
      %get3A_738 = tpu.vector_load %arg6[%get3A_737] {strides = array<i32>} : memref<32768xf32, #tpu.memory_space<vmem>>, vector<16xf32>,
      %get3A_739 = vector.shape_cast %get3A_738 : vector<16xf32> to vector<16xf32>
      %gt3A_740 = arith.cmpf ogt, %get3A_739, %scan3A_690 : vector<16xf32>
      %max3A_741 = arith.maximumf %get3A_739, %scan3A_690 : vector<16xf32>
      %select_n3A_742 = arith.select %gt3A_740, %broadcast_in_dim3A_702, %scan3A_698 : vector<16xi1>, vector<16xi32>
      %add3A_743 = arith.constant 80 : i32
      %add3A_744 = arith.addi %mul3A_704, %add3A_743 : i32
      %get3A_745 = arith.index_cast %add3A_744 : i32 to index
      %get3A_746 = tpu.vector_load %arg6[%get3A_745] {strides = array<i32>} : memref<32768xf32, #tpu.memory_space<vmem>>, vector<16xf32>,
      %get3A_747 = vector.shape_cast %get3A_746 : vector<16xf32> to vector<16xf32>
      %gt3A_748 = arith.cmpf ogt, %get3A_747, %scan3A_691 : vector<16xf32>
      %max3A_749 = arith.maximumf %get3A_747, %scan3A_691 : vector<16xf32>
      %select_n3A_750 = arith.select %gt3A_748, %broadcast_in_dim3A_702, %scan3A_699 : vector<16xi1>, vector<16xi32>
      %add3A_751 = arith.constant 96 : i32
      %add3A_752 = arith.addi %mul3A_704, %add3A_751 : i32
      %get3A_753 = arith.index_cast %add3A_752 : i32 to index
      %get3A_754 = tpu.vector_load %arg6[%get3A_753] {strides = array<i32>} : memref<32768xf32, #tpu.memory_space<vmem>>, vector<16xf32>,
      %get3A_755 = vector.shape_cast %get3A_754 : vector<16xf32> to vector<16xf32>
      %gt3A_756 = arith.cmpf ogt, %get3A_755, %scan3A_692 : vector<16xf32>
      %max3A_757 = arith.maximumf %get3A_755, %scan3A_692 : vector<16xf32>
      %select_n3A_758 = arith.select %gt3A_756, %broadcast_in_dim3A_702, %scan3A_700 : vector<16xi1>, vector<16xi32>
      %add3A_759 = arith.constant 112 : i32
      %add3A_760 = arith.addi %mul3A_704, %add3A_759 : i32
      %get3A_761 = arith.index_cast %add3A_760 : i32 to index
      %get3A_762 = tpu.vector_load %arg6[%get3A_761] {strides = array<i32>} : memref<32768xf32, #tpu.memory_space<vmem>>, vector<16xf32>,
      %get3A_763 = vector.shape_cast %get3A_762 : vector<16xf32> to vector<16xf32>
      %gt3A_764 = arith.cmpf ogt, %get3A_763, %scan3A_693 : vector<16xf32>
      %max3A_765 = arith.maximumf %get3A_763, %scan3A_693 : vector<16xf32>
      %select_n3A_766 = arith.select %gt3A_764, %broadcast_in_dim3A_702, %scan3A_701 : vector<16xi1>, vector<16xi32>
      scf.yield %max3A, %max3A_717, %max3A_725, %max3A_733, %max3A_741, %max3A_749, %max3A_757, %max3A_765, %select_n3A_710, %select_n3A_718, %select_n3A_726, %select_n3A_734, %select_n3A_742, %select_n3A_750, %select_n3A_758, %select_n3A_766 : vector<16xf32>, vector<16xf32>, vector<16xf32>, vector<16xf32>, vector<16xf32>, vector<16xf32>, vector<16xf32>, vector<16xf32>, vector<16xi32>, vector<16xi32>, vector<16xi32>, vector<16xi32>, vector<16xi32>, vector<16xi32>, vector<16xi32>, vector<16xi32>
    }
    %scan3A_408 = arith.constant 64 : i32
    %dma_wait3A_409 = arith.constant 16384 : i32
    %dma_wait3A_410 = tpu.memref_slice %arg6[%dma_wait3A_409] : memref<32768xf32, #tpu.memory_space<vmem>> -> memref<8192xf32, #tpu.memory_space<vmem>>
    %dma_wait3A_411 = arith.constant 16384 : i32
    %dma_wait3A_412 = tpu.memref_slice %arg2[%add3A_75, %dma_wait3A_411] : memref<64x32768xf32, #tpu.memory_space<hbm>> -> memref<1x8192xf32, #tpu.memory_space<hbm>>
    %dma_wait3A_413 = tpu.memref_squeeze %dma_wait3A_412 : memref<1x8192xf32, #tpu.memory_space<hbm>> -> memref<8192xf32, #tpu.memory_space<hbm>>
    %dma_wait3A_414 = arith.constant 16384 : i32
    %dma_wait3A_415 = tpu.memref_slice %arg6[%dma_wait3A_414] : memref<32768xf32, #tpu.memory_space<vmem>> -> memref<8192xf32, #tpu.memory_space<vmem>>
    %dma_wait3A_416 = arith.constant 16384 : i32
    %dma_wait3A_417 = tpu.memref_slice %arg2[%add3A_75, %dma_wait3A_416] : memref<64x32768xf32, #tpu.memory_space<hbm>> -> memref<1x8192xf32, #tpu.memory_space<hbm>>
    %dma_wait3A_418 = tpu.memref_squeeze %dma_wait3A_417 : memref<1x8192xf32, #tpu.memory_space<hbm>> -> memref<8192xf32, #tpu.memory_space<hbm>>
    tpu.wait_dma2 semaphore(%arg21 : memref<!tpu.dma_semaphore, #tpu.memory_space<semaphore_mem>>) src(%dma_wait3A_418 : memref<8192xf32, #tpu.memory_space<hbm>>) dst(%dma_wait3A_415 : memref<8192xf32, #tpu.memory_space<vmem>>)
    %scan3A_419 = arith.constant 128 : i32
    %scan3A_420 = arith.constant 64 : i32
    %scan3A_421 = arith.addi %scan3A_419, %scan3A_420 : i32
    %scan3A_422 = arith.constant 1 : i32
    %scan3A_423:16 = scf.for %scan3A_685 = %scan3A_419 to %scan3A_421 step %scan3A_422 iter_args(%scan3A_686 = %scan3A_407#0, %scan3A_687 = %scan3A_407#1, %scan3A_688 = %scan3A_407#2, %scan3A_689 = %scan3A_407#3, %scan3A_690 = %scan3A_407#4, %scan3A_691 = %scan3A_407#5, %scan3A_692 = %scan3A_407#6, %scan3A_693 = %scan3A_407#7, %scan3A_694 = %scan3A_407#8, %scan3A_695 = %scan3A_407#9, %scan3A_696 = %scan3A_407#10, %scan3A_697 = %scan3A_407#11, %scan3A_698 = %scan3A_407#12, %scan3A_699 = %scan3A_407#13, %scan3A_700 = %scan3A_407#14, %scan3A_701 = %scan3A_407#15) -> (vector<16xf32>, vector<16xf32>, vector<16xf32>, vector<16xf32>, vector<16xf32>, vector<16xf32>, vector<16xf32>, vector<16xf32>, vector<16xi32>, vector<16xi32>, vector<16xi32>, vector<16xi32>, vector<16xi32>, vector<16xi32>, vector<16xi32>, vector<16xi32>)  : i32 {
      %broadcast_in_dim3A_702 = vector.broadcast %scan3A_685 : i32 to vector<16xi32>
      %mul3A_703 = arith.constant 128 : i32
      %mul3A_704 = arith.muli %scan3A_685, %mul3A_703 : i32
      %add3A_705 = arith.constant 0 : i32
      %add3A_706 = arith.addi %mul3A_704, %add3A_705 : i32
      %get3A = arith.index_cast %add3A_706 : i32 to index
      %get3A_707 = tpu.vector_load %arg6[%get3A] {strides = array<i32>} : memref<32768xf32, #tpu.memory_space<vmem>>, vector<16xf32>,
      %get3A_708 = vector.shape_cast %get3A_707 : vector<16xf32> to vector<16xf32>
      %gt3A_709 = arith.cmpf ogt, %get3A_708, %scan3A_686 : vector<16xf32>
      %max3A = arith.maximumf %get3A_708, %scan3A_686 : vector<16xf32>
      %select_n3A_710 = arith.select %gt3A_709, %broadcast_in_dim3A_702, %scan3A_694 : vector<16xi1>, vector<16xi32>
      %add3A_711 = arith.constant 16 : i32
      %add3A_712 = arith.addi %mul3A_704, %add3A_711 : i32
      %get3A_713 = arith.index_cast %add3A_712 : i32 to index
      %get3A_714 = tpu.vector_load %arg6[%get3A_713] {strides = array<i32>} : memref<32768xf32, #tpu.memory_space<vmem>>, vector<16xf32>,
      %get3A_715 = vector.shape_cast %get3A_714 : vector<16xf32> to vector<16xf32>
      %gt3A_716 = arith.cmpf ogt, %get3A_715, %scan3A_687 : vector<16xf32>
      %max3A_717 = arith.maximumf %get3A_715, %scan3A_687 : vector<16xf32>
      %select_n3A_718 = arith.select %gt3A_716, %broadcast_in_dim3A_702, %scan3A_695 : vector<16xi1>, vector<16xi32>
      %add3A_719 = arith.constant 32 : i32
      %add3A_720 = arith.addi %mul3A_704, %add3A_719 : i32
      %get3A_721 = arith.index_cast %add3A_720 : i32 to index
      %get3A_722 = tpu.vector_load %arg6[%get3A_721] {strides = array<i32>} : memref<32768xf32, #tpu.memory_space<vmem>>, vector<16xf32>,
      %get3A_723 = vector.shape_cast %get3A_722 : vector<16xf32> to vector<16xf32>
      %gt3A_724 = arith.cmpf ogt, %get3A_723, %scan3A_688 : vector<16xf32>
      %max3A_725 = arith.maximumf %get3A_723, %scan3A_688 : vector<16xf32>
      %select_n3A_726 = arith.select %gt3A_724, %broadcast_in_dim3A_702, %scan3A_696 : vector<16xi1>, vector<16xi32>
      %add3A_727 = arith.constant 48 : i32
      %add3A_728 = arith.addi %mul3A_704, %add3A_727 : i32
      %get3A_729 = arith.index_cast %add3A_728 : i32 to index
      %get3A_730 = tpu.vector_load %arg6[%get3A_729] {strides = array<i32>} : memref<32768xf32, #tpu.memory_space<vmem>>, vector<16xf32>,
      %get3A_731 = vector.shape_cast %get3A_730 : vector<16xf32> to vector<16xf32>
      %gt3A_732 = arith.cmpf ogt, %get3A_731, %scan3A_689 : vector<16xf32>
      %max3A_733 = arith.maximumf %get3A_731, %scan3A_689 : vector<16xf32>
      %select_n3A_734 = arith.select %gt3A_732, %broadcast_in_dim3A_702, %scan3A_697 : vector<16xi1>, vector<16xi32>
      %add3A_735 = arith.constant 64 : i32
      %add3A_736 = arith.addi %mul3A_704, %add3A_735 : i32
      %get3A_737 = arith.index_cast %add3A_736 : i32 to index
      %get3A_738 = tpu.vector_load %arg6[%get3A_737] {strides = array<i32>} : memref<32768xf32, #tpu.memory_space<vmem>>, vector<16xf32>,
      %get3A_739 = vector.shape_cast %get3A_738 : vector<16xf32> to vector<16xf32>
      %gt3A_740 = arith.cmpf ogt, %get3A_739, %scan3A_690 : vector<16xf32>
      %max3A_741 = arith.maximumf %get3A_739, %scan3A_690 : vector<16xf32>
      %select_n3A_742 = arith.select %gt3A_740, %broadcast_in_dim3A_702, %scan3A_698 : vector<16xi1>, vector<16xi32>
      %add3A_743 = arith.constant 80 : i32
      %add3A_744 = arith.addi %mul3A_704, %add3A_743 : i32
      %get3A_745 = arith.index_cast %add3A_744 : i32 to index
      %get3A_746 = tpu.vector_load %arg6[%get3A_745] {strides = array<i32>} : memref<32768xf32, #tpu.memory_space<vmem>>, vector<16xf32>,
      %get3A_747 = vector.shape_cast %get3A_746 : vector<16xf32> to vector<16xf32>
      %gt3A_748 = arith.cmpf ogt, %get3A_747, %scan3A_691 : vector<16xf32>
      %max3A_749 = arith.maximumf %get3A_747, %scan3A_691 : vector<16xf32>
      %select_n3A_750 = arith.select %gt3A_748, %broadcast_in_dim3A_702, %scan3A_699 : vector<16xi1>, vector<16xi32>
      %add3A_751 = arith.constant 96 : i32
      %add3A_752 = arith.addi %mul3A_704, %add3A_751 : i32
      %get3A_753 = arith.index_cast %add3A_752 : i32 to index
      %get3A_754 = tpu.vector_load %arg6[%get3A_753] {strides = array<i32>} : memref<32768xf32, #tpu.memory_space<vmem>>, vector<16xf32>,
      %get3A_755 = vector.shape_cast %get3A_754 : vector<16xf32> to vector<16xf32>
      %gt3A_756 = arith.cmpf ogt, %get3A_755, %scan3A_692 : vector<16xf32>
      %max3A_757 = arith.maximumf %get3A_755, %scan3A_692 : vector<16xf32>
      %select_n3A_758 = arith.select %gt3A_756, %broadcast_in_dim3A_702, %scan3A_700 : vector<16xi1>, vector<16xi32>
      %add3A_759 = arith.constant 112 : i32
      %add3A_760 = arith.addi %mul3A_704, %add3A_759 : i32
      %get3A_761 = arith.index_cast %add3A_760 : i32 to index
      %get3A_762 = tpu.vector_load %arg6[%get3A_761] {strides = array<i32>} : memref<32768xf32, #tpu.memory_space<vmem>>, vector<16xf32>,
      %get3A_763 = vector.shape_cast %get3A_762 : vector<16xf32> to vector<16xf32>
      %gt3A_764 = arith.cmpf ogt, %get3A_763, %scan3A_693 : vector<16xf32>
      %max3A_765 = arith.maximumf %get3A_763, %scan3A_693 : vector<16xf32>
      %select_n3A_766 = arith.select %gt3A_764, %broadcast_in_dim3A_702, %scan3A_701 : vector<16xi1>, vector<16xi32>
      scf.yield %max3A, %max3A_717, %max3A_725, %max3A_733, %max3A_741, %max3A_749, %max3A_757, %max3A_765, %select_n3A_710, %select_n3A_718, %select_n3A_726, %select_n3A_734, %select_n3A_742, %select_n3A_750, %select_n3A_758, %select_n3A_766 : vector<16xf32>, vector<16xf32>, vector<16xf32>, vector<16xf32>, vector<16xf32>, vector<16xf32>, vector<16xf32>, vector<16xf32>, vector<16xi32>, vector<16xi32>, vector<16xi32>, vector<16xi32>, vector<16xi32>, vector<16xi32>, vector<16xi32>, vector<16xi32>
    }
    %scan3A_424 = arith.constant 64 : i32
    %dma_wait3A_425 = arith.constant 24576 : i32
    %dma_wait3A_426 = tpu.memref_slice %arg6[%dma_wait3A_425] : memref<32768xf32, #tpu.memory_space<vmem>> -> memref<8192xf32, #tpu.memory_space<vmem>>
    %dma_wait3A_427 = arith.constant 24576 : i32
    %dma_wait3A_428 = tpu.memref_slice %arg2[%add3A_87, %dma_wait3A_427] : memref<64x32768xf32, #tpu.memory_space<hbm>> -> memref<1x8192xf32, #tpu.memory_space<hbm>>
    %dma_wait3A_429 = tpu.memref_squeeze %dma_wait3A_428 : memref<1x8192xf32, #tpu.memory_space<hbm>> -> memref<8192xf32, #tpu.memory_space<hbm>>
    %dma_wait3A_430 = arith.constant 24576 : i32
    %dma_wait3A_431 = tpu.memref_slice %arg6[%dma_wait3A_430] : memref<32768xf32, #tpu.memory_space<vmem>> -> memref<8192xf32, #tpu.memory_space<vmem>>
    %dma_wait3A_432 = arith.constant 24576 : i32
    %dma_wait3A_433 = tpu.memref_slice %arg2[%add3A_87, %dma_wait3A_432] : memref<64x32768xf32, #tpu.memory_space<hbm>> -> memref<1x8192xf32, #tpu.memory_space<hbm>>
    %dma_wait3A_434 = tpu.memref_squeeze %dma_wait3A_433 : memref<1x8192xf32, #tpu.memory_space<hbm>> -> memref<8192xf32, #tpu.memory_space<hbm>>
    tpu.wait_dma2 semaphore(%arg22 : memref<!tpu.dma_semaphore, #tpu.memory_space<semaphore_mem>>) src(%dma_wait3A_434 : memref<8192xf32, #tpu.memory_space<hbm>>) dst(%dma_wait3A_431 : memref<8192xf32, #tpu.memory_space<vmem>>)
    %scan3A_435 = arith.constant 192 : i32
    %scan3A_436 = arith.constant 64 : i32
    %scan3A_437 = arith.addi %scan3A_435, %scan3A_436 : i32
    %scan3A_438 = arith.constant 1 : i32
    %scan3A_439:16 = scf.for %scan3A_685 = %scan3A_435 to %scan3A_437 step %scan3A_438 iter_args(%scan3A_686 = %scan3A_423#0, %scan3A_687 = %scan3A_423#1, %scan3A_688 = %scan3A_423#2, %scan3A_689 = %scan3A_423#3, %scan3A_690 = %scan3A_423#4, %scan3A_691 = %scan3A_423#5, %scan3A_692 = %scan3A_423#6, %scan3A_693 = %scan3A_423#7, %scan3A_694 = %scan3A_423#8, %scan3A_695 = %scan3A_423#9, %scan3A_696 = %scan3A_423#10, %scan3A_697 = %scan3A_423#11, %scan3A_698 = %scan3A_423#12, %scan3A_699 = %scan3A_423#13, %scan3A_700 = %scan3A_423#14, %scan3A_701 = %scan3A_423#15) -> (vector<16xf32>, vector<16xf32>, vector<16xf32>, vector<16xf32>, vector<16xf32>, vector<16xf32>, vector<16xf32>, vector<16xf32>, vector<16xi32>, vector<16xi32>, vector<16xi32>, vector<16xi32>, vector<16xi32>, vector<16xi32>, vector<16xi32>, vector<16xi32>)  : i32 {
      %broadcast_in_dim3A_702 = vector.broadcast %scan3A_685 : i32 to vector<16xi32>
      %mul3A_703 = arith.constant 128 : i32
      %mul3A_704 = arith.muli %scan3A_685, %mul3A_703 : i32
      %add3A_705 = arith.constant 0 : i32
      %add3A_706 = arith.addi %mul3A_704, %add3A_705 : i32
      %get3A = arith.index_cast %add3A_706 : i32 to index
      %get3A_707 = tpu.vector_load %arg6[%get3A] {strides = array<i32>} : memref<32768xf32, #tpu.memory_space<vmem>>, vector<16xf32>,
      %get3A_708 = vector.shape_cast %get3A_707 : vector<16xf32> to vector<16xf32>
      %gt3A_709 = arith.cmpf ogt, %get3A_708, %scan3A_686 : vector<16xf32>
      %max3A = arith.maximumf %get3A_708, %scan3A_686 : vector<16xf32>
      %select_n3A_710 = arith.select %gt3A_709, %broadcast_in_dim3A_702, %scan3A_694 : vector<16xi1>, vector<16xi32>
      %add3A_711 = arith.constant 16 : i32
      %add3A_712 = arith.addi %mul3A_704, %add3A_711 : i32
      %get3A_713 = arith.index_cast %add3A_712 : i32 to index
      %get3A_714 = tpu.vector_load %arg6[%get3A_713] {strides = array<i32>} : memref<32768xf32, #tpu.memory_space<vmem>>, vector<16xf32>,
      %get3A_715 = vector.shape_cast %get3A_714 : vector<16xf32> to vector<16xf32>
      %gt3A_716 = arith.cmpf ogt, %get3A_715, %scan3A_687 : vector<16xf32>
      %max3A_717 = arith.maximumf %get3A_715, %scan3A_687 : vector<16xf32>
      %select_n3A_718 = arith.select %gt3A_716, %broadcast_in_dim3A_702, %scan3A_695 : vector<16xi1>, vector<16xi32>
      %add3A_719 = arith.constant 32 : i32
      %add3A_720 = arith.addi %mul3A_704, %add3A_719 : i32
      %get3A_721 = arith.index_cast %add3A_720 : i32 to index
      %get3A_722 = tpu.vector_load %arg6[%get3A_721] {strides = array<i32>} : memref<32768xf32, #tpu.memory_space<vmem>>, vector<16xf32>,
      %get3A_723 = vector.shape_cast %get3A_722 : vector<16xf32> to vector<16xf32>
      %gt3A_724 = arith.cmpf ogt, %get3A_723, %scan3A_688 : vector<16xf32>
      %max3A_725 = arith.maximumf %get3A_723, %scan3A_688 : vector<16xf32>
      %select_n3A_726 = arith.select %gt3A_724, %broadcast_in_dim3A_702, %scan3A_696 : vector<16xi1>, vector<16xi32>
      %add3A_727 = arith.constant 48 : i32
      %add3A_728 = arith.addi %mul3A_704, %add3A_727 : i32
      %get3A_729 = arith.index_cast %add3A_728 : i32 to index
      %get3A_730 = tpu.vector_load %arg6[%get3A_729] {strides = array<i32>} : memref<32768xf32, #tpu.memory_space<vmem>>, vector<16xf32>,
      %get3A_731 = vector.shape_cast %get3A_730 : vector<16xf32> to vector<16xf32>
      %gt3A_732 = arith.cmpf ogt, %get3A_731, %scan3A_689 : vector<16xf32>
      %max3A_733 = arith.maximumf %get3A_731, %scan3A_689 : vector<16xf32>
      %select_n3A_734 = arith.select %gt3A_732, %broadcast_in_dim3A_702, %scan3A_697 : vector<16xi1>, vector<16xi32>
      %add3A_735 = arith.constant 64 : i32
      %add3A_736 = arith.addi %mul3A_704, %add3A_735 : i32
      %get3A_737 = arith.index_cast %add3A_736 : i32 to index
      %get3A_738 = tpu.vector_load %arg6[%get3A_737] {strides = array<i32>} : memref<32768xf32, #tpu.memory_space<vmem>>, vector<16xf32>,
      %get3A_739 = vector.shape_cast %get3A_738 : vector<16xf32> to vector<16xf32>
      %gt3A_740 = arith.cmpf ogt, %get3A_739, %scan3A_690 : vector<16xf32>
      %max3A_741 = arith.maximumf %get3A_739, %scan3A_690 : vector<16xf32>
      %select_n3A_742 = arith.select %gt3A_740, %broadcast_in_dim3A_702, %scan3A_698 : vector<16xi1>, vector<16xi32>
      %add3A_743 = arith.constant 80 : i32
      %add3A_744 = arith.addi %mul3A_704, %add3A_743 : i32
      %get3A_745 = arith.index_cast %add3A_744 : i32 to index
      %get3A_746 = tpu.vector_load %arg6[%get3A_745] {strides = array<i32>} : memref<32768xf32, #tpu.memory_space<vmem>>, vector<16xf32>,
      %get3A_747 = vector.shape_cast %get3A_746 : vector<16xf32> to vector<16xf32>
      %gt3A_748 = arith.cmpf ogt, %get3A_747, %scan3A_691 : vector<16xf32>
      %max3A_749 = arith.maximumf %get3A_747, %scan3A_691 : vector<16xf32>
      %select_n3A_750 = arith.select %gt3A_748, %broadcast_in_dim3A_702, %scan3A_699 : vector<16xi1>, vector<16xi32>
      %add3A_751 = arith.constant 96 : i32
      %add3A_752 = arith.addi %mul3A_704, %add3A_751 : i32
      %get3A_753 = arith.index_cast %add3A_752 : i32 to index
      %get3A_754 = tpu.vector_load %arg6[%get3A_753] {strides = array<i32>} : memref<32768xf32, #tpu.memory_space<vmem>>, vector<16xf32>,
      %get3A_755 = vector.shape_cast %get3A_754 : vector<16xf32> to vector<16xf32>
      %gt3A_756 = arith.cmpf ogt, %get3A_755, %scan3A_692 : vector<16xf32>
      %max3A_757 = arith.maximumf %get3A_755, %scan3A_692 : vector<16xf32>
      %select_n3A_758 = arith.select %gt3A_756, %broadcast_in_dim3A_702, %scan3A_700 : vector<16xi1>, vector<16xi32>
      %add3A_759 = arith.constant 112 : i32
      %add3A_760 = arith.addi %mul3A_704, %add3A_759 : i32
      %get3A_761 = arith.index_cast %add3A_760 : i32 to index
      %get3A_762 = tpu.vector_load %arg6[%get3A_761] {strides = array<i32>} : memref<32768xf32, #tpu.memory_space<vmem>>, vector<16xf32>,
      %get3A_763 = vector.shape_cast %get3A_762 : vector<16xf32> to vector<16xf32>
      %gt3A_764 = arith.cmpf ogt, %get3A_763, %scan3A_693 : vector<16xf32>
      %max3A_765 = arith.maximumf %get3A_763, %scan3A_693 : vector<16xf32>
      %select_n3A_766 = arith.select %gt3A_764, %broadcast_in_dim3A_702, %scan3A_701 : vector<16xi1>, vector<16xi32>
      scf.yield %max3A, %max3A_717, %max3A_725, %max3A_733, %max3A_741, %max3A_749, %max3A_757, %max3A_765, %select_n3A_710, %select_n3A_718, %select_n3A_726, %select_n3A_734, %select_n3A_742, %select_n3A_750, %select_n3A_758, %select_n3A_766 : vector<16xf32>, vector<16xf32>, vector<16xf32>, vector<16xf32>, vector<16xf32>, vector<16xf32>, vector<16xf32>, vector<16xf32>, vector<16xi32>, vector<16xi32>, vector<16xi32>, vector<16xi32>, vector<16xi32>, vector<16xi32>, vector<16xi32>, vector<16xi32>
    }
    %scan3A_440 = arith.constant 64 : i32
    %mul3A_441 = arith.constant 128 : i32
    %mul3A_442 = vector.broadcast %mul3A_441 : i32 to vector<16xi32>
    %mul3A_443 = arith.muli %scan3A_439#8, %mul3A_442 : vector<16xi32>
    %add3A_444 = arith.addi %mul3A_443, %iota3A : vector<16xi32>
    %mul3A_445 = arith.constant 128 : i32
    %mul3A_446 = vector.broadcast %mul3A_445 : i32 to vector<16xi32>
    %mul3A_447 = arith.muli %scan3A_439#9, %mul3A_446 : vector<16xi32>
    %add3A_448 = arith.constant 16 : i32
    %add3A_449 = vector.broadcast %add3A_448 : i32 to vector<16xi32>
    %add3A_450 = arith.addi %iota3A, %add3A_449 : vector<16xi32>
    %add3A_451 = arith.addi %mul3A_447, %add3A_450 : vector<16xi32>
    %gt3A_452 = arith.cmpf ogt, %scan3A_439#1, %scan3A_439#0 : vector<16xf32>
    %eq3A_453 = arith.cmpf oeq, %scan3A_439#1, %scan3A_439#0 : vector<16xf32>
    %lt3A_454 = arith.cmpi slt, %add3A_451, %add3A_444 : vector<16xi32>
    %and3A_455 = arith.andi %eq3A_453, %lt3A_454 : vector<16xi1>
    %or3A_456 = arith.ori %gt3A_452, %and3A_455 : vector<16xi1>
    %select_n3A_457 = arith.select %or3A_456, %scan3A_439#1, %scan3A_439#0 : vector<16xi1>, vector<16xf32>
    %select_n3A_458 = arith.select %or3A_456, %add3A_451, %add3A_444 : vector<16xi1>, vector<16xi32>
    %mul3A_459 = arith.constant 128 : i32
    %mul3A_460 = vector.broadcast %mul3A_459 : i32 to vector<16xi32>
    %mul3A_461 = arith.muli %scan3A_439#10, %mul3A_460 : vector<16xi32>
    %add3A_462 = arith.constant 32 : i32
    %add3A_463 = vector.broadcast %add3A_462 : i32 to vector<16xi32>
    %add3A_464 = arith.addi %iota3A, %add3A_463 : vector<16xi32>
    %add3A_465 = arith.addi %mul3A_461, %add3A_464 : vector<16xi32>
    %gt3A_466 = arith.cmpf ogt, %scan3A_439#2, %select_n3A_457 : vector<16xf32>
    %eq3A_467 = arith.cmpf oeq, %scan3A_439#2, %select_n3A_457 : vector<16xf32>
    %lt3A_468 = arith.cmpi slt, %add3A_465, %select_n3A_458 : vector<16xi32>
    %and3A_469 = arith.andi %eq3A_467, %lt3A_468 : vector<16xi1>
    %or3A_470 = arith.ori %gt3A_466, %and3A_469 : vector<16xi1>
    %select_n3A_471 = arith.select %or3A_470, %scan3A_439#2, %select_n3A_457 : vector<16xi1>, vector<16xf32>
    %select_n3A_472 = arith.select %or3A_470, %add3A_465, %select_n3A_458 : vector<16xi1>, vector<16xi32>
    %mul3A_473 = arith.constant 128 : i32
    %mul3A_474 = vector.broadcast %mul3A_473 : i32 to vector<16xi32>
    %mul3A_475 = arith.muli %scan3A_439#11, %mul3A_474 : vector<16xi32>
    %add3A_476 = arith.constant 48 : i32
    %add3A_477 = vector.broadcast %add3A_476 : i32 to vector<16xi32>
    %add3A_478 = arith.addi %iota3A, %add3A_477 : vector<16xi32>
    %add3A_479 = arith.addi %mul3A_475, %add3A_478 : vector<16xi32>
    %gt3A_480 = arith.cmpf ogt, %scan3A_439#3, %select_n3A_471 : vector<16xf32>
    %eq3A_481 = arith.cmpf oeq, %scan3A_439#3, %select_n3A_471 : vector<16xf32>
    %lt3A_482 = arith.cmpi slt, %add3A_479, %select_n3A_472 : vector<16xi32>
    %and3A_483 = arith.andi %eq3A_481, %lt3A_482 : vector<16xi1>
    %or3A_484 = arith.ori %gt3A_480, %and3A_483 : vector<16xi1>
    %select_n3A_485 = arith.select %or3A_484, %scan3A_439#3, %select_n3A_471 : vector<16xi1>, vector<16xf32>
    %select_n3A_486 = arith.select %or3A_484, %add3A_479, %select_n3A_472 : vector<16xi1>, vector<16xi32>
    %mul3A_487 = arith.constant 128 : i32
    %mul3A_488 = vector.broadcast %mul3A_487 : i32 to vector<16xi32>
    %mul3A_489 = arith.muli %scan3A_439#12, %mul3A_488 : vector<16xi32>
    %add3A_490 = arith.constant 64 : i32
    %add3A_491 = vector.broadcast %add3A_490 : i32 to vector<16xi32>
    %add3A_492 = arith.addi %iota3A, %add3A_491 : vector<16xi32>
    %add3A_493 = arith.addi %mul3A_489, %add3A_492 : vector<16xi32>
    %gt3A_494 = arith.cmpf ogt, %scan3A_439#4, %select_n3A_485 : vector<16xf32>
    %eq3A_495 = arith.cmpf oeq, %scan3A_439#4, %select_n3A_485 : vector<16xf32>
    %lt3A_496 = arith.cmpi slt, %add3A_493, %select_n3A_486 : vector<16xi32>
    %and3A_497 = arith.andi %eq3A_495, %lt3A_496 : vector<16xi1>
    %or3A_498 = arith.ori %gt3A_494, %and3A_497 : vector<16xi1>
    %select_n3A_499 = arith.select %or3A_498, %scan3A_439#4, %select_n3A_485 : vector<16xi1>, vector<16xf32>
    %select_n3A_500 = arith.select %or3A_498, %add3A_493, %select_n3A_486 : vector<16xi1>, vector<16xi32>
    %mul3A_501 = arith.constant 128 : i32
    %mul3A_502 = vector.broadcast %mul3A_501 : i32 to vector<16xi32>
    %mul3A_503 = arith.muli %scan3A_439#13, %mul3A_502 : vector<16xi32>
    %add3A_504 = arith.constant 80 : i32
    %add3A_505 = vector.broadcast %add3A_504 : i32 to vector<16xi32>
    %add3A_506 = arith.addi %iota3A, %add3A_505 : vector<16xi32>
    %add3A_507 = arith.addi %mul3A_503, %add3A_506 : vector<16xi32>
    %gt3A_508 = arith.cmpf ogt, %scan3A_439#5, %select_n3A_499 : vector<16xf32>
    %eq3A_509 = arith.cmpf oeq, %scan3A_439#5, %select_n3A_499 : vector<16xf32>
    %lt3A_510 = arith.cmpi slt, %add3A_507, %select_n3A_500 : vector<16xi32>
    %and3A_511 = arith.andi %eq3A_509, %lt3A_510 : vector<16xi1>
    %or3A_512 = arith.ori %gt3A_508, %and3A_511 : vector<16xi1>
    %select_n3A_513 = arith.select %or3A_512, %scan3A_439#5, %select_n3A_499 : vector<16xi1>, vector<16xf32>
    %select_n3A_514 = arith.select %or3A_512, %add3A_507, %select_n3A_500 : vector<16xi1>, vector<16xi32>
    %mul3A_515 = arith.constant 128 : i32
    %mul3A_516 = vector.broadcast %mul3A_515 : i32 to vector<16xi32>
    %mul3A_517 = arith.muli %scan3A_439#14, %mul3A_516 : vector<16xi32>
    %add3A_518 = arith.constant 96 : i32
    %add3A_519 = vector.broadcast %add3A_518 : i32 to vector<16xi32>
    %add3A_520 = arith.addi %iota3A, %add3A_519 : vector<16xi32>
    %add3A_521 = arith.addi %mul3A_517, %add3A_520 : vector<16xi32>
    %gt3A_522 = arith.cmpf ogt, %scan3A_439#6, %select_n3A_513 : vector<16xf32>
    %eq3A_523 = arith.cmpf oeq, %scan3A_439#6, %select_n3A_513 : vector<16xf32>
    %lt3A_524 = arith.cmpi slt, %add3A_521, %select_n3A_514 : vector<16xi32>
    %and3A_525 = arith.andi %eq3A_523, %lt3A_524 : vector<16xi1>
    %or3A_526 = arith.ori %gt3A_522, %and3A_525 : vector<16xi1>
    %select_n3A_527 = arith.select %or3A_526, %scan3A_439#6, %select_n3A_513 : vector<16xi1>, vector<16xf32>
    %select_n3A_528 = arith.select %or3A_526, %add3A_521, %select_n3A_514 : vector<16xi1>, vector<16xi32>
    %mul3A_529 = arith.constant 128 : i32
    %mul3A_530 = vector.broadcast %mul3A_529 : i32 to vector<16xi32>
    %mul3A_531 = arith.muli %scan3A_439#15, %mul3A_530 : vector<16xi32>
    %add3A_532 = arith.constant 112 : i32
    %add3A_533 = vector.broadcast %add3A_532 : i32 to vector<16xi32>
    %add3A_534 = arith.addi %iota3A, %add3A_533 : vector<16xi32>
    %add3A_535 = arith.addi %mul3A_531, %add3A_534 : vector<16xi32>
    %gt3A_536 = arith.cmpf ogt, %scan3A_439#7, %select_n3A_527 : vector<16xf32>
    %eq3A_537 = arith.cmpf oeq, %scan3A_439#7, %select_n3A_527 : vector<16xf32>
    %lt3A_538 = arith.cmpi slt, %add3A_535, %select_n3A_528 : vector<16xi32>
    %and3A_539 = arith.andi %eq3A_537, %lt3A_538 : vector<16xi1>
    %or3A_540 = arith.ori %gt3A_536, %and3A_539 : vector<16xi1>
    %select_n3A_541 = arith.select %or3A_540, %scan3A_439#7, %select_n3A_527 : vector<16xi1>, vector<16xf32>
    %select_n3A_542 = arith.select %or3A_540, %add3A_535, %select_n3A_528 : vector<16xi1>, vector<16xi32>
    %xor3A_543 = arith.constant 8 : i32
    %xor3A_544 = vector.broadcast %xor3A_543 : i32 to vector<16xi32>
    %xor3A_545 = arith.xori %iota3A, %xor3A_544 : vector<16xi32>
    %lt3A_546 = arith.constant 0 : i32
    %lt3A_547 = vector.broadcast %lt3A_546 : i32 to vector<16xi32>
    %lt3A_548 = arith.cmpi slt, %xor3A_545, %lt3A_547 : vector<16xi32>
    %add3A_549 = arith.constant 16 : i32
    %add3A_550 = vector.broadcast %add3A_549 : i32 to vector<16xi32>
    %add3A_551 = arith.addi %xor3A_545, %add3A_550 : vector<16xi32>
    %select_n3A_552 = arith.select %lt3A_548, %add3A_551, %xor3A_545 : vector<16xi1>, vector<16xi32>
    %broadcast_in_dim3A_553 = vector.shape_cast %select_n3A_552 : vector<16xi32> to vector<16x1xi32>
    %gather3A_554 = vector.shape_cast %broadcast_in_dim3A_553 : vector<16x1xi32> to vector<16xi32>
    %gather3A_555 = tpu.dynamic_gather %select_n3A_541[%gather3A_554] in [0] : vector<16xf32>, vector<16xi32> -> vector<16xf32>
    %lt3A_556 = arith.constant 0 : i32
    %lt3A_557 = vector.broadcast %lt3A_556 : i32 to vector<16xi32>
    %lt3A_558 = arith.cmpi slt, %xor3A_545, %lt3A_557 : vector<16xi32>
    %add3A_559 = arith.constant 16 : i32
    %add3A_560 = vector.broadcast %add3A_559 : i32 to vector<16xi32>
    %add3A_561 = arith.addi %xor3A_545, %add3A_560 : vector<16xi32>
    %select_n3A_562 = arith.select %lt3A_558, %add3A_561, %xor3A_545 : vector<16xi1>, vector<16xi32>
    %broadcast_in_dim3A_563 = vector.shape_cast %select_n3A_562 : vector<16xi32> to vector<16x1xi32>
    %gather3A_564 = vector.shape_cast %broadcast_in_dim3A_563 : vector<16x1xi32> to vector<16xi32>
    %gather3A_565 = tpu.dynamic_gather %select_n3A_542[%gather3A_564] in [0] : vector<16xi32>, vector<16xi32> -> vector<16xi32>
    %gt3A_566 = arith.cmpf ogt, %gather3A_555, %select_n3A_541 : vector<16xf32>
    %eq3A_567 = arith.cmpf oeq, %gather3A_555, %select_n3A_541 : vector<16xf32>
    %lt3A_568 = arith.cmpi slt, %gather3A_565, %select_n3A_542 : vector<16xi32>
    %and3A_569 = arith.andi %eq3A_567, %lt3A_568 : vector<16xi1>
    %or3A_570 = arith.ori %gt3A_566, %and3A_569 : vector<16xi1>
    %select_n3A_571 = arith.select %or3A_570, %gather3A_555, %select_n3A_541 : vector<16xi1>, vector<16xf32>
    %select_n3A_572 = arith.select %or3A_570, %gather3A_565, %select_n3A_542 : vector<16xi1>, vector<16xi32>
    %xor3A_573 = arith.constant 4 : i32
    %xor3A_574 = vector.broadcast %xor3A_573 : i32 to vector<16xi32>
    %xor3A_575 = arith.xori %iota3A, %xor3A_574 : vector<16xi32>
    %lt3A_576 = arith.constant 0 : i32
    %lt3A_577 = vector.broadcast %lt3A_576 : i32 to vector<16xi32>
    %lt3A_578 = arith.cmpi slt, %xor3A_575, %lt3A_577 : vector<16xi32>
    %add3A_579 = arith.constant 16 : i32
    %add3A_580 = vector.broadcast %add3A_579 : i32 to vector<16xi32>
    %add3A_581 = arith.addi %xor3A_575, %add3A_580 : vector<16xi32>
    %select_n3A_582 = arith.select %lt3A_578, %add3A_581, %xor3A_575 : vector<16xi1>, vector<16xi32>
    %broadcast_in_dim3A_583 = vector.shape_cast %select_n3A_582 : vector<16xi32> to vector<16x1xi32>
    %gather3A_584 = vector.shape_cast %broadcast_in_dim3A_583 : vector<16x1xi32> to vector<16xi32>
    %gather3A_585 = tpu.dynamic_gather %select_n3A_571[%gather3A_584] in [0] : vector<16xf32>, vector<16xi32> -> vector<16xf32>
    %lt3A_586 = arith.constant 0 : i32
    %lt3A_587 = vector.broadcast %lt3A_586 : i32 to vector<16xi32>
    %lt3A_588 = arith.cmpi slt, %xor3A_575, %lt3A_587 : vector<16xi32>
    %add3A_589 = arith.constant 16 : i32
    %add3A_590 = vector.broadcast %add3A_589 : i32 to vector<16xi32>
    %add3A_591 = arith.addi %xor3A_575, %add3A_590 : vector<16xi32>
    %select_n3A_592 = arith.select %lt3A_588, %add3A_591, %xor3A_575 : vector<16xi1>, vector<16xi32>
    %broadcast_in_dim3A_593 = vector.shape_cast %select_n3A_592 : vector<16xi32> to vector<16x1xi32>
    %gather3A_594 = vector.shape_cast %broadcast_in_dim3A_593 : vector<16x1xi32> to vector<16xi32>
    %gather3A_595 = tpu.dynamic_gather %select_n3A_572[%gather3A_594] in [0] : vector<16xi32>, vector<16xi32> -> vector<16xi32>
    %gt3A_596 = arith.cmpf ogt, %gather3A_585, %select_n3A_571 : vector<16xf32>
    %eq3A_597 = arith.cmpf oeq, %gather3A_585, %select_n3A_571 : vector<16xf32>
    %lt3A_598 = arith.cmpi slt, %gather3A_595, %select_n3A_572 : vector<16xi32>
    %and3A_599 = arith.andi %eq3A_597, %lt3A_598 : vector<16xi1>
    %or3A_600 = arith.ori %gt3A_596, %and3A_599 : vector<16xi1>
    %select_n3A_601 = arith.select %or3A_600, %gather3A_585, %select_n3A_571 : vector<16xi1>, vector<16xf32>
    %select_n3A_602 = arith.select %or3A_600, %gather3A_595, %select_n3A_572 : vector<16xi1>, vector<16xi32>
    %xor3A_603 = arith.constant 2 : i32
    %xor3A_604 = vector.broadcast %xor3A_603 : i32 to vector<16xi32>
    %xor3A_605 = arith.xori %iota3A, %xor3A_604 : vector<16xi32>
    %lt3A_606 = arith.constant 0 : i32
    %lt3A_607 = vector.broadcast %lt3A_606 : i32 to vector<16xi32>
    %lt3A_608 = arith.cmpi slt, %xor3A_605, %lt3A_607 : vector<16xi32>
    %add3A_609 = arith.constant 16 : i32
    %add3A_610 = vector.broadcast %add3A_609 : i32 to vector<16xi32>
    %add3A_611 = arith.addi %xor3A_605, %add3A_610 : vector<16xi32>
    %select_n3A_612 = arith.select %lt3A_608, %add3A_611, %xor3A_605 : vector<16xi1>, vector<16xi32>
    %broadcast_in_dim3A_613 = vector.shape_cast %select_n3A_612 : vector<16xi32> to vector<16x1xi32>
    %gather3A_614 = vector.shape_cast %broadcast_in_dim3A_613 : vector<16x1xi32> to vector<16xi32>
    %gather3A_615 = tpu.dynamic_gather %select_n3A_601[%gather3A_614] in [0] : vector<16xf32>, vector<16xi32> -> vector<16xf32>
    %lt3A_616 = arith.constant 0 : i32
    %lt3A_617 = vector.broadcast %lt3A_616 : i32 to vector<16xi32>
    %lt3A_618 = arith.cmpi slt, %xor3A_605, %lt3A_617 : vector<16xi32>
    %add3A_619 = arith.constant 16 : i32
    %add3A_620 = vector.broadcast %add3A_619 : i32 to vector<16xi32>
    %add3A_621 = arith.addi %xor3A_605, %add3A_620 : vector<16xi32>
    %select_n3A_622 = arith.select %lt3A_618, %add3A_621, %xor3A_605 : vector<16xi1>, vector<16xi32>
    %broadcast_in_dim3A_623 = vector.shape_cast %select_n3A_622 : vector<16xi32> to vector<16x1xi32>
    %gather3A_624 = vector.shape_cast %broadcast_in_dim3A_623 : vector<16x1xi32> to vector<16xi32>
    %gather3A_625 = tpu.dynamic_gather %select_n3A_602[%gather3A_624] in [0] : vector<16xi32>, vector<16xi32> -> vector<16xi32>
    %gt3A_626 = arith.cmpf ogt, %gather3A_615, %select_n3A_601 : vector<16xf32>
    %eq3A_627 = arith.cmpf oeq, %gather3A_615, %select_n3A_601 : vector<16xf32>
    %lt3A_628 = arith.cmpi slt, %gather3A_625, %select_n3A_602 : vector<16xi32>
    %and3A_629 = arith.andi %eq3A_627, %lt3A_628 : vector<16xi1>
    %or3A_630 = arith.ori %gt3A_626, %and3A_629 : vector<16xi1>
    %select_n3A_631 = arith.select %or3A_630, %gather3A_615, %select_n3A_601 : vector<16xi1>, vector<16xf32>
    %select_n3A_632 = arith.select %or3A_630, %gather3A_625, %select_n3A_602 : vector<16xi1>, vector<16xi32>
    %xor3A_633 = arith.constant 1 : i32
    %xor3A_634 = vector.broadcast %xor3A_633 : i32 to vector<16xi32>
    %xor3A_635 = arith.xori %iota3A, %xor3A_634 : vector<16xi32>
    %lt3A_636 = arith.constant 0 : i32
    %lt3A_637 = vector.broadcast %lt3A_636 : i32 to vector<16xi32>
    %lt3A_638 = arith.cmpi slt, %xor3A_635, %lt3A_637 : vector<16xi32>
    %add3A_639 = arith.constant 16 : i32
    %add3A_640 = vector.broadcast %add3A_639 : i32 to vector<16xi32>
    %add3A_641 = arith.addi %xor3A_635, %add3A_640 : vector<16xi32>
    %select_n3A_642 = arith.select %lt3A_638, %add3A_641, %xor3A_635 : vector<16xi1>, vector<16xi32>
    %broadcast_in_dim3A_643 = vector.shape_cast %select_n3A_642 : vector<16xi32> to vector<16x1xi32>
    %gather3A_644 = vector.shape_cast %broadcast_in_dim3A_643 : vector<16x1xi32> to vector<16xi32>
    %gather3A_645 = tpu.dynamic_gather %select_n3A_631[%gather3A_644] in [0] : vector<16xf32>, vector<16xi32> -> vector<16xf32>
    %lt3A_646 = arith.constant 0 : i32
    %lt3A_647 = vector.broadcast %lt3A_646 : i32 to vector<16xi32>
    %lt3A_648 = arith.cmpi slt, %xor3A_635, %lt3A_647 : vector<16xi32>
    %add3A_649 = arith.constant 16 : i32
    %add3A_650 = vector.broadcast %add3A_649 : i32 to vector<16xi32>
    %add3A_651 = arith.addi %xor3A_635, %add3A_650 : vector<16xi32>
    %select_n3A_652 = arith.select %lt3A_648, %add3A_651, %xor3A_635 : vector<16xi1>, vector<16xi32>
    %broadcast_in_dim3A_653 = vector.shape_cast %select_n3A_652 : vector<16xi32> to vector<16x1xi32>
    %gather3A_654 = vector.shape_cast %broadcast_in_dim3A_653 : vector<16x1xi32> to vector<16xi32>
    %gather3A_655 = tpu.dynamic_gather %select_n3A_632[%gather3A_654] in [0] : vector<16xi32>, vector<16xi32> -> vector<16xi32>
    %gt3A_656 = arith.cmpf ogt, %gather3A_645, %select_n3A_631 : vector<16xf32>
    %eq3A_657 = arith.cmpf oeq, %gather3A_645, %select_n3A_631 : vector<16xf32>
    %lt3A_658 = arith.cmpi slt, %gather3A_655, %select_n3A_632 : vector<16xi32>
    %and3A_659 = arith.andi %eq3A_657, %lt3A_658 : vector<16xi1>
    %or3A_660 = arith.ori %gt3A_656, %and3A_659 : vector<16xi1>
    %select_n3A_661 = arith.select %or3A_660, %gather3A_645, %select_n3A_631 : vector<16xi1>, vector<16xf32>
    %select_n3A_662 = arith.select %or3A_660, %gather3A_655, %select_n3A_632 : vector<16xi1>, vector<16xi32>
    %eq3A_663 = arith.constant 0 : i32
    %eq3A_664 = vector.broadcast %eq3A_663 : i32 to vector<16xi32>
    %eq3A_665 = arith.cmpi eq, %iota3A, %eq3A_664 : vector<16xi32>
    %select_n3A_666 = arith.select %eq3A_665, %select_n3A_375, %select_n3A_661 : vector<16xi1>, vector<16xf32>
    %swap3A = arith.constant 0 : index
    %swap3A_667 = tpu.vector_load %arg7[%swap3A] {strides = array<i32>} : memref<16xf32, #tpu.memory_space<vmem>>, vector<16xf32>,
    %swap3A_668 = vector.shape_cast %swap3A_667 : vector<16xf32> to vector<16xf32>
    %swap3A_669 = vector.shape_cast %select_n3A_666 : vector<16xf32> to vector<16xf32>
    tpu.vector_store %arg7[%swap3A], %swap3A_669 {strides = array<i32>} : memref<16xf32, #tpu.memory_space<vmem>>, vector<16xf32>,
    %eq3A_670 = arith.constant 0 : i32
    %eq3A_671 = vector.broadcast %eq3A_670 : i32 to vector<16xi32>
    %eq3A_672 = arith.cmpi eq, %iota3A, %eq3A_671 : vector<16xi32>
    %select_n3A_673 = arith.select %eq3A_672, %select_n3A_376, %select_n3A_662 : vector<16xi1>, vector<16xi32>
    %swap3A_674 = arith.constant 0 : index
    %swap3A_675 = tpu.vector_load %arg8[%swap3A_674] {strides = array<i32>} : memref<16xi32, #tpu.memory_space<vmem>>, vector<16xi32>,
    %swap3A_676 = vector.shape_cast %swap3A_675 : vector<16xi32> to vector<16xi32>
    %swap3A_677 = vector.shape_cast %select_n3A_673 : vector<16xi32> to vector<16xi32>
    tpu.vector_store %arg8[%swap3A_674], %swap3A_677 {strides = array<i32>} : memref<16xi32, #tpu.memory_space<vmem>>, vector<16xi32>,
    %mul3A_678 = arith.constant 16 : i32
    %mul3A_679 = arith.muli %arg1, %mul3A_678 : i32
    "tpu.region"() ({
      %run_scoped3A = tpu.sem_alloc : memref<!tpu.dma_semaphore, #tpu.memory_space<semaphore_mem>>
      %dma_start3A_685 = tpu.memref_slice %arg9[%mul3A_679] : memref<256xf32, #tpu.memory_space<vmem_shared>> -> memref<16xf32, #tpu.memory_space<vmem_shared>>
      %dma_start3A_686 = tpu.memref_slice %arg9[%mul3A_679] : memref<256xf32, #tpu.memory_space<vmem_shared>> -> memref<16xf32, #tpu.memory_space<vmem_shared>>
      tpu.enqueue_dma source(%arg7 : memref<16xf32, #tpu.memory_space<vmem>>) target(%dma_start3A_686 : memref<16xf32, #tpu.memory_space<vmem_shared>>) target_semaphore(%run_scoped3A : memref<!tpu.dma_semaphore, #tpu.memory_space<semaphore_mem>>)
      %dma_wait3A_687 = tpu.memref_slice %arg9[%mul3A_679] : memref<256xf32, #tpu.memory_space<vmem_shared>> -> memref<16xf32, #tpu.memory_space<vmem_shared>>
      %dma_wait3A_688 = tpu.memref_slice %arg9[%mul3A_679] : memref<256xf32, #tpu.memory_space<vmem_shared>> -> memref<16xf32, #tpu.memory_space<vmem_shared>>
      tpu.wait_dma2 semaphore(%run_scoped3A : memref<!tpu.dma_semaphore, #tpu.memory_space<semaphore_mem>>) src(%arg7 : memref<16xf32, #tpu.memory_space<vmem>>) dst(%dma_wait3A_688 : memref<16xf32, #tpu.memory_space<vmem_shared>>)
      tpu.yield
    }) : () -> ()
    %mul3A_680 = arith.constant 16 : i32
    %mul3A_681 = arith.muli %arg1, %mul3A_680 : i32
    "tpu.region"() ({
      %run_scoped3A = tpu.sem_alloc : memref<!tpu.dma_semaphore, #tpu.memory_space<semaphore_mem>>
      %dma_start3A_685 = tpu.memref_slice %arg10[%mul3A_681] : memref<256xi32, #tpu.memory_space<vmem_shared>> -> memref<16xi32, #tpu.memory_space<vmem_shared>>
      %dma_start3A_686 = tpu.memref_slice %arg10[%mul3A_681] : memref<256xi32, #tpu.memory_space<vmem_shared>> -> memref<16xi32, #tpu.memory_space<vmem_shared>>
      tpu.enqueue_dma source(%arg8 : memref<16xi32, #tpu.memory_space<vmem>>) target(%dma_start3A_686 : memref<16xi32, #tpu.memory_space<vmem_shared>>) target_semaphore(%run_scoped3A : memref<!tpu.dma_semaphore, #tpu.memory_space<semaphore_mem>>)
      %dma_wait3A_687 = tpu.memref_slice %arg10[%mul3A_681] : memref<256xi32, #tpu.memory_space<vmem_shared>> -> memref<16xi32, #tpu.memory_space<vmem_shared>>
      %dma_wait3A_688 = tpu.memref_slice %arg10[%mul3A_681] : memref<256xi32, #tpu.memory_space<vmem_shared>> -> memref<16xi32, #tpu.memory_space<vmem_shared>>
      tpu.wait_dma2 semaphore(%run_scoped3A : memref<!tpu.dma_semaphore, #tpu.memory_space<semaphore_mem>>) src(%arg8 : memref<16xi32, #tpu.memory_space<vmem>>) dst(%dma_wait3A_688 : memref<16xi32, #tpu.memory_space<vmem_shared>>)
      tpu.yield
    }) : () -> ()
    %barrier3A = arith.constant 0 : index
    tpu.barrier barrier_id(%barrier3A)
    %eq3A_682 = arith.constant 0 : i32
    %eq3A_683 = arith.cmpi eq, %arg1, %eq3A_682 : i32
    %convert_element_type3A = arith.extui %eq3A_683 : i1 to i32
    %cond3A = arith.constant 0 : i32
    %cond3A_684 = arith.cmpi ne, %convert_element_type3A, %cond3A : i32
    scf.if %cond3A_684 {
      "tpu.region"() ({
        %run_scoped3A = tpu.sem_alloc : memref<!tpu.dma_semaphore, #tpu.memory_space<semaphore_mem>>
        tpu.enqueue_dma source(%arg9 : memref<256xf32, #tpu.memory_space<vmem_shared>>) target(%arg11 : memref<256xf32, #tpu.memory_space<vmem>>) target_semaphore(%run_scoped3A : memref<!tpu.dma_semaphore, #tpu.memory_space<semaphore_mem>>)
        tpu.wait_dma2 semaphore(%run_scoped3A : memref<!tpu.dma_semaphore, #tpu.memory_space<semaphore_mem>>) src(%arg9 : memref<256xf32, #tpu.memory_space<vmem_shared>>) dst(%arg11 : memref<256xf32, #tpu.memory_space<vmem>>)
        tpu.yield
      }) : () -> ()
      "tpu.region"() ({
        %run_scoped3A = tpu.sem_alloc : memref<!tpu.dma_semaphore, #tpu.memory_space<semaphore_mem>>
        tpu.enqueue_dma source(%arg10 : memref<256xi32, #tpu.memory_space<vmem_shared>>) target(%arg12 : memref<256xi32, #tpu.memory_space<vmem>>) target_semaphore(%run_scoped3A : memref<!tpu.dma_semaphore, #tpu.memory_space<semaphore_mem>>)
        tpu.wait_dma2 semaphore(%run_scoped3A : memref<!tpu.dma_semaphore, #tpu.memory_space<semaphore_mem>>) src(%arg10 : memref<256xi32, #tpu.memory_space<vmem_shared>>) dst(%arg12 : memref<256xi32, #tpu.memory_space<vmem>>)
        tpu.yield
      }) : () -> ()
      %shift_right_logical3A = arith.constant 1 : i32
      %shift_right_logical3A_685 = vector.broadcast %shift_right_logical3A : i32 to vector<16xi32>
      %shift_right_logical3A_686 = arith.shrui %iota3A, %shift_right_logical3A_685 : vector<16xi32>
      %broadcast_in_dim3A_687 = arith.constant 0.000000e+00 : f32
      %broadcast_in_dim3A_688 = vector.broadcast %broadcast_in_dim3A_687 : f32 to vector<16xf32>
      %get3A = arith.constant 0 : index
      %get3A_689 = tpu.vector_load %arg11[%get3A] {strides = array<i32>} : memref<256xf32, #tpu.memory_space<vmem>>, vector<16xf32>,
      %get3A_690 = vector.shape_cast %get3A_689 : vector<16xf32> to vector<16xf32>
      %sub3A = arith.constant 0 : i32
      %sub3A_691 = vector.broadcast %sub3A : i32 to vector<16xi32>
      %sub3A_692 = arith.subi %iota3A, %sub3A_691 : vector<16xi32>
      %and3A_693 = arith.constant 15 : i32
      %and3A_694 = vector.broadcast %and3A_693 : i32 to vector<16xi32>
      %and3A_695 = arith.andi %sub3A_692, %and3A_694 : vector<16xi32>
      %lt3A_696 = arith.constant 0 : i32
      %lt3A_697 = vector.broadcast %lt3A_696 : i32 to vector<16xi32>
      %lt3A_698 = arith.cmpi slt, %and3A_695, %lt3A_697 : vector<16xi32>
      %add3A_699 = arith.constant 16 : i32
      %add3A_700 = vector.broadcast %add3A_699 : i32 to vector<16xi32>
      %add3A_701 = arith.addi %and3A_695, %add3A_700 : vector<16xi32>
      %select_n3A_702 = arith.select %lt3A_698, %add3A_701, %and3A_695 : vector<16xi1>, vector<16xi32>
      %broadcast_in_dim3A_703 = vector.shape_cast %select_n3A_702 : vector<16xi32> to vector<16x1xi32>
      %gather3A_704 = vector.shape_cast %broadcast_in_dim3A_703 : vector<16x1xi32> to vector<16xi32>
      %gather3A_705 = tpu.dynamic_gather %get3A_690[%gather3A_704] in [0] : vector<16xf32>, vector<16xi32> -> vector<16xf32>
      %eq3A_706 = arith.constant 0 : i32
      %eq3A_707 = vector.broadcast %eq3A_706 : i32 to vector<16xi32>
      %eq3A_708 = arith.cmpi eq, %shift_right_logical3A_686, %eq3A_707 : vector<16xi32>
      %select_n3A_709 = arith.select %eq3A_708, %gather3A_705, %broadcast_in_dim3A_688 : vector<16xi1>, vector<16xf32>
      %get3A_710 = arith.constant 16 : index
      %get3A_711 = tpu.vector_load %arg11[%get3A_710] {strides = array<i32>} : memref<256xf32, #tpu.memory_space<vmem>>, vector<16xf32>,
      %get3A_712 = vector.shape_cast %get3A_711 : vector<16xf32> to vector<16xf32>
      %sub3A_713 = arith.constant 2 : i32
      %sub3A_714 = vector.broadcast %sub3A_713 : i32 to vector<16xi32>
      %sub3A_715 = arith.subi %iota3A, %sub3A_714 : vector<16xi32>
      %and3A_716 = arith.constant 15 : i32
      %and3A_717 = vector.broadcast %and3A_716 : i32 to vector<16xi32>
      %and3A_718 = arith.andi %sub3A_715, %and3A_717 : vector<16xi32>
      %lt3A_719 = arith.constant 0 : i32
      %lt3A_720 = vector.broadcast %lt3A_719 : i32 to vector<16xi32>
      %lt3A_721 = arith.cmpi slt, %and3A_718, %lt3A_720 : vector<16xi32>
      %add3A_722 = arith.constant 16 : i32
      %add3A_723 = vector.broadcast %add3A_722 : i32 to vector<16xi32>
      %add3A_724 = arith.addi %and3A_718, %add3A_723 : vector<16xi32>
      %select_n3A_725 = arith.select %lt3A_721, %add3A_724, %and3A_718 : vector<16xi1>, vector<16xi32>
      %broadcast_in_dim3A_726 = vector.shape_cast %select_n3A_725 : vector<16xi32> to vector<16x1xi32>
      %gather3A_727 = vector.shape_cast %broadcast_in_dim3A_726 : vector<16x1xi32> to vector<16xi32>
      %gather3A_728 = tpu.dynamic_gather %get3A_712[%gather3A_727] in [0] : vector<16xf32>, vector<16xi32> -> vector<16xf32>
      %eq3A_729 = arith.constant 1 : i32
      %eq3A_730 = vector.broadcast %eq3A_729 : i32 to vector<16xi32>
      %eq3A_731 = arith.cmpi eq, %shift_right_logical3A_686, %eq3A_730 : vector<16xi32>
      %select_n3A_732 = arith.select %eq3A_731, %gather3A_728, %select_n3A_709 : vector<16xi1>, vector<16xf32>
      %get3A_733 = arith.constant 32 : index
      %get3A_734 = tpu.vector_load %arg11[%get3A_733] {strides = array<i32>} : memref<256xf32, #tpu.memory_space<vmem>>, vector<16xf32>,
      %get3A_735 = vector.shape_cast %get3A_734 : vector<16xf32> to vector<16xf32>
      %sub3A_736 = arith.constant 4 : i32
      %sub3A_737 = vector.broadcast %sub3A_736 : i32 to vector<16xi32>
      %sub3A_738 = arith.subi %iota3A, %sub3A_737 : vector<16xi32>
      %and3A_739 = arith.constant 15 : i32
      %and3A_740 = vector.broadcast %and3A_739 : i32 to vector<16xi32>
      %and3A_741 = arith.andi %sub3A_738, %and3A_740 : vector<16xi32>
      %lt3A_742 = arith.constant 0 : i32
      %lt3A_743 = vector.broadcast %lt3A_742 : i32 to vector<16xi32>
      %lt3A_744 = arith.cmpi slt, %and3A_741, %lt3A_743 : vector<16xi32>
      %add3A_745 = arith.constant 16 : i32
      %add3A_746 = vector.broadcast %add3A_745 : i32 to vector<16xi32>
      %add3A_747 = arith.addi %and3A_741, %add3A_746 : vector<16xi32>
      %select_n3A_748 = arith.select %lt3A_744, %add3A_747, %and3A_741 : vector<16xi1>, vector<16xi32>
      %broadcast_in_dim3A_749 = vector.shape_cast %select_n3A_748 : vector<16xi32> to vector<16x1xi32>
      %gather3A_750 = vector.shape_cast %broadcast_in_dim3A_749 : vector<16x1xi32> to vector<16xi32>
      %gather3A_751 = tpu.dynamic_gather %get3A_735[%gather3A_750] in [0] : vector<16xf32>, vector<16xi32> -> vector<16xf32>
      %eq3A_752 = arith.constant 2 : i32
      %eq3A_753 = vector.broadcast %eq3A_752 : i32 to vector<16xi32>
      %eq3A_754 = arith.cmpi eq, %shift_right_logical3A_686, %eq3A_753 : vector<16xi32>
      %select_n3A_755 = arith.select %eq3A_754, %gather3A_751, %select_n3A_732 : vector<16xi1>, vector<16xf32>
      %get3A_756 = arith.constant 48 : index
      %get3A_757 = tpu.vector_load %arg11[%get3A_756] {strides = array<i32>} : memref<256xf32, #tpu.memory_space<vmem>>, vector<16xf32>,
      %get3A_758 = vector.shape_cast %get3A_757 : vector<16xf32> to vector<16xf32>
      %sub3A_759 = arith.constant 6 : i32
      %sub3A_760 = vector.broadcast %sub3A_759 : i32 to vector<16xi32>
      %sub3A_761 = arith.subi %iota3A, %sub3A_760 : vector<16xi32>
      %and3A_762 = arith.constant 15 : i32
      %and3A_763 = vector.broadcast %and3A_762 : i32 to vector<16xi32>
      %and3A_764 = arith.andi %sub3A_761, %and3A_763 : vector<16xi32>
      %lt3A_765 = arith.constant 0 : i32
      %lt3A_766 = vector.broadcast %lt3A_765 : i32 to vector<16xi32>
      %lt3A_767 = arith.cmpi slt, %and3A_764, %lt3A_766 : vector<16xi32>
      %add3A_768 = arith.constant 16 : i32
      %add3A_769 = vector.broadcast %add3A_768 : i32 to vector<16xi32>
      %add3A_770 = arith.addi %and3A_764, %add3A_769 : vector<16xi32>
      %select_n3A_771 = arith.select %lt3A_767, %add3A_770, %and3A_764 : vector<16xi1>, vector<16xi32>
      %broadcast_in_dim3A_772 = vector.shape_cast %select_n3A_771 : vector<16xi32> to vector<16x1xi32>
      %gather3A_773 = vector.shape_cast %broadcast_in_dim3A_772 : vector<16x1xi32> to vector<16xi32>
      %gather3A_774 = tpu.dynamic_gather %get3A_758[%gather3A_773] in [0] : vector<16xf32>, vector<16xi32> -> vector<16xf32>
      %eq3A_775 = arith.constant 3 : i32
      %eq3A_776 = vector.broadcast %eq3A_775 : i32 to vector<16xi32>
      %eq3A_777 = arith.cmpi eq, %shift_right_logical3A_686, %eq3A_776 : vector<16xi32>
      %select_n3A_778 = arith.select %eq3A_777, %gather3A_774, %select_n3A_755 : vector<16xi1>, vector<16xf32>
      %get3A_779 = arith.constant 64 : index
      %get3A_780 = tpu.vector_load %arg11[%get3A_779] {strides = array<i32>} : memref<256xf32, #tpu.memory_space<vmem>>, vector<16xf32>,
      %get3A_781 = vector.shape_cast %get3A_780 : vector<16xf32> to vector<16xf32>
      %sub3A_782 = arith.constant 8 : i32
      %sub3A_783 = vector.broadcast %sub3A_782 : i32 to vector<16xi32>
      %sub3A_784 = arith.subi %iota3A, %sub3A_783 : vector<16xi32>
      %and3A_785 = arith.constant 15 : i32
      %and3A_786 = vector.broadcast %and3A_785 : i32 to vector<16xi32>
      %and3A_787 = arith.andi %sub3A_784, %and3A_786 : vector<16xi32>
      %lt3A_788 = arith.constant 0 : i32
      %lt3A_789 = vector.broadcast %lt3A_788 : i32 to vector<16xi32>
      %lt3A_790 = arith.cmpi slt, %and3A_787, %lt3A_789 : vector<16xi32>
      %add3A_791 = arith.constant 16 : i32
      %add3A_792 = vector.broadcast %add3A_791 : i32 to vector<16xi32>
      %add3A_793 = arith.addi %and3A_787, %add3A_792 : vector<16xi32>
      %select_n3A_794 = arith.select %lt3A_790, %add3A_793, %and3A_787 : vector<16xi1>, vector<16xi32>
      %broadcast_in_dim3A_795 = vector.shape_cast %select_n3A_794 : vector<16xi32> to vector<16x1xi32>
      %gather3A_796 = vector.shape_cast %broadcast_in_dim3A_795 : vector<16x1xi32> to vector<16xi32>
      %gather3A_797 = tpu.dynamic_gather %get3A_781[%gather3A_796] in [0] : vector<16xf32>, vector<16xi32> -> vector<16xf32>
      %eq3A_798 = arith.constant 4 : i32
      %eq3A_799 = vector.broadcast %eq3A_798 : i32 to vector<16xi32>
      %eq3A_800 = arith.cmpi eq, %shift_right_logical3A_686, %eq3A_799 : vector<16xi32>
      %select_n3A_801 = arith.select %eq3A_800, %gather3A_797, %select_n3A_778 : vector<16xi1>, vector<16xf32>
      %get3A_802 = arith.constant 80 : index
      %get3A_803 = tpu.vector_load %arg11[%get3A_802] {strides = array<i32>} : memref<256xf32, #tpu.memory_space<vmem>>, vector<16xf32>,
      %get3A_804 = vector.shape_cast %get3A_803 : vector<16xf32> to vector<16xf32>
      %sub3A_805 = arith.constant 10 : i32
      %sub3A_806 = vector.broadcast %sub3A_805 : i32 to vector<16xi32>
      %sub3A_807 = arith.subi %iota3A, %sub3A_806 : vector<16xi32>
      %and3A_808 = arith.constant 15 : i32
      %and3A_809 = vector.broadcast %and3A_808 : i32 to vector<16xi32>
      %and3A_810 = arith.andi %sub3A_807, %and3A_809 : vector<16xi32>
      %lt3A_811 = arith.constant 0 : i32
      %lt3A_812 = vector.broadcast %lt3A_811 : i32 to vector<16xi32>
      %lt3A_813 = arith.cmpi slt, %and3A_810, %lt3A_812 : vector<16xi32>
      %add3A_814 = arith.constant 16 : i32
      %add3A_815 = vector.broadcast %add3A_814 : i32 to vector<16xi32>
      %add3A_816 = arith.addi %and3A_810, %add3A_815 : vector<16xi32>
      %select_n3A_817 = arith.select %lt3A_813, %add3A_816, %and3A_810 : vector<16xi1>, vector<16xi32>
      %broadcast_in_dim3A_818 = vector.shape_cast %select_n3A_817 : vector<16xi32> to vector<16x1xi32>
      %gather3A_819 = vector.shape_cast %broadcast_in_dim3A_818 : vector<16x1xi32> to vector<16xi32>
      %gather3A_820 = tpu.dynamic_gather %get3A_804[%gather3A_819] in [0] : vector<16xf32>, vector<16xi32> -> vector<16xf32>
      %eq3A_821 = arith.constant 5 : i32
      %eq3A_822 = vector.broadcast %eq3A_821 : i32 to vector<16xi32>
      %eq3A_823 = arith.cmpi eq, %shift_right_logical3A_686, %eq3A_822 : vector<16xi32>
      %select_n3A_824 = arith.select %eq3A_823, %gather3A_820, %select_n3A_801 : vector<16xi1>, vector<16xf32>
      %get3A_825 = arith.constant 96 : index
      %get3A_826 = tpu.vector_load %arg11[%get3A_825] {strides = array<i32>} : memref<256xf32, #tpu.memory_space<vmem>>, vector<16xf32>,
      %get3A_827 = vector.shape_cast %get3A_826 : vector<16xf32> to vector<16xf32>
      %sub3A_828 = arith.constant 12 : i32
      %sub3A_829 = vector.broadcast %sub3A_828 : i32 to vector<16xi32>
      %sub3A_830 = arith.subi %iota3A, %sub3A_829 : vector<16xi32>
      %and3A_831 = arith.constant 15 : i32
      %and3A_832 = vector.broadcast %and3A_831 : i32 to vector<16xi32>
      %and3A_833 = arith.andi %sub3A_830, %and3A_832 : vector<16xi32>
      %lt3A_834 = arith.constant 0 : i32
      %lt3A_835 = vector.broadcast %lt3A_834 : i32 to vector<16xi32>
      %lt3A_836 = arith.cmpi slt, %and3A_833, %lt3A_835 : vector<16xi32>
      %add3A_837 = arith.constant 16 : i32
      %add3A_838 = vector.broadcast %add3A_837 : i32 to vector<16xi32>
      %add3A_839 = arith.addi %and3A_833, %add3A_838 : vector<16xi32>
      %select_n3A_840 = arith.select %lt3A_836, %add3A_839, %and3A_833 : vector<16xi1>, vector<16xi32>
      %broadcast_in_dim3A_841 = vector.shape_cast %select_n3A_840 : vector<16xi32> to vector<16x1xi32>
      %gather3A_842 = vector.shape_cast %broadcast_in_dim3A_841 : vector<16x1xi32> to vector<16xi32>
      %gather3A_843 = tpu.dynamic_gather %get3A_827[%gather3A_842] in [0] : vector<16xf32>, vector<16xi32> -> vector<16xf32>
      %eq3A_844 = arith.constant 6 : i32
      %eq3A_845 = vector.broadcast %eq3A_844 : i32 to vector<16xi32>
      %eq3A_846 = arith.cmpi eq, %shift_right_logical3A_686, %eq3A_845 : vector<16xi32>
      %select_n3A_847 = arith.select %eq3A_846, %gather3A_843, %select_n3A_824 : vector<16xi1>, vector<16xf32>
      %get3A_848 = arith.constant 112 : index
      %get3A_849 = tpu.vector_load %arg11[%get3A_848] {strides = array<i32>} : memref<256xf32, #tpu.memory_space<vmem>>, vector<16xf32>,
      %get3A_850 = vector.shape_cast %get3A_849 : vector<16xf32> to vector<16xf32>
      %sub3A_851 = arith.constant 14 : i32
      %sub3A_852 = vector.broadcast %sub3A_851 : i32 to vector<16xi32>
      %sub3A_853 = arith.subi %iota3A, %sub3A_852 : vector<16xi32>
      %and3A_854 = arith.constant 15 : i32
      %and3A_855 = vector.broadcast %and3A_854 : i32 to vector<16xi32>
      %and3A_856 = arith.andi %sub3A_853, %and3A_855 : vector<16xi32>
      %lt3A_857 = arith.constant 0 : i32
      %lt3A_858 = vector.broadcast %lt3A_857 : i32 to vector<16xi32>
      %lt3A_859 = arith.cmpi slt, %and3A_856, %lt3A_858 : vector<16xi32>
      %add3A_860 = arith.constant 16 : i32
      %add3A_861 = vector.broadcast %add3A_860 : i32 to vector<16xi32>
      %add3A_862 = arith.addi %and3A_856, %add3A_861 : vector<16xi32>
      %select_n3A_863 = arith.select %lt3A_859, %add3A_862, %and3A_856 : vector<16xi1>, vector<16xi32>
      %broadcast_in_dim3A_864 = vector.shape_cast %select_n3A_863 : vector<16xi32> to vector<16x1xi32>
      %gather3A_865 = vector.shape_cast %broadcast_in_dim3A_864 : vector<16x1xi32> to vector<16xi32>
      %gather3A_866 = tpu.dynamic_gather %get3A_850[%gather3A_865] in [0] : vector<16xf32>, vector<16xi32> -> vector<16xf32>
      %eq3A_867 = arith.constant 7 : i32
      %eq3A_868 = vector.broadcast %eq3A_867 : i32 to vector<16xi32>
      %eq3A_869 = arith.cmpi eq, %shift_right_logical3A_686, %eq3A_868 : vector<16xi32>
      %select_n3A_870 = arith.select %eq3A_869, %gather3A_866, %select_n3A_847 : vector<16xi1>, vector<16xf32>
      %swap3A_871 = arith.constant 0 : index
      %swap3A_872 = tpu.vector_load %arg13[%swap3A_871] {strides = array<i32>} : memref<32xf32, #tpu.memory_space<vmem>>, vector<16xf32>,
      %swap3A_873 = vector.shape_cast %swap3A_872 : vector<16xf32> to vector<16xf32>
      %swap3A_874 = vector.shape_cast %select_n3A_870 : vector<16xf32> to vector<16xf32>
      tpu.vector_store %arg13[%swap3A_871], %swap3A_874 {strides = array<i32>} : memref<32xf32, #tpu.memory_space<vmem>>, vector<16xf32>,
      %get3A_875 = arith.constant 128 : index
      %get3A_876 = tpu.vector_load %arg11[%get3A_875] {strides = array<i32>} : memref<256xf32, #tpu.memory_space<vmem>>, vector<16xf32>,
      %get3A_877 = vector.shape_cast %get3A_876 : vector<16xf32> to vector<16xf32>
      %sub3A_878 = arith.constant 0 : i32
      %sub3A_879 = vector.broadcast %sub3A_878 : i32 to vector<16xi32>
      %sub3A_880 = arith.subi %iota3A, %sub3A_879 : vector<16xi32>
      %and3A_881 = arith.constant 15 : i32
      %and3A_882 = vector.broadcast %and3A_881 : i32 to vector<16xi32>
      %and3A_883 = arith.andi %sub3A_880, %and3A_882 : vector<16xi32>
      %lt3A_884 = arith.constant 0 : i32
      %lt3A_885 = vector.broadcast %lt3A_884 : i32 to vector<16xi32>
      %lt3A_886 = arith.cmpi slt, %and3A_883, %lt3A_885 : vector<16xi32>
      %add3A_887 = arith.constant 16 : i32
      %add3A_888 = vector.broadcast %add3A_887 : i32 to vector<16xi32>
      %add3A_889 = arith.addi %and3A_883, %add3A_888 : vector<16xi32>
      %select_n3A_890 = arith.select %lt3A_886, %add3A_889, %and3A_883 : vector<16xi1>, vector<16xi32>
      %broadcast_in_dim3A_891 = vector.shape_cast %select_n3A_890 : vector<16xi32> to vector<16x1xi32>
      %gather3A_892 = vector.shape_cast %broadcast_in_dim3A_891 : vector<16x1xi32> to vector<16xi32>
      %gather3A_893 = tpu.dynamic_gather %get3A_877[%gather3A_892] in [0] : vector<16xf32>, vector<16xi32> -> vector<16xf32>
      %eq3A_894 = arith.constant 0 : i32
      %eq3A_895 = vector.broadcast %eq3A_894 : i32 to vector<16xi32>
      %eq3A_896 = arith.cmpi eq, %shift_right_logical3A_686, %eq3A_895 : vector<16xi32>
      %select_n3A_897 = arith.select %eq3A_896, %gather3A_893, %broadcast_in_dim3A_688 : vector<16xi1>, vector<16xf32>
      %get3A_898 = arith.constant 144 : index
      %get3A_899 = tpu.vector_load %arg11[%get3A_898] {strides = array<i32>} : memref<256xf32, #tpu.memory_space<vmem>>, vector<16xf32>,
      %get3A_900 = vector.shape_cast %get3A_899 : vector<16xf32> to vector<16xf32>
      %sub3A_901 = arith.constant 2 : i32
      %sub3A_902 = vector.broadcast %sub3A_901 : i32 to vector<16xi32>
      %sub3A_903 = arith.subi %iota3A, %sub3A_902 : vector<16xi32>
      %and3A_904 = arith.constant 15 : i32
      %and3A_905 = vector.broadcast %and3A_904 : i32 to vector<16xi32>
      %and3A_906 = arith.andi %sub3A_903, %and3A_905 : vector<16xi32>
      %lt3A_907 = arith.constant 0 : i32
      %lt3A_908 = vector.broadcast %lt3A_907 : i32 to vector<16xi32>
      %lt3A_909 = arith.cmpi slt, %and3A_906, %lt3A_908 : vector<16xi32>
      %add3A_910 = arith.constant 16 : i32
      %add3A_911 = vector.broadcast %add3A_910 : i32 to vector<16xi32>
      %add3A_912 = arith.addi %and3A_906, %add3A_911 : vector<16xi32>
      %select_n3A_913 = arith.select %lt3A_909, %add3A_912, %and3A_906 : vector<16xi1>, vector<16xi32>
      %broadcast_in_dim3A_914 = vector.shape_cast %select_n3A_913 : vector<16xi32> to vector<16x1xi32>
      %gather3A_915 = vector.shape_cast %broadcast_in_dim3A_914 : vector<16x1xi32> to vector<16xi32>
      %gather3A_916 = tpu.dynamic_gather %get3A_900[%gather3A_915] in [0] : vector<16xf32>, vector<16xi32> -> vector<16xf32>
      %eq3A_917 = arith.constant 1 : i32
      %eq3A_918 = vector.broadcast %eq3A_917 : i32 to vector<16xi32>
      %eq3A_919 = arith.cmpi eq, %shift_right_logical3A_686, %eq3A_918 : vector<16xi32>
      %select_n3A_920 = arith.select %eq3A_919, %gather3A_916, %select_n3A_897 : vector<16xi1>, vector<16xf32>
      %get3A_921 = arith.constant 160 : index
      %get3A_922 = tpu.vector_load %arg11[%get3A_921] {strides = array<i32>} : memref<256xf32, #tpu.memory_space<vmem>>, vector<16xf32>,
      %get3A_923 = vector.shape_cast %get3A_922 : vector<16xf32> to vector<16xf32>
      %sub3A_924 = arith.constant 4 : i32
      %sub3A_925 = vector.broadcast %sub3A_924 : i32 to vector<16xi32>
      %sub3A_926 = arith.subi %iota3A, %sub3A_925 : vector<16xi32>
      %and3A_927 = arith.constant 15 : i32
      %and3A_928 = vector.broadcast %and3A_927 : i32 to vector<16xi32>
      %and3A_929 = arith.andi %sub3A_926, %and3A_928 : vector<16xi32>
      %lt3A_930 = arith.constant 0 : i32
      %lt3A_931 = vector.broadcast %lt3A_930 : i32 to vector<16xi32>
      %lt3A_932 = arith.cmpi slt, %and3A_929, %lt3A_931 : vector<16xi32>
      %add3A_933 = arith.constant 16 : i32
      %add3A_934 = vector.broadcast %add3A_933 : i32 to vector<16xi32>
      %add3A_935 = arith.addi %and3A_929, %add3A_934 : vector<16xi32>
      %select_n3A_936 = arith.select %lt3A_932, %add3A_935, %and3A_929 : vector<16xi1>, vector<16xi32>
      %broadcast_in_dim3A_937 = vector.shape_cast %select_n3A_936 : vector<16xi32> to vector<16x1xi32>
      %gather3A_938 = vector.shape_cast %broadcast_in_dim3A_937 : vector<16x1xi32> to vector<16xi32>
      %gather3A_939 = tpu.dynamic_gather %get3A_923[%gather3A_938] in [0] : vector<16xf32>, vector<16xi32> -> vector<16xf32>
      %eq3A_940 = arith.constant 2 : i32
      %eq3A_941 = vector.broadcast %eq3A_940 : i32 to vector<16xi32>
      %eq3A_942 = arith.cmpi eq, %shift_right_logical3A_686, %eq3A_941 : vector<16xi32>
      %select_n3A_943 = arith.select %eq3A_942, %gather3A_939, %select_n3A_920 : vector<16xi1>, vector<16xf32>
      %get3A_944 = arith.constant 176 : index
      %get3A_945 = tpu.vector_load %arg11[%get3A_944] {strides = array<i32>} : memref<256xf32, #tpu.memory_space<vmem>>, vector<16xf32>,
      %get3A_946 = vector.shape_cast %get3A_945 : vector<16xf32> to vector<16xf32>
      %sub3A_947 = arith.constant 6 : i32
      %sub3A_948 = vector.broadcast %sub3A_947 : i32 to vector<16xi32>
      %sub3A_949 = arith.subi %iota3A, %sub3A_948 : vector<16xi32>
      %and3A_950 = arith.constant 15 : i32
      %and3A_951 = vector.broadcast %and3A_950 : i32 to vector<16xi32>
      %and3A_952 = arith.andi %sub3A_949, %and3A_951 : vector<16xi32>
      %lt3A_953 = arith.constant 0 : i32
      %lt3A_954 = vector.broadcast %lt3A_953 : i32 to vector<16xi32>
      %lt3A_955 = arith.cmpi slt, %and3A_952, %lt3A_954 : vector<16xi32>
      %add3A_956 = arith.constant 16 : i32
      %add3A_957 = vector.broadcast %add3A_956 : i32 to vector<16xi32>
      %add3A_958 = arith.addi %and3A_952, %add3A_957 : vector<16xi32>
      %select_n3A_959 = arith.select %lt3A_955, %add3A_958, %and3A_952 : vector<16xi1>, vector<16xi32>
      %broadcast_in_dim3A_960 = vector.shape_cast %select_n3A_959 : vector<16xi32> to vector<16x1xi32>
      %gather3A_961 = vector.shape_cast %broadcast_in_dim3A_960 : vector<16x1xi32> to vector<16xi32>
      %gather3A_962 = tpu.dynamic_gather %get3A_946[%gather3A_961] in [0] : vector<16xf32>, vector<16xi32> -> vector<16xf32>
      %eq3A_963 = arith.constant 3 : i32
      %eq3A_964 = vector.broadcast %eq3A_963 : i32 to vector<16xi32>
      %eq3A_965 = arith.cmpi eq, %shift_right_logical3A_686, %eq3A_964 : vector<16xi32>
      %select_n3A_966 = arith.select %eq3A_965, %gather3A_962, %select_n3A_943 : vector<16xi1>, vector<16xf32>
      %get3A_967 = arith.constant 192 : index
      %get3A_968 = tpu.vector_load %arg11[%get3A_967] {strides = array<i32>} : memref<256xf32, #tpu.memory_space<vmem>>, vector<16xf32>,
      %get3A_969 = vector.shape_cast %get3A_968 : vector<16xf32> to vector<16xf32>
      %sub3A_970 = arith.constant 8 : i32
      %sub3A_971 = vector.broadcast %sub3A_970 : i32 to vector<16xi32>
      %sub3A_972 = arith.subi %iota3A, %sub3A_971 : vector<16xi32>
      %and3A_973 = arith.constant 15 : i32
      %and3A_974 = vector.broadcast %and3A_973 : i32 to vector<16xi32>
      %and3A_975 = arith.andi %sub3A_972, %and3A_974 : vector<16xi32>
      %lt3A_976 = arith.constant 0 : i32
      %lt3A_977 = vector.broadcast %lt3A_976 : i32 to vector<16xi32>
      %lt3A_978 = arith.cmpi slt, %and3A_975, %lt3A_977 : vector<16xi32>
      %add3A_979 = arith.constant 16 : i32
      %add3A_980 = vector.broadcast %add3A_979 : i32 to vector<16xi32>
      %add3A_981 = arith.addi %and3A_975, %add3A_980 : vector<16xi32>
      %select_n3A_982 = arith.select %lt3A_978, %add3A_981, %and3A_975 : vector<16xi1>, vector<16xi32>
      %broadcast_in_dim3A_983 = vector.shape_cast %select_n3A_982 : vector<16xi32> to vector<16x1xi32>
      %gather3A_984 = vector.shape_cast %broadcast_in_dim3A_983 : vector<16x1xi32> to vector<16xi32>
      %gather3A_985 = tpu.dynamic_gather %get3A_969[%gather3A_984] in [0] : vector<16xf32>, vector<16xi32> -> vector<16xf32>
      %eq3A_986 = arith.constant 4 : i32
      %eq3A_987 = vector.broadcast %eq3A_986 : i32 to vector<16xi32>
      %eq3A_988 = arith.cmpi eq, %shift_right_logical3A_686, %eq3A_987 : vector<16xi32>
      %select_n3A_989 = arith.select %eq3A_988, %gather3A_985, %select_n3A_966 : vector<16xi1>, vector<16xf32>
      %get3A_990 = arith.constant 208 : index
      %get3A_991 = tpu.vector_load %arg11[%get3A_990] {strides = array<i32>} : memref<256xf32, #tpu.memory_space<vmem>>, vector<16xf32>,
      %get3A_992 = vector.shape_cast %get3A_991 : vector<16xf32> to vector<16xf32>
      %sub3A_993 = arith.constant 10 : i32
      %sub3A_994 = vector.broadcast %sub3A_993 : i32 to vector<16xi32>
      %sub3A_995 = arith.subi %iota3A, %sub3A_994 : vector<16xi32>
      %and3A_996 = arith.constant 15 : i32
      %and3A_997 = vector.broadcast %and3A_996 : i32 to vector<16xi32>
      %and3A_998 = arith.andi %sub3A_995, %and3A_997 : vector<16xi32>
      %lt3A_999 = arith.constant 0 : i32
      %lt3A_1000 = vector.broadcast %lt3A_999 : i32 to vector<16xi32>
      %lt3A_1001 = arith.cmpi slt, %and3A_998, %lt3A_1000 : vector<16xi32>
      %add3A_1002 = arith.constant 16 : i32
      %add3A_1003 = vector.broadcast %add3A_1002 : i32 to vector<16xi32>
      %add3A_1004 = arith.addi %and3A_998, %add3A_1003 : vector<16xi32>
      %select_n3A_1005 = arith.select %lt3A_1001, %add3A_1004, %and3A_998 : vector<16xi1>, vector<16xi32>
      %broadcast_in_dim3A_1006 = vector.shape_cast %select_n3A_1005 : vector<16xi32> to vector<16x1xi32>
      %gather3A_1007 = vector.shape_cast %broadcast_in_dim3A_1006 : vector<16x1xi32> to vector<16xi32>
      %gather3A_1008 = tpu.dynamic_gather %get3A_992[%gather3A_1007] in [0] : vector<16xf32>, vector<16xi32> -> vector<16xf32>
      %eq3A_1009 = arith.constant 5 : i32
      %eq3A_1010 = vector.broadcast %eq3A_1009 : i32 to vector<16xi32>
      %eq3A_1011 = arith.cmpi eq, %shift_right_logical3A_686, %eq3A_1010 : vector<16xi32>
      %select_n3A_1012 = arith.select %eq3A_1011, %gather3A_1008, %select_n3A_989 : vector<16xi1>, vector<16xf32>
      %get3A_1013 = arith.constant 224 : index
      %get3A_1014 = tpu.vector_load %arg11[%get3A_1013] {strides = array<i32>} : memref<256xf32, #tpu.memory_space<vmem>>, vector<16xf32>,
      %get3A_1015 = vector.shape_cast %get3A_1014 : vector<16xf32> to vector<16xf32>
      %sub3A_1016 = arith.constant 12 : i32
      %sub3A_1017 = vector.broadcast %sub3A_1016 : i32 to vector<16xi32>
      %sub3A_1018 = arith.subi %iota3A, %sub3A_1017 : vector<16xi32>
      %and3A_1019 = arith.constant 15 : i32
      %and3A_1020 = vector.broadcast %and3A_1019 : i32 to vector<16xi32>
      %and3A_1021 = arith.andi %sub3A_1018, %and3A_1020 : vector<16xi32>
      %lt3A_1022 = arith.constant 0 : i32
      %lt3A_1023 = vector.broadcast %lt3A_1022 : i32 to vector<16xi32>
      %lt3A_1024 = arith.cmpi slt, %and3A_1021, %lt3A_1023 : vector<16xi32>
      %add3A_1025 = arith.constant 16 : i32
      %add3A_1026 = vector.broadcast %add3A_1025 : i32 to vector<16xi32>
      %add3A_1027 = arith.addi %and3A_1021, %add3A_1026 : vector<16xi32>
      %select_n3A_1028 = arith.select %lt3A_1024, %add3A_1027, %and3A_1021 : vector<16xi1>, vector<16xi32>
      %broadcast_in_dim3A_1029 = vector.shape_cast %select_n3A_1028 : vector<16xi32> to vector<16x1xi32>
      %gather3A_1030 = vector.shape_cast %broadcast_in_dim3A_1029 : vector<16x1xi32> to vector<16xi32>
      %gather3A_1031 = tpu.dynamic_gather %get3A_1015[%gather3A_1030] in [0] : vector<16xf32>, vector<16xi32> -> vector<16xf32>
      %eq3A_1032 = arith.constant 6 : i32
      %eq3A_1033 = vector.broadcast %eq3A_1032 : i32 to vector<16xi32>
      %eq3A_1034 = arith.cmpi eq, %shift_right_logical3A_686, %eq3A_1033 : vector<16xi32>
      %select_n3A_1035 = arith.select %eq3A_1034, %gather3A_1031, %select_n3A_1012 : vector<16xi1>, vector<16xf32>
      %get3A_1036 = arith.constant 240 : index
      %get3A_1037 = tpu.vector_load %arg11[%get3A_1036] {strides = array<i32>} : memref<256xf32, #tpu.memory_space<vmem>>, vector<16xf32>,
      %get3A_1038 = vector.shape_cast %get3A_1037 : vector<16xf32> to vector<16xf32>
      %sub3A_1039 = arith.constant 14 : i32
      %sub3A_1040 = vector.broadcast %sub3A_1039 : i32 to vector<16xi32>
      %sub3A_1041 = arith.subi %iota3A, %sub3A_1040 : vector<16xi32>
      %and3A_1042 = arith.constant 15 : i32
      %and3A_1043 = vector.broadcast %and3A_1042 : i32 to vector<16xi32>
      %and3A_1044 = arith.andi %sub3A_1041, %and3A_1043 : vector<16xi32>
      %lt3A_1045 = arith.constant 0 : i32
      %lt3A_1046 = vector.broadcast %lt3A_1045 : i32 to vector<16xi32>
      %lt3A_1047 = arith.cmpi slt, %and3A_1044, %lt3A_1046 : vector<16xi32>
      %add3A_1048 = arith.constant 16 : i32
      %add3A_1049 = vector.broadcast %add3A_1048 : i32 to vector<16xi32>
      %add3A_1050 = arith.addi %and3A_1044, %add3A_1049 : vector<16xi32>
      %select_n3A_1051 = arith.select %lt3A_1047, %add3A_1050, %and3A_1044 : vector<16xi1>, vector<16xi32>
      %broadcast_in_dim3A_1052 = vector.shape_cast %select_n3A_1051 : vector<16xi32> to vector<16x1xi32>
      %gather3A_1053 = vector.shape_cast %broadcast_in_dim3A_1052 : vector<16x1xi32> to vector<16xi32>
      %gather3A_1054 = tpu.dynamic_gather %get3A_1038[%gather3A_1053] in [0] : vector<16xf32>, vector<16xi32> -> vector<16xf32>
      %eq3A_1055 = arith.constant 7 : i32
      %eq3A_1056 = vector.broadcast %eq3A_1055 : i32 to vector<16xi32>
      %eq3A_1057 = arith.cmpi eq, %shift_right_logical3A_686, %eq3A_1056 : vector<16xi32>
      %select_n3A_1058 = arith.select %eq3A_1057, %gather3A_1054, %select_n3A_1035 : vector<16xi1>, vector<16xf32>
      %swap3A_1059 = arith.constant 16 : index
      %swap3A_1060 = tpu.vector_load %arg13[%swap3A_1059] {strides = array<i32>} : memref<32xf32, #tpu.memory_space<vmem>>, vector<16xf32>,
      %swap3A_1061 = vector.shape_cast %swap3A_1060 : vector<16xf32> to vector<16xf32>
      %swap3A_1062 = vector.shape_cast %select_n3A_1058 : vector<16xf32> to vector<16xf32>
      tpu.vector_store %arg13[%swap3A_1059], %swap3A_1062 {strides = array<i32>} : memref<32xf32, #tpu.memory_space<vmem>>, vector<16xf32>,
      %broadcast_in_dim3A_1063 = arith.constant 0 : i32
      %broadcast_in_dim3A_1064 = vector.broadcast %broadcast_in_dim3A_1063 : i32 to vector<16xi32>
      %get3A_1065 = arith.constant 0 : index
      %get3A_1066 = tpu.vector_load %arg12[%get3A_1065] {strides = array<i32>} : memref<256xi32, #tpu.memory_space<vmem>>, vector<16xi32>,
      %get3A_1067 = vector.shape_cast %get3A_1066 : vector<16xi32> to vector<16xi32>
      %sub3A_1068 = arith.constant 0 : i32
      %sub3A_1069 = vector.broadcast %sub3A_1068 : i32 to vector<16xi32>
      %sub3A_1070 = arith.subi %iota3A, %sub3A_1069 : vector<16xi32>
      %and3A_1071 = arith.constant 15 : i32
      %and3A_1072 = vector.broadcast %and3A_1071 : i32 to vector<16xi32>
      %and3A_1073 = arith.andi %sub3A_1070, %and3A_1072 : vector<16xi32>
      %lt3A_1074 = arith.constant 0 : i32
      %lt3A_1075 = vector.broadcast %lt3A_1074 : i32 to vector<16xi32>
      %lt3A_1076 = arith.cmpi slt, %and3A_1073, %lt3A_1075 : vector<16xi32>
      %add3A_1077 = arith.constant 16 : i32
      %add3A_1078 = vector.broadcast %add3A_1077 : i32 to vector<16xi32>
      %add3A_1079 = arith.addi %and3A_1073, %add3A_1078 : vector<16xi32>
      %select_n3A_1080 = arith.select %lt3A_1076, %add3A_1079, %and3A_1073 : vector<16xi1>, vector<16xi32>
      %broadcast_in_dim3A_1081 = vector.shape_cast %select_n3A_1080 : vector<16xi32> to vector<16x1xi32>
      %gather3A_1082 = vector.shape_cast %broadcast_in_dim3A_1081 : vector<16x1xi32> to vector<16xi32>
      %gather3A_1083 = tpu.dynamic_gather %get3A_1067[%gather3A_1082] in [0] : vector<16xi32>, vector<16xi32> -> vector<16xi32>
      %eq3A_1084 = arith.constant 0 : i32
      %eq3A_1085 = vector.broadcast %eq3A_1084 : i32 to vector<16xi32>
      %eq3A_1086 = arith.cmpi eq, %shift_right_logical3A_686, %eq3A_1085 : vector<16xi32>
      %select_n3A_1087 = arith.select %eq3A_1086, %gather3A_1083, %broadcast_in_dim3A_1064 : vector<16xi1>, vector<16xi32>
      %get3A_1088 = arith.constant 16 : index
      %get3A_1089 = tpu.vector_load %arg12[%get3A_1088] {strides = array<i32>} : memref<256xi32, #tpu.memory_space<vmem>>, vector<16xi32>,
      %get3A_1090 = vector.shape_cast %get3A_1089 : vector<16xi32> to vector<16xi32>
      %sub3A_1091 = arith.constant 2 : i32
      %sub3A_1092 = vector.broadcast %sub3A_1091 : i32 to vector<16xi32>
      %sub3A_1093 = arith.subi %iota3A, %sub3A_1092 : vector<16xi32>
      %and3A_1094 = arith.constant 15 : i32
      %and3A_1095 = vector.broadcast %and3A_1094 : i32 to vector<16xi32>
      %and3A_1096 = arith.andi %sub3A_1093, %and3A_1095 : vector<16xi32>
      %lt3A_1097 = arith.constant 0 : i32
      %lt3A_1098 = vector.broadcast %lt3A_1097 : i32 to vector<16xi32>
      %lt3A_1099 = arith.cmpi slt, %and3A_1096, %lt3A_1098 : vector<16xi32>
      %add3A_1100 = arith.constant 16 : i32
      %add3A_1101 = vector.broadcast %add3A_1100 : i32 to vector<16xi32>
      %add3A_1102 = arith.addi %and3A_1096, %add3A_1101 : vector<16xi32>
      %select_n3A_1103 = arith.select %lt3A_1099, %add3A_1102, %and3A_1096 : vector<16xi1>, vector<16xi32>
      %broadcast_in_dim3A_1104 = vector.shape_cast %select_n3A_1103 : vector<16xi32> to vector<16x1xi32>
      %gather3A_1105 = vector.shape_cast %broadcast_in_dim3A_1104 : vector<16x1xi32> to vector<16xi32>
      %gather3A_1106 = tpu.dynamic_gather %get3A_1090[%gather3A_1105] in [0] : vector<16xi32>, vector<16xi32> -> vector<16xi32>
      %eq3A_1107 = arith.constant 1 : i32
      %eq3A_1108 = vector.broadcast %eq3A_1107 : i32 to vector<16xi32>
      %eq3A_1109 = arith.cmpi eq, %shift_right_logical3A_686, %eq3A_1108 : vector<16xi32>
      %select_n3A_1110 = arith.select %eq3A_1109, %gather3A_1106, %select_n3A_1087 : vector<16xi1>, vector<16xi32>
      %get3A_1111 = arith.constant 32 : index
      %get3A_1112 = tpu.vector_load %arg12[%get3A_1111] {strides = array<i32>} : memref<256xi32, #tpu.memory_space<vmem>>, vector<16xi32>,
      %get3A_1113 = vector.shape_cast %get3A_1112 : vector<16xi32> to vector<16xi32>
      %sub3A_1114 = arith.constant 4 : i32
      %sub3A_1115 = vector.broadcast %sub3A_1114 : i32 to vector<16xi32>
      %sub3A_1116 = arith.subi %iota3A, %sub3A_1115 : vector<16xi32>
      %and3A_1117 = arith.constant 15 : i32
      %and3A_1118 = vector.broadcast %and3A_1117 : i32 to vector<16xi32>
      %and3A_1119 = arith.andi %sub3A_1116, %and3A_1118 : vector<16xi32>
      %lt3A_1120 = arith.constant 0 : i32
      %lt3A_1121 = vector.broadcast %lt3A_1120 : i32 to vector<16xi32>
      %lt3A_1122 = arith.cmpi slt, %and3A_1119, %lt3A_1121 : vector<16xi32>
      %add3A_1123 = arith.constant 16 : i32
      %add3A_1124 = vector.broadcast %add3A_1123 : i32 to vector<16xi32>
      %add3A_1125 = arith.addi %and3A_1119, %add3A_1124 : vector<16xi32>
      %select_n3A_1126 = arith.select %lt3A_1122, %add3A_1125, %and3A_1119 : vector<16xi1>, vector<16xi32>
      %broadcast_in_dim3A_1127 = vector.shape_cast %select_n3A_1126 : vector<16xi32> to vector<16x1xi32>
      %gather3A_1128 = vector.shape_cast %broadcast_in_dim3A_1127 : vector<16x1xi32> to vector<16xi32>
      %gather3A_1129 = tpu.dynamic_gather %get3A_1113[%gather3A_1128] in [0] : vector<16xi32>, vector<16xi32> -> vector<16xi32>
      %eq3A_1130 = arith.constant 2 : i32
      %eq3A_1131 = vector.broadcast %eq3A_1130 : i32 to vector<16xi32>
      %eq3A_1132 = arith.cmpi eq, %shift_right_logical3A_686, %eq3A_1131 : vector<16xi32>
      %select_n3A_1133 = arith.select %eq3A_1132, %gather3A_1129, %select_n3A_1110 : vector<16xi1>, vector<16xi32>
      %get3A_1134 = arith.constant 48 : index
      %get3A_1135 = tpu.vector_load %arg12[%get3A_1134] {strides = array<i32>} : memref<256xi32, #tpu.memory_space<vmem>>, vector<16xi32>,
      %get3A_1136 = vector.shape_cast %get3A_1135 : vector<16xi32> to vector<16xi32>
      %sub3A_1137 = arith.constant 6 : i32
      %sub3A_1138 = vector.broadcast %sub3A_1137 : i32 to vector<16xi32>
      %sub3A_1139 = arith.subi %iota3A, %sub3A_1138 : vector<16xi32>
      %and3A_1140 = arith.constant 15 : i32
      %and3A_1141 = vector.broadcast %and3A_1140 : i32 to vector<16xi32>
      %and3A_1142 = arith.andi %sub3A_1139, %and3A_1141 : vector<16xi32>
      %lt3A_1143 = arith.constant 0 : i32
      %lt3A_1144 = vector.broadcast %lt3A_1143 : i32 to vector<16xi32>
      %lt3A_1145 = arith.cmpi slt, %and3A_1142, %lt3A_1144 : vector<16xi32>
      %add3A_1146 = arith.constant 16 : i32
      %add3A_1147 = vector.broadcast %add3A_1146 : i32 to vector<16xi32>
      %add3A_1148 = arith.addi %and3A_1142, %add3A_1147 : vector<16xi32>
      %select_n3A_1149 = arith.select %lt3A_1145, %add3A_1148, %and3A_1142 : vector<16xi1>, vector<16xi32>
      %broadcast_in_dim3A_1150 = vector.shape_cast %select_n3A_1149 : vector<16xi32> to vector<16x1xi32>
      %gather3A_1151 = vector.shape_cast %broadcast_in_dim3A_1150 : vector<16x1xi32> to vector<16xi32>
      %gather3A_1152 = tpu.dynamic_gather %get3A_1136[%gather3A_1151] in [0] : vector<16xi32>, vector<16xi32> -> vector<16xi32>
      %eq3A_1153 = arith.constant 3 : i32
      %eq3A_1154 = vector.broadcast %eq3A_1153 : i32 to vector<16xi32>
      %eq3A_1155 = arith.cmpi eq, %shift_right_logical3A_686, %eq3A_1154 : vector<16xi32>
      %select_n3A_1156 = arith.select %eq3A_1155, %gather3A_1152, %select_n3A_1133 : vector<16xi1>, vector<16xi32>
      %get3A_1157 = arith.constant 64 : index
      %get3A_1158 = tpu.vector_load %arg12[%get3A_1157] {strides = array<i32>} : memref<256xi32, #tpu.memory_space<vmem>>, vector<16xi32>,
      %get3A_1159 = vector.shape_cast %get3A_1158 : vector<16xi32> to vector<16xi32>
      %sub3A_1160 = arith.constant 8 : i32
      %sub3A_1161 = vector.broadcast %sub3A_1160 : i32 to vector<16xi32>
      %sub3A_1162 = arith.subi %iota3A, %sub3A_1161 : vector<16xi32>
      %and3A_1163 = arith.constant 15 : i32
      %and3A_1164 = vector.broadcast %and3A_1163 : i32 to vector<16xi32>
      %and3A_1165 = arith.andi %sub3A_1162, %and3A_1164 : vector<16xi32>
      %lt3A_1166 = arith.constant 0 : i32
      %lt3A_1167 = vector.broadcast %lt3A_1166 : i32 to vector<16xi32>
      %lt3A_1168 = arith.cmpi slt, %and3A_1165, %lt3A_1167 : vector<16xi32>
      %add3A_1169 = arith.constant 16 : i32
      %add3A_1170 = vector.broadcast %add3A_1169 : i32 to vector<16xi32>
      %add3A_1171 = arith.addi %and3A_1165, %add3A_1170 : vector<16xi32>
      %select_n3A_1172 = arith.select %lt3A_1168, %add3A_1171, %and3A_1165 : vector<16xi1>, vector<16xi32>
      %broadcast_in_dim3A_1173 = vector.shape_cast %select_n3A_1172 : vector<16xi32> to vector<16x1xi32>
      %gather3A_1174 = vector.shape_cast %broadcast_in_dim3A_1173 : vector<16x1xi32> to vector<16xi32>
      %gather3A_1175 = tpu.dynamic_gather %get3A_1159[%gather3A_1174] in [0] : vector<16xi32>, vector<16xi32> -> vector<16xi32>
      %eq3A_1176 = arith.constant 4 : i32
      %eq3A_1177 = vector.broadcast %eq3A_1176 : i32 to vector<16xi32>
      %eq3A_1178 = arith.cmpi eq, %shift_right_logical3A_686, %eq3A_1177 : vector<16xi32>
      %select_n3A_1179 = arith.select %eq3A_1178, %gather3A_1175, %select_n3A_1156 : vector<16xi1>, vector<16xi32>
      %get3A_1180 = arith.constant 80 : index
      %get3A_1181 = tpu.vector_load %arg12[%get3A_1180] {strides = array<i32>} : memref<256xi32, #tpu.memory_space<vmem>>, vector<16xi32>,
      %get3A_1182 = vector.shape_cast %get3A_1181 : vector<16xi32> to vector<16xi32>
      %sub3A_1183 = arith.constant 10 : i32
      %sub3A_1184 = vector.broadcast %sub3A_1183 : i32 to vector<16xi32>
      %sub3A_1185 = arith.subi %iota3A, %sub3A_1184 : vector<16xi32>
      %and3A_1186 = arith.constant 15 : i32
      %and3A_1187 = vector.broadcast %and3A_1186 : i32 to vector<16xi32>
      %and3A_1188 = arith.andi %sub3A_1185, %and3A_1187 : vector<16xi32>
      %lt3A_1189 = arith.constant 0 : i32
      %lt3A_1190 = vector.broadcast %lt3A_1189 : i32 to vector<16xi32>
      %lt3A_1191 = arith.cmpi slt, %and3A_1188, %lt3A_1190 : vector<16xi32>
      %add3A_1192 = arith.constant 16 : i32
      %add3A_1193 = vector.broadcast %add3A_1192 : i32 to vector<16xi32>
      %add3A_1194 = arith.addi %and3A_1188, %add3A_1193 : vector<16xi32>
      %select_n3A_1195 = arith.select %lt3A_1191, %add3A_1194, %and3A_1188 : vector<16xi1>, vector<16xi32>
      %broadcast_in_dim3A_1196 = vector.shape_cast %select_n3A_1195 : vector<16xi32> to vector<16x1xi32>
      %gather3A_1197 = vector.shape_cast %broadcast_in_dim3A_1196 : vector<16x1xi32> to vector<16xi32>
      %gather3A_1198 = tpu.dynamic_gather %get3A_1182[%gather3A_1197] in [0] : vector<16xi32>, vector<16xi32> -> vector<16xi32>
      %eq3A_1199 = arith.constant 5 : i32
      %eq3A_1200 = vector.broadcast %eq3A_1199 : i32 to vector<16xi32>
      %eq3A_1201 = arith.cmpi eq, %shift_right_logical3A_686, %eq3A_1200 : vector<16xi32>
      %select_n3A_1202 = arith.select %eq3A_1201, %gather3A_1198, %select_n3A_1179 : vector<16xi1>, vector<16xi32>
      %get3A_1203 = arith.constant 96 : index
      %get3A_1204 = tpu.vector_load %arg12[%get3A_1203] {strides = array<i32>} : memref<256xi32, #tpu.memory_space<vmem>>, vector<16xi32>,
      %get3A_1205 = vector.shape_cast %get3A_1204 : vector<16xi32> to vector<16xi32>
      %sub3A_1206 = arith.constant 12 : i32
      %sub3A_1207 = vector.broadcast %sub3A_1206 : i32 to vector<16xi32>
      %sub3A_1208 = arith.subi %iota3A, %sub3A_1207 : vector<16xi32>
      %and3A_1209 = arith.constant 15 : i32
      %and3A_1210 = vector.broadcast %and3A_1209 : i32 to vector<16xi32>
      %and3A_1211 = arith.andi %sub3A_1208, %and3A_1210 : vector<16xi32>
      %lt3A_1212 = arith.constant 0 : i32
      %lt3A_1213 = vector.broadcast %lt3A_1212 : i32 to vector<16xi32>
      %lt3A_1214 = arith.cmpi slt, %and3A_1211, %lt3A_1213 : vector<16xi32>
      %add3A_1215 = arith.constant 16 : i32
      %add3A_1216 = vector.broadcast %add3A_1215 : i32 to vector<16xi32>
      %add3A_1217 = arith.addi %and3A_1211, %add3A_1216 : vector<16xi32>
      %select_n3A_1218 = arith.select %lt3A_1214, %add3A_1217, %and3A_1211 : vector<16xi1>, vector<16xi32>
      %broadcast_in_dim3A_1219 = vector.shape_cast %select_n3A_1218 : vector<16xi32> to vector<16x1xi32>
      %gather3A_1220 = vector.shape_cast %broadcast_in_dim3A_1219 : vector<16x1xi32> to vector<16xi32>
      %gather3A_1221 = tpu.dynamic_gather %get3A_1205[%gather3A_1220] in [0] : vector<16xi32>, vector<16xi32> -> vector<16xi32>
      %eq3A_1222 = arith.constant 6 : i32
      %eq3A_1223 = vector.broadcast %eq3A_1222 : i32 to vector<16xi32>
      %eq3A_1224 = arith.cmpi eq, %shift_right_logical3A_686, %eq3A_1223 : vector<16xi32>
      %select_n3A_1225 = arith.select %eq3A_1224, %gather3A_1221, %select_n3A_1202 : vector<16xi1>, vector<16xi32>
      %get3A_1226 = arith.constant 112 : index
      %get3A_1227 = tpu.vector_load %arg12[%get3A_1226] {strides = array<i32>} : memref<256xi32, #tpu.memory_space<vmem>>, vector<16xi32>,
      %get3A_1228 = vector.shape_cast %get3A_1227 : vector<16xi32> to vector<16xi32>
      %sub3A_1229 = arith.constant 14 : i32
      %sub3A_1230 = vector.broadcast %sub3A_1229 : i32 to vector<16xi32>
      %sub3A_1231 = arith.subi %iota3A, %sub3A_1230 : vector<16xi32>
      %and3A_1232 = arith.constant 15 : i32
      %and3A_1233 = vector.broadcast %and3A_1232 : i32 to vector<16xi32>
      %and3A_1234 = arith.andi %sub3A_1231, %and3A_1233 : vector<16xi32>
      %lt3A_1235 = arith.constant 0 : i32
      %lt3A_1236 = vector.broadcast %lt3A_1235 : i32 to vector<16xi32>
      %lt3A_1237 = arith.cmpi slt, %and3A_1234, %lt3A_1236 : vector<16xi32>
      %add3A_1238 = arith.constant 16 : i32
      %add3A_1239 = vector.broadcast %add3A_1238 : i32 to vector<16xi32>
      %add3A_1240 = arith.addi %and3A_1234, %add3A_1239 : vector<16xi32>
      %select_n3A_1241 = arith.select %lt3A_1237, %add3A_1240, %and3A_1234 : vector<16xi1>, vector<16xi32>
      %broadcast_in_dim3A_1242 = vector.shape_cast %select_n3A_1241 : vector<16xi32> to vector<16x1xi32>
      %gather3A_1243 = vector.shape_cast %broadcast_in_dim3A_1242 : vector<16x1xi32> to vector<16xi32>
      %gather3A_1244 = tpu.dynamic_gather %get3A_1228[%gather3A_1243] in [0] : vector<16xi32>, vector<16xi32> -> vector<16xi32>
      %eq3A_1245 = arith.constant 7 : i32
      %eq3A_1246 = vector.broadcast %eq3A_1245 : i32 to vector<16xi32>
      %eq3A_1247 = arith.cmpi eq, %shift_right_logical3A_686, %eq3A_1246 : vector<16xi32>
      %select_n3A_1248 = arith.select %eq3A_1247, %gather3A_1244, %select_n3A_1225 : vector<16xi1>, vector<16xi32>
      %swap3A_1249 = arith.constant 0 : index
      %swap3A_1250 = tpu.vector_load %arg14[%swap3A_1249] {strides = array<i32>} : memref<32xi32, #tpu.memory_space<vmem>>, vector<16xi32>,
      %swap3A_1251 = vector.shape_cast %swap3A_1250 : vector<16xi32> to vector<16xi32>
      %swap3A_1252 = vector.shape_cast %select_n3A_1248 : vector<16xi32> to vector<16xi32>
      tpu.vector_store %arg14[%swap3A_1249], %swap3A_1252 {strides = array<i32>} : memref<32xi32, #tpu.memory_space<vmem>>, vector<16xi32>,
      %get3A_1253 = arith.constant 128 : index
      %get3A_1254 = tpu.vector_load %arg12[%get3A_1253] {strides = array<i32>} : memref<256xi32, #tpu.memory_space<vmem>>, vector<16xi32>,
      %get3A_1255 = vector.shape_cast %get3A_1254 : vector<16xi32> to vector<16xi32>
      %sub3A_1256 = arith.constant 0 : i32
      %sub3A_1257 = vector.broadcast %sub3A_1256 : i32 to vector<16xi32>
      %sub3A_1258 = arith.subi %iota3A, %sub3A_1257 : vector<16xi32>
      %and3A_1259 = arith.constant 15 : i32
      %and3A_1260 = vector.broadcast %and3A_1259 : i32 to vector<16xi32>
      %and3A_1261 = arith.andi %sub3A_1258, %and3A_1260 : vector<16xi32>
      %lt3A_1262 = arith.constant 0 : i32
      %lt3A_1263 = vector.broadcast %lt3A_1262 : i32 to vector<16xi32>
      %lt3A_1264 = arith.cmpi slt, %and3A_1261, %lt3A_1263 : vector<16xi32>
      %add3A_1265 = arith.constant 16 : i32
      %add3A_1266 = vector.broadcast %add3A_1265 : i32 to vector<16xi32>
      %add3A_1267 = arith.addi %and3A_1261, %add3A_1266 : vector<16xi32>
      %select_n3A_1268 = arith.select %lt3A_1264, %add3A_1267, %and3A_1261 : vector<16xi1>, vector<16xi32>
      %broadcast_in_dim3A_1269 = vector.shape_cast %select_n3A_1268 : vector<16xi32> to vector<16x1xi32>
      %gather3A_1270 = vector.shape_cast %broadcast_in_dim3A_1269 : vector<16x1xi32> to vector<16xi32>
      %gather3A_1271 = tpu.dynamic_gather %get3A_1255[%gather3A_1270] in [0] : vector<16xi32>, vector<16xi32> -> vector<16xi32>
      %eq3A_1272 = arith.constant 0 : i32
      %eq3A_1273 = vector.broadcast %eq3A_1272 : i32 to vector<16xi32>
      %eq3A_1274 = arith.cmpi eq, %shift_right_logical3A_686, %eq3A_1273 : vector<16xi32>
      %select_n3A_1275 = arith.select %eq3A_1274, %gather3A_1271, %broadcast_in_dim3A_1064 : vector<16xi1>, vector<16xi32>
      %get3A_1276 = arith.constant 144 : index
      %get3A_1277 = tpu.vector_load %arg12[%get3A_1276] {strides = array<i32>} : memref<256xi32, #tpu.memory_space<vmem>>, vector<16xi32>,
      %get3A_1278 = vector.shape_cast %get3A_1277 : vector<16xi32> to vector<16xi32>
      %sub3A_1279 = arith.constant 2 : i32
      %sub3A_1280 = vector.broadcast %sub3A_1279 : i32 to vector<16xi32>
      %sub3A_1281 = arith.subi %iota3A, %sub3A_1280 : vector<16xi32>
      %and3A_1282 = arith.constant 15 : i32
      %and3A_1283 = vector.broadcast %and3A_1282 : i32 to vector<16xi32>
      %and3A_1284 = arith.andi %sub3A_1281, %and3A_1283 : vector<16xi32>
      %lt3A_1285 = arith.constant 0 : i32
      %lt3A_1286 = vector.broadcast %lt3A_1285 : i32 to vector<16xi32>
      %lt3A_1287 = arith.cmpi slt, %and3A_1284, %lt3A_1286 : vector<16xi32>
      %add3A_1288 = arith.constant 16 : i32
      %add3A_1289 = vector.broadcast %add3A_1288 : i32 to vector<16xi32>
      %add3A_1290 = arith.addi %and3A_1284, %add3A_1289 : vector<16xi32>
      %select_n3A_1291 = arith.select %lt3A_1287, %add3A_1290, %and3A_1284 : vector<16xi1>, vector<16xi32>
      %broadcast_in_dim3A_1292 = vector.shape_cast %select_n3A_1291 : vector<16xi32> to vector<16x1xi32>
      %gather3A_1293 = vector.shape_cast %broadcast_in_dim3A_1292 : vector<16x1xi32> to vector<16xi32>
      %gather3A_1294 = tpu.dynamic_gather %get3A_1278[%gather3A_1293] in [0] : vector<16xi32>, vector<16xi32> -> vector<16xi32>
      %eq3A_1295 = arith.constant 1 : i32
      %eq3A_1296 = vector.broadcast %eq3A_1295 : i32 to vector<16xi32>
      %eq3A_1297 = arith.cmpi eq, %shift_right_logical3A_686, %eq3A_1296 : vector<16xi32>
      %select_n3A_1298 = arith.select %eq3A_1297, %gather3A_1294, %select_n3A_1275 : vector<16xi1>, vector<16xi32>
      %get3A_1299 = arith.constant 160 : index
      %get3A_1300 = tpu.vector_load %arg12[%get3A_1299] {strides = array<i32>} : memref<256xi32, #tpu.memory_space<vmem>>, vector<16xi32>,
      %get3A_1301 = vector.shape_cast %get3A_1300 : vector<16xi32> to vector<16xi32>
      %sub3A_1302 = arith.constant 4 : i32
      %sub3A_1303 = vector.broadcast %sub3A_1302 : i32 to vector<16xi32>
      %sub3A_1304 = arith.subi %iota3A, %sub3A_1303 : vector<16xi32>
      %and3A_1305 = arith.constant 15 : i32
      %and3A_1306 = vector.broadcast %and3A_1305 : i32 to vector<16xi32>
      %and3A_1307 = arith.andi %sub3A_1304, %and3A_1306 : vector<16xi32>
      %lt3A_1308 = arith.constant 0 : i32
      %lt3A_1309 = vector.broadcast %lt3A_1308 : i32 to vector<16xi32>
      %lt3A_1310 = arith.cmpi slt, %and3A_1307, %lt3A_1309 : vector<16xi32>
      %add3A_1311 = arith.constant 16 : i32
      %add3A_1312 = vector.broadcast %add3A_1311 : i32 to vector<16xi32>
      %add3A_1313 = arith.addi %and3A_1307, %add3A_1312 : vector<16xi32>
      %select_n3A_1314 = arith.select %lt3A_1310, %add3A_1313, %and3A_1307 : vector<16xi1>, vector<16xi32>
      %broadcast_in_dim3A_1315 = vector.shape_cast %select_n3A_1314 : vector<16xi32> to vector<16x1xi32>
      %gather3A_1316 = vector.shape_cast %broadcast_in_dim3A_1315 : vector<16x1xi32> to vector<16xi32>
      %gather3A_1317 = tpu.dynamic_gather %get3A_1301[%gather3A_1316] in [0] : vector<16xi32>, vector<16xi32> -> vector<16xi32>
      %eq3A_1318 = arith.constant 2 : i32
      %eq3A_1319 = vector.broadcast %eq3A_1318 : i32 to vector<16xi32>
      %eq3A_1320 = arith.cmpi eq, %shift_right_logical3A_686, %eq3A_1319 : vector<16xi32>
      %select_n3A_1321 = arith.select %eq3A_1320, %gather3A_1317, %select_n3A_1298 : vector<16xi1>, vector<16xi32>
      %get3A_1322 = arith.constant 176 : index
      %get3A_1323 = tpu.vector_load %arg12[%get3A_1322] {strides = array<i32>} : memref<256xi32, #tpu.memory_space<vmem>>, vector<16xi32>,
      %get3A_1324 = vector.shape_cast %get3A_1323 : vector<16xi32> to vector<16xi32>
      %sub3A_1325 = arith.constant 6 : i32
      %sub3A_1326 = vector.broadcast %sub3A_1325 : i32 to vector<16xi32>
      %sub3A_1327 = arith.subi %iota3A, %sub3A_1326 : vector<16xi32>
      %and3A_1328 = arith.constant 15 : i32
      %and3A_1329 = vector.broadcast %and3A_1328 : i32 to vector<16xi32>
      %and3A_1330 = arith.andi %sub3A_1327, %and3A_1329 : vector<16xi32>
      %lt3A_1331 = arith.constant 0 : i32
      %lt3A_1332 = vector.broadcast %lt3A_1331 : i32 to vector<16xi32>
      %lt3A_1333 = arith.cmpi slt, %and3A_1330, %lt3A_1332 : vector<16xi32>
      %add3A_1334 = arith.constant 16 : i32
      %add3A_1335 = vector.broadcast %add3A_1334 : i32 to vector<16xi32>
      %add3A_1336 = arith.addi %and3A_1330, %add3A_1335 : vector<16xi32>
      %select_n3A_1337 = arith.select %lt3A_1333, %add3A_1336, %and3A_1330 : vector<16xi1>, vector<16xi32>
      %broadcast_in_dim3A_1338 = vector.shape_cast %select_n3A_1337 : vector<16xi32> to vector<16x1xi32>
      %gather3A_1339 = vector.shape_cast %broadcast_in_dim3A_1338 : vector<16x1xi32> to vector<16xi32>
      %gather3A_1340 = tpu.dynamic_gather %get3A_1324[%gather3A_1339] in [0] : vector<16xi32>, vector<16xi32> -> vector<16xi32>
      %eq3A_1341 = arith.constant 3 : i32
      %eq3A_1342 = vector.broadcast %eq3A_1341 : i32 to vector<16xi32>
      %eq3A_1343 = arith.cmpi eq, %shift_right_logical3A_686, %eq3A_1342 : vector<16xi32>
      %select_n3A_1344 = arith.select %eq3A_1343, %gather3A_1340, %select_n3A_1321 : vector<16xi1>, vector<16xi32>
      %get3A_1345 = arith.constant 192 : index
      %get3A_1346 = tpu.vector_load %arg12[%get3A_1345] {strides = array<i32>} : memref<256xi32, #tpu.memory_space<vmem>>, vector<16xi32>,
      %get3A_1347 = vector.shape_cast %get3A_1346 : vector<16xi32> to vector<16xi32>
      %sub3A_1348 = arith.constant 8 : i32
      %sub3A_1349 = vector.broadcast %sub3A_1348 : i32 to vector<16xi32>
      %sub3A_1350 = arith.subi %iota3A, %sub3A_1349 : vector<16xi32>
      %and3A_1351 = arith.constant 15 : i32
      %and3A_1352 = vector.broadcast %and3A_1351 : i32 to vector<16xi32>
      %and3A_1353 = arith.andi %sub3A_1350, %and3A_1352 : vector<16xi32>
      %lt3A_1354 = arith.constant 0 : i32
      %lt3A_1355 = vector.broadcast %lt3A_1354 : i32 to vector<16xi32>
      %lt3A_1356 = arith.cmpi slt, %and3A_1353, %lt3A_1355 : vector<16xi32>
      %add3A_1357 = arith.constant 16 : i32
      %add3A_1358 = vector.broadcast %add3A_1357 : i32 to vector<16xi32>
      %add3A_1359 = arith.addi %and3A_1353, %add3A_1358 : vector<16xi32>
      %select_n3A_1360 = arith.select %lt3A_1356, %add3A_1359, %and3A_1353 : vector<16xi1>, vector<16xi32>
      %broadcast_in_dim3A_1361 = vector.shape_cast %select_n3A_1360 : vector<16xi32> to vector<16x1xi32>
      %gather3A_1362 = vector.shape_cast %broadcast_in_dim3A_1361 : vector<16x1xi32> to vector<16xi32>
      %gather3A_1363 = tpu.dynamic_gather %get3A_1347[%gather3A_1362] in [0] : vector<16xi32>, vector<16xi32> -> vector<16xi32>
      %eq3A_1364 = arith.constant 4 : i32
      %eq3A_1365 = vector.broadcast %eq3A_1364 : i32 to vector<16xi32>
      %eq3A_1366 = arith.cmpi eq, %shift_right_logical3A_686, %eq3A_1365 : vector<16xi32>
      %select_n3A_1367 = arith.select %eq3A_1366, %gather3A_1363, %select_n3A_1344 : vector<16xi1>, vector<16xi32>
      %get3A_1368 = arith.constant 208 : index
      %get3A_1369 = tpu.vector_load %arg12[%get3A_1368] {strides = array<i32>} : memref<256xi32, #tpu.memory_space<vmem>>, vector<16xi32>,
      %get3A_1370 = vector.shape_cast %get3A_1369 : vector<16xi32> to vector<16xi32>
      %sub3A_1371 = arith.constant 10 : i32
      %sub3A_1372 = vector.broadcast %sub3A_1371 : i32 to vector<16xi32>
      %sub3A_1373 = arith.subi %iota3A, %sub3A_1372 : vector<16xi32>
      %and3A_1374 = arith.constant 15 : i32
      %and3A_1375 = vector.broadcast %and3A_1374 : i32 to vector<16xi32>
      %and3A_1376 = arith.andi %sub3A_1373, %and3A_1375 : vector<16xi32>
      %lt3A_1377 = arith.constant 0 : i32
      %lt3A_1378 = vector.broadcast %lt3A_1377 : i32 to vector<16xi32>
      %lt3A_1379 = arith.cmpi slt, %and3A_1376, %lt3A_1378 : vector<16xi32>
      %add3A_1380 = arith.constant 16 : i32
      %add3A_1381 = vector.broadcast %add3A_1380 : i32 to vector<16xi32>
      %add3A_1382 = arith.addi %and3A_1376, %add3A_1381 : vector<16xi32>
      %select_n3A_1383 = arith.select %lt3A_1379, %add3A_1382, %and3A_1376 : vector<16xi1>, vector<16xi32>
      %broadcast_in_dim3A_1384 = vector.shape_cast %select_n3A_1383 : vector<16xi32> to vector<16x1xi32>
      %gather3A_1385 = vector.shape_cast %broadcast_in_dim3A_1384 : vector<16x1xi32> to vector<16xi32>
      %gather3A_1386 = tpu.dynamic_gather %get3A_1370[%gather3A_1385] in [0] : vector<16xi32>, vector<16xi32> -> vector<16xi32>
      %eq3A_1387 = arith.constant 5 : i32
      %eq3A_1388 = vector.broadcast %eq3A_1387 : i32 to vector<16xi32>
      %eq3A_1389 = arith.cmpi eq, %shift_right_logical3A_686, %eq3A_1388 : vector<16xi32>
      %select_n3A_1390 = arith.select %eq3A_1389, %gather3A_1386, %select_n3A_1367 : vector<16xi1>, vector<16xi32>
      %get3A_1391 = arith.constant 224 : index
      %get3A_1392 = tpu.vector_load %arg12[%get3A_1391] {strides = array<i32>} : memref<256xi32, #tpu.memory_space<vmem>>, vector<16xi32>,
      %get3A_1393 = vector.shape_cast %get3A_1392 : vector<16xi32> to vector<16xi32>
      %sub3A_1394 = arith.constant 12 : i32
      %sub3A_1395 = vector.broadcast %sub3A_1394 : i32 to vector<16xi32>
      %sub3A_1396 = arith.subi %iota3A, %sub3A_1395 : vector<16xi32>
      %and3A_1397 = arith.constant 15 : i32
      %and3A_1398 = vector.broadcast %and3A_1397 : i32 to vector<16xi32>
      %and3A_1399 = arith.andi %sub3A_1396, %and3A_1398 : vector<16xi32>
      %lt3A_1400 = arith.constant 0 : i32
      %lt3A_1401 = vector.broadcast %lt3A_1400 : i32 to vector<16xi32>
      %lt3A_1402 = arith.cmpi slt, %and3A_1399, %lt3A_1401 : vector<16xi32>
      %add3A_1403 = arith.constant 16 : i32
      %add3A_1404 = vector.broadcast %add3A_1403 : i32 to vector<16xi32>
      %add3A_1405 = arith.addi %and3A_1399, %add3A_1404 : vector<16xi32>
      %select_n3A_1406 = arith.select %lt3A_1402, %add3A_1405, %and3A_1399 : vector<16xi1>, vector<16xi32>
      %broadcast_in_dim3A_1407 = vector.shape_cast %select_n3A_1406 : vector<16xi32> to vector<16x1xi32>
      %gather3A_1408 = vector.shape_cast %broadcast_in_dim3A_1407 : vector<16x1xi32> to vector<16xi32>
      %gather3A_1409 = tpu.dynamic_gather %get3A_1393[%gather3A_1408] in [0] : vector<16xi32>, vector<16xi32> -> vector<16xi32>
      %eq3A_1410 = arith.constant 6 : i32
      %eq3A_1411 = vector.broadcast %eq3A_1410 : i32 to vector<16xi32>
      %eq3A_1412 = arith.cmpi eq, %shift_right_logical3A_686, %eq3A_1411 : vector<16xi32>
      %select_n3A_1413 = arith.select %eq3A_1412, %gather3A_1409, %select_n3A_1390 : vector<16xi1>, vector<16xi32>
      %get3A_1414 = arith.constant 240 : index
      %get3A_1415 = tpu.vector_load %arg12[%get3A_1414] {strides = array<i32>} : memref<256xi32, #tpu.memory_space<vmem>>, vector<16xi32>,
      %get3A_1416 = vector.shape_cast %get3A_1415 : vector<16xi32> to vector<16xi32>
      %sub3A_1417 = arith.constant 14 : i32
      %sub3A_1418 = vector.broadcast %sub3A_1417 : i32 to vector<16xi32>
      %sub3A_1419 = arith.subi %iota3A, %sub3A_1418 : vector<16xi32>
      %and3A_1420 = arith.constant 15 : i32
      %and3A_1421 = vector.broadcast %and3A_1420 : i32 to vector<16xi32>
      %and3A_1422 = arith.andi %sub3A_1419, %and3A_1421 : vector<16xi32>
      %lt3A_1423 = arith.constant 0 : i32
      %lt3A_1424 = vector.broadcast %lt3A_1423 : i32 to vector<16xi32>
      %lt3A_1425 = arith.cmpi slt, %and3A_1422, %lt3A_1424 : vector<16xi32>
      %add3A_1426 = arith.constant 16 : i32
      %add3A_1427 = vector.broadcast %add3A_1426 : i32 to vector<16xi32>
      %add3A_1428 = arith.addi %and3A_1422, %add3A_1427 : vector<16xi32>
      %select_n3A_1429 = arith.select %lt3A_1425, %add3A_1428, %and3A_1422 : vector<16xi1>, vector<16xi32>
      %broadcast_in_dim3A_1430 = vector.shape_cast %select_n3A_1429 : vector<16xi32> to vector<16x1xi32>
      %gather3A_1431 = vector.shape_cast %broadcast_in_dim3A_1430 : vector<16x1xi32> to vector<16xi32>
      %gather3A_1432 = tpu.dynamic_gather %get3A_1416[%gather3A_1431] in [0] : vector<16xi32>, vector<16xi32> -> vector<16xi32>
      %eq3A_1433 = arith.constant 7 : i32
      %eq3A_1434 = vector.broadcast %eq3A_1433 : i32 to vector<16xi32>
      %eq3A_1435 = arith.cmpi eq, %shift_right_logical3A_686, %eq3A_1434 : vector<16xi32>
      %select_n3A_1436 = arith.select %eq3A_1435, %gather3A_1432, %select_n3A_1413 : vector<16xi1>, vector<16xi32>
      %swap3A_1437 = arith.constant 16 : index
      %swap3A_1438 = tpu.vector_load %arg14[%swap3A_1437] {strides = array<i32>} : memref<32xi32, #tpu.memory_space<vmem>>, vector<16xi32>,
      %swap3A_1439 = vector.shape_cast %swap3A_1438 : vector<16xi32> to vector<16xi32>
      %swap3A_1440 = vector.shape_cast %select_n3A_1436 : vector<16xi32> to vector<16xi32>
      tpu.vector_store %arg14[%swap3A_1437], %swap3A_1440 {strides = array<i32>} : memref<32xi32, #tpu.memory_space<vmem>>, vector<16xi32>,
      %mul3A_1441 = arith.constant 2 : i32
      %mul3A_1442 = arith.muli %arg0, %mul3A_1441 : i32
      %mul3A_1443 = arith.constant 16 : i32
      %mul3A_1444 = arith.muli %mul3A_1442, %mul3A_1443 : i32
      "tpu.region"() ({
        %run_scoped3A = tpu.sem_alloc : memref<!tpu.dma_semaphore, #tpu.memory_space<semaphore_mem>>
        %dma_start3A_1449 = tpu.memref_slice %arg3[%mul3A_1444] : memref<64xf32, #tpu.memory_space<hbm>> -> memref<32xf32, #tpu.memory_space<hbm>>
        %dma_start3A_1450 = tpu.memref_slice %arg3[%mul3A_1444] : memref<64xf32, #tpu.memory_space<hbm>> -> memref<32xf32, #tpu.memory_space<hbm>>
        tpu.enqueue_dma source(%arg13 : memref<32xf32, #tpu.memory_space<vmem>>) target(%dma_start3A_1450 : memref<32xf32, #tpu.memory_space<hbm>>) target_semaphore(%run_scoped3A : memref<!tpu.dma_semaphore, #tpu.memory_space<semaphore_mem>>)
        %dma_wait3A_1451 = tpu.memref_slice %arg3[%mul3A_1444] : memref<64xf32, #tpu.memory_space<hbm>> -> memref<32xf32, #tpu.memory_space<hbm>>
        %dma_wait3A_1452 = tpu.memref_slice %arg3[%mul3A_1444] : memref<64xf32, #tpu.memory_space<hbm>> -> memref<32xf32, #tpu.memory_space<hbm>>
        tpu.wait_dma2 semaphore(%run_scoped3A : memref<!tpu.dma_semaphore, #tpu.memory_space<semaphore_mem>>) src(%arg13 : memref<32xf32, #tpu.memory_space<vmem>>) dst(%dma_wait3A_1452 : memref<32xf32, #tpu.memory_space<hbm>>)
        tpu.yield
      }) : () -> ()
      %mul3A_1445 = arith.constant 2 : i32
      %mul3A_1446 = arith.muli %arg0, %mul3A_1445 : i32
      %mul3A_1447 = arith.constant 16 : i32
      %mul3A_1448 = arith.muli %mul3A_1446, %mul3A_1447 : i32
      "tpu.region"() ({
        %run_scoped3A = tpu.sem_alloc : memref<!tpu.dma_semaphore, #tpu.memory_space<semaphore_mem>>
        %dma_start3A_1449 = tpu.memref_slice %arg4[%mul3A_1448] : memref<64xi32, #tpu.memory_space<hbm>> -> memref<32xi32, #tpu.memory_space<hbm>>
        %dma_start3A_1450 = tpu.memref_slice %arg4[%mul3A_1448] : memref<64xi32, #tpu.memory_space<hbm>> -> memref<32xi32, #tpu.memory_space<hbm>>
        tpu.enqueue_dma source(%arg14 : memref<32xi32, #tpu.memory_space<vmem>>) target(%dma_start3A_1450 : memref<32xi32, #tpu.memory_space<hbm>>) target_semaphore(%run_scoped3A : memref<!tpu.dma_semaphore, #tpu.memory_space<semaphore_mem>>)
        %dma_wait3A_1451 = tpu.memref_slice %arg4[%mul3A_1448] : memref<64xi32, #tpu.memory_space<hbm>> -> memref<32xi32, #tpu.memory_space<hbm>>
        %dma_wait3A_1452 = tpu.memref_slice %arg4[%mul3A_1448] : memref<64xi32, #tpu.memory_space<hbm>> -> memref<32xi32, #tpu.memory_space<hbm>>
        tpu.wait_dma2 semaphore(%run_scoped3A : memref<!tpu.dma_semaphore, #tpu.memory_space<semaphore_mem>>) src(%arg14 : memref<32xi32, #tpu.memory_space<vmem>>) dst(%dma_wait3A_1452 : memref<32xi32, #tpu.memory_space<hbm>>)
        tpu.yield
      }) : () -> ()
    } else {
    }
    return
  }
}

</mosaic_0001>

<sc_bundles>
// kernel: kernel.3.cloned.1.call-start
scs
__scs_entry_jumppad:
0x0: {  	(pc) =	sbr.rel $0x88, $3  }
0x1: {  	(tag) =	ssettag $0x0;
	lr =	simm.s32 $0x1  }
0x2: {  	[smem:$0x3FA0] =	sst lr;
	_ =	strace $0xD0000000  }
0x3: {  	_ = 	snop  }
0x4: {  	_ = 	snop  }
0x5: {  	_ = 	snop  }
0x6: {  	_ = 	snop  }
0x7: {  	_ = 	snop  }
__scs_overlays_trampoline_lowered:
0x8: {  	[smem:$0x3FAF] =	sst s0  }
0x9: {  	[smem:$0x3FB0] =	sst s1  }
0xa: {  	[smem:$0x3FB1] =	sst s2  }
0xb: {  	[smem:$0x3FB2] =	sst s3  }
0xc: {  	[smem:$0x3FB3] =	sst s4  }
0xd: {  	[smem:$0x3FB4] =	sst s5  }
0xe: {  	[smem:$0x3FB5] =	sst s6  }
0xf: {  	[smem:$0x3FB6] =	sst s7  }
0x10: {  	[smem:$0x3FB7] =	sst s8  }
0x11: {  	[smem:$0x3FB8] =	sst s9;
	s0 =	simm.s32 @!p0 $0x0  }
0x12: {  	s1 =	sld [smem:$0x3F9E];
	s0 =	simm.s32 @p0 $0x1  }
0x13: {  	[smem:$0x3FB9] =	sst s0;
	s0 =	simm.s32 @!p1 $0x0  }
0x14: {  	s2 =	sld [smem:$0x3F9D];
	s0 =	simm.s32 @p1 $0x1  }
0x15: {  	[smem:$0x3FBA] =	sst s0;
	s0 =	simm.s32 @!p2 $0x0  }
0x16: {  	s3 =	sld [smem:$0x3FDB];
	s0 =	simm.s32 @p2 $0x1  }
0x17: {  	s4 =	simm.s32 $0x1BF5;
	[smem:$0x3FBC] =	sst s0  }
0x18: {  	s0 =	sld [smem:$0x3F9F];
	_ =	swait.ge [sflag:s4], $0x0  }
0x19: {  	s7 =	sld [smem:$0x3FA0]  }
0x1a: {  	s8 =	sadd.s32 $0xFFFFE003, lr  }
0x1b: {  	s9 =	sadd.s32 $0xFFFFFEF7, lr;
	s5 =	simm.s32 $0xFFFFFFFF;
	p2 =	slt.u32 s8, $0xFFFFF086  }
0x1c: {  	p1 =	slt.u32 s9, $0xF7A;
	s5 =	simm.s32 @!p2 $0x0  }
0x1d: {  	s5 =	simm.s32 @p1 $0x1;
	p0 =	seq.s32 s7, s2  }
0x1e: {  	s7 =	smul.u32 @!p0 $0xF7A, s2;
	p2 =	seq.s32 @!p0 s5, $0x0  }
0x1f: {  	s9 =	smul.u32 $0xF7A, s1;
	s8 =	simm.s32 @!p0 $0x1BF5;
	p2 =	por !p2, p0  }
0x20: {  	[sflag:s8] =	ssyncset.s32 @!p0 $0xFFFFF086;
	s6 =	sadd.s32 @!p0 s3, s7;
	s7 =	simm.s32 @!p0 $0x108  }
0x21: {  	s3 =	sadd.s32 s3, s9;
	s6 =	sadd.s32 @!p0 $0x88, s6;
	s7 =	simm.s32 @p2 $0x1082  }
0x22: {  	[simem:s7], [sflag:s8] =	dma.local @!p0 [hbm:s6], $0xF7A  }
0x23: {  	s9 =	sor.u32 $0xD0000000, s2;
	s6 =	simm.s32 $0x108;
	_ =	swait.ge @!p0 [sflag:s8], $0x0  }
0x24: {  	s3 =	sadd.s32 $0x88, s3;
	s6 =	simm.s32 @!p1 $0x1082;
	[sflag:s4] =	ssyncset.s32 $0xFFFFF086  }
0x25: {  	[simem:s6], [sflag:s4] =	dma.local [hbm:s3], $0xF7A  }
0x26: {  	[smem:$0x3FA0] =	sst s1;
	(tag) =	ssettag s2;
	_ =	strace s9  }
0x27: {  	s1 =	sld [smem:$0x3FB0]  }
0x28: {  	s2 =	sld [smem:$0x3FB1]  }
0x29: {  	s4 =	sld [smem:$0x3FB3]  }
0x2a: {  	p0 =	seq.s32 s5, $0x0;
	s5 =	sld [smem:$0x3FB4]  }
0x2b: {  	s6 =	sld [smem:$0x3FB5]  }
0x2c: {  	s7 =	sld [smem:$0x3FB6]  }
0x2d: {  	s3 =	simm.s32 $0x108;
	s8 =	sld [smem:$0x3FB7]  }
0x2e: {  	s3 =	simm.s32 @!p0 $0x1082;
	s9 =	sld [smem:$0x3FB8]  }
0x2f: {  	lr =	sadd.s32 s0, s3;
	s0 =	sld [smem:$0x3FAF]  }
0x30: {  	s3 =	sld [smem:$0x3FB2]  }
0x31: {  	[smem:$0x3FBB] =	sst s10  }
0x32: {  	s10 =	sld [smem:$0x3FB9];
	_ =	sdelay $0x3  }
0x33: {  	p0 =	seq.s32 s10, $0x1;
	s10 =	sld [smem:$0x3FBB];
	_ =	sdelay $0x3  }
0x34: {  	[smem:$0x3FBB] =	sst s10  }
0x35: {  	s10 =	sld [smem:$0x3FBA];
	_ =	sdelay $0x3  }
0x36: {  	p1 =	seq.s32 s10, $0x1;
	s10 =	sld [smem:$0x3FBB];
	_ =	sdelay $0x3  }
0x37: {  	[smem:$0x3FBB] =	sst s10  }
0x38: {  	s10 =	sld [smem:$0x3FBC]  }
0x39: {  	_ = 	snop;
	(pc) =	sbr.ind lr, $3  }
0x3a: {  	_ = 	snop  }
0x3b: {  	_ = 	snop  }
0x3c: {  	p2 =	seq.s32 s10, $0x1;
	s10 =	sld [smem:$0x3FBB]  }
0x3d: {  	_ =	shalt  }
0x3e: {  	_ =	shalt  }
0x3f: {  	_ =	shalt  }
0x40: {  	_ =	shalt  }
0x41: {  	_ =	shalt  }
0x42: {  	_ =	shalt  }
0x43: {  	_ =	shalt  }
0x44: {  	_ =	shalt  }
0x45: {  	_ =	shalt  }
0x46: {  	_ =	shalt  }
0x47: {  	_ =	shalt  }
0x48: {  	_ =	shalt  }
0x49: {  	_ =	shalt  }
0x4a: {  	_ =	shalt  }
0x4b: {  	_ =	shalt  }
0x4c: {  	_ =	shalt  }
0x4d: {  	_ =	shalt  }
0x4e: {  	_ =	shalt  }
0x4f: {  	_ =	shalt  }
0x50: {  	_ =	shalt  }
0x51: {  	_ =	shalt  }
0x52: {  	_ =	shalt  }
0x53: {  	_ =	shalt  }
0x54: {  	_ =	shalt  }
0x55: {  	_ =	shalt  }
0x56: {  	_ =	shalt  }
0x57: {  	_ =	shalt  }
0x58: {  	_ =	shalt  }
0x59: {  	_ =	shalt  }
0x5a: {  	_ =	shalt  }
0x5b: {  	_ =	shalt  }
0x5c: {  	_ =	shalt  }
0x5d: {  	_ =	shalt  }
0x5e: {  	_ =	shalt  }
0x5f: {  	_ =	shalt  }
0x60: {  	_ =	shalt  }
0x61: {  	_ =	shalt  }
0x62: {  	_ =	shalt  }
0x63: {  	_ =	shalt  }
0x64: {  	_ =	shalt  }
0x65: {  	_ =	shalt  }
0x66: {  	_ =	shalt  }
0x67: {  	_ =	shalt  }
0x68: {  	_ =	shalt  }
0x69: {  	_ =	shalt  }
0x6a: {  	_ =	shalt  }
0x6b: {  	_ =	shalt  }
0x6c: {  	_ =	shalt  }
0x6d: {  	_ =	shalt  }
0x6e: {  	_ =	shalt  }
0x6f: {  	_ =	shalt  }
0x70: {  	_ =	shalt  }
0x71: {  	_ =	shalt  }
0x72: {  	_ =	shalt  }
0x73: {  	_ =	shalt  }
0x74: {  	_ =	shalt  }
0x75: {  	_ =	shalt  }
0x76: {  	_ =	shalt  }
0x77: {  	_ =	shalt  }
0x78: {  	_ =	shalt  }
0x79: {  	_ =	shalt  }
0x7a: {  	_ =	shalt  }
0x7b: {  	_ =	shalt  }
0x7c: {  	_ =	shalt  }
0x7d: {  	_ =	shalt  }
0x7e: {  	_ =	shalt  }
0x7f: {  	_ =	shalt  }
0x80: {  	_ =	shalt  }
0x81: {  	_ =	shalt  }
0x82: {  	_ =	shalt  }
0x83: {  	_ =	shalt  }
0x84: {  	_ =	shalt  }
0x85: {  	_ =	shalt  }
0x86: {  	_ =	shalt  }
0x87: {  	_ =	shalt  }
.Lfunc_end0:
.L_simem_size_0:
called_computation_lowered:
.L_overlay_start_0:
0x88: {  	s2 =	sld [smem:$0x3FD9]  }
0x89: {  	s3 =	sld [smem:$0x3FFE];
	_ =	sdelay $0x1  }
0x8a: {  	s1 =	srdreg.scid  }
0x8b: {  	s0 =	sand.u32 $0x1, s1  }
0x8c: {  	s15 =	sshll.u32 s0, $0xA;
	s2 =	sadd.s32 s3, s2  }
0x8d: {  	s2 =	sadd.s32 s2, s15  }
0x8e: {  	[smem:$0x3FC7] =	sst s2  }
0x8f: {  	_ = 	snop  }
0x90: {  	s2 =	sld [smem:$0x3FD0];
	_ =	sdelay $0x2  }
0x91: {  	s4 =	simm.s32 $0xA;
	s5 =	simm.s32 $0x10;
	s16 =	sld [smem:$0x3FC9]  }
0x92: {  	[smem:s5], [sflag:s4] =	dma.local [hbm:s2], $0x1  }
0x93: {  	_ =	swait.eq [sflag:s4], $0x1  }
0x94: {  	[sflag:s4] =	ssyncset.done $0x0  }
0x95: {  	s17 =	sld [smem:$0x10];
	[sflag:s4] =	ssyncadd.s32 $0xFFFFFFFF  }
0x96: {  	s18 =	sld [smem:$0x11];
	(tm) =	ssettm $0x1  }
0x97: {  	s19 =	sld [smem:$0x3FFB];
	_ =	sdelay $0x3  }
0x98: {  	_ =	strace s19  }
0x99: {  	s5 =	sld [smem:$0x3FFC];
	_ =	sdelay $0x3  }
0x9a: {  	_ =	strace s5  }
0x9b: {  	s5 =	sld [smem:$0x3FFD];
	_ =	sdelay $0x3  }
0x9c: {  	_ =	strace s5  }
0x9d: {  	_ =	strace $0x8FFFFFFF  }
0x9e: {  	s20 =	sld [smem:$0x3FDB];
	_ =	sdelay $0x1  }
0x9f: {  	s6 =	simm.s32 $_scs_section_size  }
0xa0: {  	s7 =	simm.s32 $_size__tile_overlayer_lowered;
	s8 =	simm.s32 $_tile_overlayer_lowered  }
0xa1: {  	s23 =	simm.s32 $0x1BFF;
	s22 =	sshll.u32 s8, $0x1;
	s5 =	sadd.s32 s6, s20  }
0xa2: {  	s9 =	simm.s32 $0x0;
	s21 =	sshll.u32 s7, $0x1;
	s7 =	sadd.s32 s22, s5  }
0xa3: {  	[timem:s9], [sflag:s23] =	dma.local [hbm:s7], s21  }
0xa4: {  	_ =	swait.ge [sflag:s23], s21  }
0xa5: {  	s6 =	ssub.s32 $0x0, s21;
	[sflag:s23] =	ssyncset.done $0x0  }
0xa6: {  	[sflag:s23] =	ssyncadd.s32 s6;
	_ =	sdelay $0x1  }
0xa7: {  	s24 =	simm.s32 $0x1B8B  }
0xa8: {  	_ =	swait.ge [sflag:s24], $0x1  }
0xa9: {  	[sflag:s24] =	ssyncset.done $0x0  }
0xaa: {  	s25 =	simm.s32 $0x1B8E;
	[sflag:s24] =	ssyncadd.s32 $0xFFFFFFFF  }
0xab: {  	s26 =	simm.s32 $execute0_lowered;
	[smem:$0x3FD2] =	sst s25  }
0xac: {  	s6 =	sshll.u32 s26, $0x1;
	_ =	strace $0x80000046;
	[dreg:$0x1] =	wrdreg $0xFFFFFFFF  }
0xad: {  	s28 =	simm.s32 $_size_execute0_lowered;
	s5 =	sadd.s32 s5, s6;
	[dreg:$0x0] =	wrdreg $0x0  }
0xae: {  	s6 =	sshll.u32 s28, $0x1;
	[dreg:$0x2] =	wrdreg s5  }
0xaf: {  	[dreg:$0x3] =	wrdreg s6  }
0xb0: {  	[dreg:$0x4] =	wrdreg $0xC0  }
0xb1: {  	_ =	task [dreg:s9], $0x5FFFF  }
0xb2: {  	[dreg:$0x1] =	wrdreg $0xFFFFFFFF  }
0xb3: {  	[dreg:$0x0] =	wrdreg $0x60  }
0xb4: {  	[dreg:$0x2] =	wrdreg s16  }
0xb5: {  	[dreg:$0x3] =	wrdreg s17  }
0xb6: {  	[dreg:$0x4] =	wrdreg s18  }
0xb7: {  	[dreg:$0x5] =	wrdreg $0x101000  }
0xb8: {  	[dreg:$0x6] =	wrdreg $0x101100  }
0xb9: {  	[dreg:$0x7] =	wrdreg $0x9  }
0xba: {  	_ =	task.clear_ibuf [dreg:s9], $0x8FFFF;
	_ =	strace $0x90000046  }
0xbb: {  	s29 =	simm.s32 $0x9;
	_ =	strace $0x80000048  }
0xbc: {  	_ =	swait.ge [sflag:s29], $0x1  }
0xbd: {  	[sflag:s29] =	ssyncadd.s32 $0xFFFFFFFF  }
0xbe: {  	_ =	strace $0x90000048  }
0xbf: {  	_ =	sfence  }
0xc0: {  	s30 =	sld [smem:$0x0];
	_ =	sdelay $0x2  }
0xc1: {  	s31 =	sshll.u32 s1, $0xD;
	s1 =	sshrl.u32 s1, $0x2  }
0xc2: {  	s3 =	sand.u32 $0x4000, s31;
	s1 =	sadd.s32 s1, s30  }
0xc3: {  	s0 =	sor.u32 s3, s0;
	s1 =	sshll.u32 s1, $0x11  }
0xc4: {  	s0 =	sor.u32 s1, s0  }
0xc5: {  	s0 =	sadd.s32 $0x8F2B, s0  }
0xc6: {  	[sflag:s0] =	ssyncadd.remote.s32 $0x1  }
0xc7: {  	_ =	sfence.sel $0xFFFF  }
0xc8: {  	[dreg:$0x0] =	wrdreg $0xFFFFFFFF;
	(pc) =	sbr.abs _section_cstart, $3  }
0xc9: {  	[dreg:$0x1] =	wrdreg $0xFFFFFFFF  }
0xca: {  	_ =	task.clear_ibuf [dreg:s9], $0x2FFFF;
	_ =	strace $0x9FFFFFFF  }
0xcb: {  	(tm) =	ssettm $0x7FFFFFFF  }
tec
execute0_lowered:
.L_overlay_start_1:
0x0: {  	(tag) =	ssettag $0x1  }
0x1: {  	s11 =	rddreg [dreg:$0x0]  }
0x2: {  	s1 =	rddreg [dreg:$0x1]  }
0x3: {  	s2 =	rddreg [dreg:$0x2]  }
0x4: {  	s3 =	srdreg.scid;
	s17 =	rddreg [dreg:$0x3]  }
0x5: {  	s0 =	stileid.u32;
	s18 =	rddreg [dreg:$0x4]  }
0x6: {  	s28 =	simm.s32 $0x2;
	s29 =	simm.s32 $0x3;
	s30 =	simm.s32 $0x4  }
0x7: {  	v0 =	vimm.s32 $0xFEDCBA98;
	v1 =	vimm.s32 $0x76543210;
	s31 =	simm.s32 $0x5;
	s13 =	sand.u32 $0x1, s3;
	s4 =	sshll.u32 s0, $0x10  }
0x8: {  	v2 =	vimm.s32 $0xBA98FEDC;
	v3 =	vimm.s32 $0x32107654;
	s24 =	sshll.u32 s0, $0x8;
	s26 =	sadd.s32 $0x2000, s11;
	s12 =	sadd.s32 $0x4000, s11  }
0x9: {  	v4 =	vimm.s32 $0xDCFE98BA;
	v5 =	vimm.s32 $0x54761032;
	p0 =	sne.s32 s0, $0x0;
	s3 =	sshll.u32 s13, $0x14;
	s6 =	sand.u32 $0x300, s24  }
0xa: {  	v6 =	vimm.s32 $0xEFCDAB89;
	v7 =	vimm.s32 $0x67452301;
	v8 =	vimm.s32 $0x3210FEDC;
	s25 =	ssub.s32 $0x2, s13;
	s24 =	sshll.u32 s0, $0x4;
	s0 =	simm.s32 $0x7  }
0xb: {  	v9 =	vimm.s32 $0x98765432;
	v10 =	vimm.s32 $0x10FEDCBA;
	vm4 =	vmmov $0xff;
	s8 =	sor.u32 s4, s3;
	s3 =	simm.s32 $0x0;
	s9 =	sshrl.u32 s25, $0x1  }
0xc: {  	vm5 =	vmmov $0xfff;
	vm6 =	vmmov $0x3fff;
	v0 =	vunpack.c.l.s4.s8 v0;
	s16 =	sor.u32 $0x80, s6;
	s7 =	sand.u32 $0x1C0000, s8;
	[smem:$0x7FF] =	sst s3  }
0xd: {  	v1 =	vunpack.c.l.s4.s8 v1;
	v2 =	vunpack.c.l.s4.s8 v2;
	v3 =	vunpack.c.l.s4.s8 v3;
	s14 =	ssub.s32 s25, s9;
	s15 =	sor.u32 s6, s8;
	s22 =	sor.u32 s8, s16  }
0xe: {  	v4 =	vunpack.c.l.s4.s8 v4;
	v5 =	vunpack.c.l.s4.s8 v5;
	v6 =	vunpack.c.l.s4.s8 v6;
	s25 =	sshll.u32 s13, $0x2;
	s13 =	sadd.s32 s24, s18;
	s18 =	simm.s32 $0x10080  }
0xf: {  	v7 =	vunpack.c.l.s4.s8 v7;
	v8 =	vunpack.c.l.s4.s8 v8;
	v9 =	vunpack.c.l.s4.s8 v9;
	s5 =	sor.u32 s6, s7;
	_ =	strace $0x80000047;
	s15 =	sshrl.u32 s15, $0x3  }
0x10: {  	v10 =	vunpack.c.l.s4.s8 v10;
	v0 =	vunpack.c.0.s8.s32 v0;
	v2 =	vunpack.c.0.s8.s32 v2;
	s20 =	sor.u32 s16, s7;
	s1 =	sadd.s32 s1, s25;
	s16 =	smax.u32 s14, $0x1  }
0x11: {  	v3 =	vunpack.c.0.s8.s32 v3;
	v4 =	vunpack.c.0.s8.s32 v4;
	v5 =	vunpack.c.0.s8.s32 v5;
	s14 =	simm.s32 $0x10000;
	s10 =	sshrl.u32 s5, $0x3;
	s19 =	sor.u32 $0x6000, s15  }
0x12: {  	v6 =	vunpack.c.0.s8.s32 v6;
	v7 =	vunpack.c.0.s8.s32 v7;
	v1 =	vunpack.c.0.s8.s32 v1;
	s21 =	sshrl.u32 s20, $0x3;
	s15 =	sshrl.u32 s22, $0x3;
	[dreg:$0x6] =	wrdreg s1  }
0x13: {  	v8 =	vunpack.c.0.s8.s32 v8;
	v9 =	vunpack.c.0.s8.s32 v9;
	v2 =	vcombine.low v3, v2;
	s1 =	simm.s32 $0x6;
	s4 =	sadd.s32 s11, s10;
	s5 =	sadd.s32 s10, s26  }
0x14: {  	v3 =	vand.u32 $0xF, v0;
	v4 =	vcombine.low v5, v4;
	v5 =	vcombine.low v7, v6;
	s6 =	sadd.s32 s10, s12;
	s7 =	sadd.s32 s11, s19;
	s8 =	sadd.s32 s11, s21  }
.Ltmp0:
0x15: {  	v6 =	vimm.s32 $0x543210FE;
	v7 =	vimm.s32 $0xBA987654;
	v1 =	vcombine.low v3, v1;
	s9 =	sadd.s32 s21, s26;
	s10 =	sadd.s32 s21, s12;
	(pc) =	sbr.rel .LBB2_1-.Ltmp0, $4  }
0x16: {  	s23 =	sor.u32 $0x6000, s15;
	s12 =	sadd.s32 s24, s17;
	s26 =	sadd.s32 s2, s25;
	v3 =	vand.u32 $0xF, v4;
	v4 =	vand.u32 $0xF, v5;
	v5 =	vimm.s32 $0xDCBA9876  }
0x17: {  	v6 =	vunpack.c.l.s4.s8 v6;
	v7 =	vunpack.c.l.s4.s8 v7;
	s17 =	simm.s32 $0x400;
	s24 =	simm.s32 $0xE000;
	s25 =	simm.s32 $0x80;
	v5 =	vunpack.c.l.s4.s8 v5  }
0x18: {  	v10 =	vunpack.c.0.s8.s32 v10;
	v0 =	vlaneseq.u32;
	v2 =	vand.u32 $0xF, v2;
	s2 =	simm.s32 $0x8;
	s15 =	simm.s32 $0x9;
	s19 =	simm.s32 $0x0  }
0x19: {  	s11 =	sadd.s32 s11, s23;
	[dreg:$0x7] =	wrdreg s26;
	s26 =	simm.s32 $0x1;
	v6 =	vunpack.c.0.s8.s32 v6;
	v7 =	vunpack.c.0.s8.s32 v7;
	v5 =	vunpack.c.0.s8.s32 v5  }
.LBB2_19:
0x1a: {  	s19 =	sadd.s32 $0x1, s19  }
0x1b: {  	p1 =	sne.s32 s19, s16  }
.Ltmp1:
0x1c: {  	_ = 	snop;
	(pc) =	sbr.rel @!p1 .LBB2_20-.Ltmp1, $1  }
0x1d: {  	_ =	sdelay $0x3  }
.LBB2_1:
0x1e: {  	[tilespmem:s3], [sflag:$0x1] =	stream.strided.gather [hbm4b:s4+s25], $0x2000, s17, s25, $0x38;
	[tilespmem:$0x10420] =	vst v63  }
0x1f: {  	s20 =	simm.s32 $0x2000  }
0x20: {  	[tilespmem:s20], [sflag:$0x2] =	stream.strided.gather [hbm4b:s5+s25], $0x2000, s17, s25, $0x38;
	[tilespmem:$0x10420] =	vst v63  }
0x21: {  	s21 =	simm.s32 $0x4000  }
0x22: {  	[tilespmem:s21], [sflag:$0x3] =	stream.strided.gather [hbm4b:s6+s25], $0x2000, s17, s25, $0x38;
	[tilespmem:$0x10420] =	vst v63  }
0x23: {  	s22 =	simm.s32 $0x6000  }
0x24: {  	[tilespmem:s22], [sflag:$0x4] =	stream.strided.gather [hbm4b:s7+s25], $0x2000, s17, s25, $0x38;
	[tilespmem:$0x10420] =	vst v63  }
0x25: {  	s23 =	simm.s32 $0x8000  }
0x26: {  	[tilespmem:s23], [sflag:$0x5] =	stream.strided.gather [hbm4b:s8+s25], $0x2000, s17, s25, $0x38;
	[tilespmem:$0x10420] =	vst v63  }
0x27: {  	s21 =	simm.s32 $0xA000  }
0x28: {  	[tilespmem:s21], [sflag:$0x6] =	stream.strided.gather [hbm4b:s9+s25], $0x2000, s17, s25, $0x38;
	[tilespmem:$0x10420] =	vst v63  }
0x29: {  	s22 =	simm.s32 $0xC000  }
0x2a: {  	[tilespmem:s22], [sflag:$0x7] =	stream.strided.gather [hbm4b:s10+s25], $0x2000, s17, s25, $0x38;
	[tilespmem:$0x10420] =	vst v63  }
0x2b: {  	_ = 	snop  }
0x2c: {  	[tilespmem:s24], [sflag:$0x8] =	stream.strided.gather [hbm4b:s11+s25], $0x2000, s17, s25, $0x38;
	[tilespmem:$0x10420] =	vst v63  }
0x2d: {  	_ =	swait.ge [sflag:s26], $0x2000  }
0x2e: {  	[sflag:s26] =	ssyncset.done $0x0  }
0x2f: {  	s23 =	simm.s32 $0x40;
	[sflag:s26] =	ssyncadd.s32 $0xFFFFE000  }
0x30: {  	v12 =	vld [tilespmem:s23+$0xFFFFFFF0]  }
0x31: {  	v13 =	vld [tilespmem:s23+$0xFFFFFFC0]  }
0x32: {  	v14 =	vld [tilespmem:s23+$0x30]  }
0x33: {  	v15 =	vld [tilespmem:s23+$0x10]  }
0x34: {  	v16 =	vld [tilespmem:s23+$0x20]  }
0x35: {  	v22 =	vld [tilespmem:s23+$0xFFFFFFE0]  }
0x36: {  	v29 =	vld [tilespmem:s23+$0x0]  }
0x37: {  	v11 =	vimm.f32 $-Inf;
	v33 =	vld [tilespmem:s23+$0xFFFFFFD0]  }
0x38: {  	v30 =	vimm.s32 $0x0;
	s22 =	simm.s32 $0xC0;
	vm0 =	vgt.f32 v12, v11;
	vm1 =	vgt.f32 v13, v11  }
0x39: {  	v25 =	vld [tilespmem:s22+$0xFFFFFFF0];
	v12 =	vmax.f32 v12, v11;
	v28 =	vmax.f32 v13, v11;
	v13 =	vmax.f32 v14, v11  }
0x3a: {  	v24 =	vmax.f32 v15, v11;
	v18 =	vmax.f32 v16, v11;
	v19 =	vmax.f32 v22, v11  }
0x3b: {  	vm2 =	vgt.f32 v16, v11;
	v32 =	vsel vm1, s3, v30;
	vm1 =	vgt.f32 v15, v11;
	v15 =	vld [tilespmem:s22+$0xFFFFFFC0]  }
0x3c: {  	v27 =	vld [tilespmem:s22+$0x30];
	vm3 =	vgt.f32 v33, v11;
	v20 =	vsel vm0, s3, v30;
	vm0 =	vgt.f32 v29, v11  }
0x3d: {  	v35 =	vld [tilespmem:s22+$0x10];
	v23 =	vsel vm2, s3, v30;
	v17 =	vsel vm1, s3, v30;
	vm1 =	vgt.f32 v14, v11  }
0x3e: {  	v26 =	vld [tilespmem:s22+$0x20];
	v29 =	vmax.f32 v29, v11;
	v14 =	vmax.f32 v25, v12;
	v21 =	vsel vm1, s3, v30  }
0x3f: {  	v31 =	vld [tilespmem:s22+$0xFFFFFFE0];
	vm1 =	vgt.f32 v22, v11;
	v22 =	vsel vm0, s3, v30;
	vm0 =	vgt.f32 v25, v12  }
0x40: {  	s20 =	simm.s32 $0x1;
	v25 =	vsel vm3, s3, v30;
	vm2 =	vgt.f32 v15, v28;
	v15 =	vmax.f32 v15, v28;
	v28 =	vld [tilespmem:s22+$0x0]  }
0x41: {  	s21 =	simm.s32 $0x2;
	v36 =	vmovc v19;
	v34 =	vmovc v18;
	v12 =	vmax.f32 v27, v13;
	v30 =	vsel vm1, s3, v30;
	v16 =	vsel vm2, s20, v32;
	v32 =	vld [tilespmem:s22+$0xFFFFFFD0];
	s22 =	simm.s32 $0x140  }
.LBB2_2:
0x42: {  	v37 =	vld [tilespmem:s22+$0xFFFFFFF0];
	p1 =	sne.s32 s21, $0x3F;
	vm1 =	vgt.f32 v35, v24;
	v24 =	vmax.f32 v35, v24;
	v11 =	vmax.f32 v33, v11;
	s23 =	smov.u32 s21;
	s21 =	sadd.s32 $0x1, s21  }
0x43: {  	v38 =	vld [tilespmem:s22+$0xFFFFFFC0];
	v17 =	vsel vm1, s20, v17;
	v18 =	vmax.f32 v26, v18;
	vm1 =	vgt.f32 v27, v13;
	v13 =	vmovc v12  }
0x44: {  	v20 =	vsel vm0, s20, v20;
	v27 =	vld [tilespmem:s22+$0x30];
	v19 =	vmax.f32 v31, v19;
	v21 =	vsel vm1, s20, v21  }
.Ltmp2:
0x45: {  	vm2 =	vgt.f32 v26, v34;
	vm1 =	vgt.f32 v31, v36;
	v34 =	vmovc v18;
	v35 =	vld [tilespmem:s22+$0x10];
	vm0 =	vgt.f32 v28, v29;
	(pc) =	sbr.rel @p1 .LBB2_2-.Ltmp2, $4  }
0x46: {  	v23 =	vsel vm2, s20, v23;
	v36 =	vmovc v19;
	v26 =	vld [tilespmem:s22+$0x20];
	vm3 =	vgt.f32 v32, v11;
	v22 =	vsel vm0, s20, v22;
	v33 =	vmovc v32  }
0x47: {  	v31 =	vld [tilespmem:s22+$0xFFFFFFE0];
	vm0 =	vgt.f32 v37, v14;
	v14 =	vmax.f32 v37, v14;
	v25 =	vsel vm3, s20, v25  }
0x48: {  	v29 =	vmax.f32 v28, v29;
	vm2 =	vgt.f32 v38, v15;
	v15 =	vmax.f32 v38, v15;
	v28 =	vld [tilespmem:s22+$0x0]  }
0x49: {  	v30 =	vsel vm1, s20, v30;
	s20 =	smov.u32 s23;
	v16 =	vsel vm2, s23, v16;
	v32 =	vld [tilespmem:s22+$0xFFFFFFD0];
	v12 =	vmax.f32 v27, v12;
	s22 =	sadd.s32 $0x80, s22  }
0x4a: {  	_ =	swait.ge [sflag:s28], $0x2000  }
0x4b: {  	[sflag:s28] =	ssyncset.done $0x0  }
0x4c: {  	s21 =	simm.s32 $0x2070;
	[sflag:s28] =	ssyncadd.s32 $0xFFFFE000  }
0x4d: {  	vm1 =	vgt.f32 v35, v24;
	v60 =	vld [tilespmem:s21+$0xFFFFFFC0]  }
0x4e: {  	v17 =	vsel vm1, s20, v17;
	vm1 =	vgt.f32 v27, v13;
	v27 =	vld [tilespmem:s21+$0xFFFFFF90]  }
0x4f: {  	v37 =	vmax.f32 v31, v19;
	v19 =	vld [tilespmem:s21+$0xFFFFFFE0]  }
0x50: {  	v18 =	vmax.f32 v26, v18;
	vm2 =	vgt.f32 v26, v34;
	v26 =	vld [tilespmem:s21+$0xFFFFFFF0]  }
0x51: {  	v21 =	vsel vm1, s20, v21;
	vm1 =	vgt.f32 v28, v29;
	v29 =	vmax.f32 v28, v29;
	v28 =	vld [tilespmem:s21+$0xFFFFFFB0]  }
0x52: {  	v11 =	vmax.f32 v33, v11;
	v20 =	vsel vm0, s20, v20;
	vm0 =	vgt.f32 v31, v36;
	v33 =	vld [tilespmem:s21+$0xFFFFFFA0]  }
0x53: {  	v24 =	vmax.f32 v35, v24;
	v34 =	vsel vm2, s20, v23;
	v61 =	vld [tilespmem:s21+$0x0];
	v30 =	vsel vm0, s20, v30  }
0x54: {  	s22 =	simm.s32 $0x20F0;
	vm3 =	vgt.f32 v32, v11;
	v31 =	vsel vm1, s20, v22;
	v13 =	vmax.f32 v32, v11;
	v11 =	vld [tilespmem:s21+$0xFFFFFFD0]  }
0x55: {  	v40 =	vld [tilespmem:s22+$0xFFFFFF90];
	v25 =	vsel vm3, s20, v25;
	vm0 =	vgt.f32 v60, v14;
	vm1 =	vgt.f32 v27, v15  }
0x56: {  	v62 =	vmax.f32 v60, v14;
	v63 =	vmax.f32 v27, v15;
	v14 =	vmax.f32 v19, v24  }
0x57: {  	s23 =	simm.s32 $0x40;
	v39 =	vld [tilespmem:s22+$0xFFFFFFC0];
	v22 =	vmax.f32 v28, v37;
	vm2 =	vgt.f32 v26, v18;
	vm3 =	vgt.f32 v33, v13  }
0x58: {  	v38 =	vsel vm1, s23, v16;
	v16 =	vmax.f32 v61, v12;
	vm1 =	vgt.f32 v19, v24  }
0x59: {  	v27 =	vld [tilespmem:s22+$0x0];
	v19 =	vmax.f32 v26, v18;
	v23 =	vsel vm0, s23, v20;
	vm0 =	vgt.f32 v11, v29  }
0x5a: {  	v35 =	vld [tilespmem:s22+$0xFFFFFFE0];
	v25 =	vsel vm3, s23, v25;
	v18 =	vmax.f32 v40, v63;
	v29 =	vmax.f32 v11, v29  }
0x5b: {  	v26 =	vld [tilespmem:s22+$0xFFFFFFF0];
	v15 =	vsel vm1, s23, v17;
	vm1 =	vgt.f32 v61, v12;
	v24 =	vsel vm0, s23, v31  }
0x5c: {  	v31 =	vld [tilespmem:s22+$0xFFFFFFB0];
	vm0 =	vgt.f32 v39, v62;
	v12 =	vmax.f32 v39, v62;
	v20 =	vsel vm1, s23, v21  }
0x5d: {  	s20 =	simm.s32 $0x41;
	vm1 =	vgt.f32 v28, v37;
	v21 =	vsel vm2, s23, v34;
	vm2 =	vgt.f32 v40, v63;
	v28 =	vld [tilespmem:s22+$0xFFFFFFD0]  }
0x5e: {  	s21 =	simm.s32 $0x42;
	v32 =	vld [tilespmem:s22+$0xFFFFFFA0];
	v36 =	vmovc v22;
	s22 =	simm.s32 $0x2170;
	v34 =	vmovc v19;
	v17 =	vsel vm2, s20, v38;
	v30 =	vsel vm1, s23, v30;
	v11 =	vmax.f32 v27, v16  }
.LBB2_4:
0x5f: {  	v37 =	vld [tilespmem:s22+$0xFFFFFFC0];
	p1 =	sne.s32 s21, $0x7F;
	vm1 =	vgt.f32 v35, v14;
	v14 =	vmax.f32 v35, v14;
	v13 =	vmax.f32 v33, v13;
	s23 =	smov.u32 s21;
	s21 =	sadd.s32 $0x1, s21  }
0x60: {  	v38 =	vld [tilespmem:s22+$0xFFFFFF90];
	v15 =	vsel vm1, s20, v15;
	v19 =	vmax.f32 v26, v19;
	vm1 =	vgt.f32 v27, v16;
	v16 =	vmovc v11  }
0x61: {  	v23 =	vsel vm0, s20, v23;
	v27 =	vld [tilespmem:s22+$0x0];
	v22 =	vmax.f32 v31, v22;
	v20 =	vsel vm1, s20, v20  }
.Ltmp3:
0x62: {  	vm2 =	vgt.f32 v26, v34;
	vm1 =	vgt.f32 v31, v36;
	v34 =	vmovc v19;
	v35 =	vld [tilespmem:s22+$0xFFFFFFE0];
	vm0 =	vgt.f32 v28, v29;
	(pc) =	sbr.rel @p1 .LBB2_4-.Ltmp3, $4  }
0x63: {  	v21 =	vsel vm2, s20, v21;
	v36 =	vmovc v22;
	v26 =	vld [tilespmem:s22+$0xFFFFFFF0];
	vm3 =	vgt.f32 v32, v13;
	v24 =	vsel vm0, s20, v24;
	v33 =	vmovc v32  }
0x64: {  	v31 =	vld [tilespmem:s22+$0xFFFFFFB0];
	vm0 =	vgt.f32 v37, v12;
	v12 =	vmax.f32 v37, v12;
	v25 =	vsel vm3, s20, v25  }
0x65: {  	v29 =	vmax.f32 v28, v29;
	vm2 =	vgt.f32 v38, v18;
	v18 =	vmax.f32 v38, v18;
	v28 =	vld [tilespmem:s22+$0xFFFFFFD0]  }
0x66: {  	v30 =	vsel vm1, s20, v30;
	s20 =	smov.u32 s23;
	v17 =	vsel vm2, s23, v17;
	v32 =	vld [tilespmem:s22+$0xFFFFFFA0];
	v11 =	vmax.f32 v27, v11;
	s22 =	sadd.s32 $0x80, s22  }
0x67: {  	_ =	swait.ge [sflag:s29], $0x2000  }
0x68: {  	[sflag:s29] =	ssyncset.done $0x0  }
0x69: {  	vm1 =	vgt.f32 v35, v14;
	s23 =	simm.s32 $0x0;
	[sflag:s29] =	ssyncadd.s32 $0xFFFFE000  }
0x6a: {  	v33 =	vmax.f32 v33, v13;
	v13 =	vsel vm1, s20, v15;
	v15 =	vmax.f32 v26, v19;
	v19 =	vld [tilespmem:s23+$0x4070]  }
0x6b: {  	vm1 =	vgt.f32 v27, v16;
	v27 =	vmax.f32 v31, v22;
	v22 =	vsel vm0, s20, v23;
	v23 =	vld [tilespmem:s23+$0x4000]  }
0x6c: {  	v14 =	vmax.f32 v35, v14;
	v62 =	vld [tilespmem:s23+$0x4010]  }
0x6d: {  	vm2 =	vgt.f32 v26, v34;
	v61 =	vsel vm1, s20, v20;
	vm0 =	vgt.f32 v31, v36  }
0x6e: {  	v16 =	vsel vm2, s20, v21;
	vm1 =	vgt.f32 v28, v29;
	v31 =	vld [tilespmem:s23+$0x4020];
	vm3 =	vgt.f32 v32, v33  }
0x6f: {  	v20 =	vsel vm1, s20, v24;
	v24 =	vmax.f32 v28, v29;
	v28 =	vld [tilespmem:s23+$0x4030];
	v63 =	vmax.f32 v32, v33  }
0x70: {  	v29 =	vld [tilespmem:s23+$0x4040];
	v26 =	vsel vm3, s20, v25;
	v25 =	vsel vm0, s20, v30;
	vm0 =	vgt.f32 v19, v11  }
0x71: {  	s20 =	simm.s32 $0x80;
	v30 =	vld [tilespmem:s23+$0x4050];
	vm1 =	vgt.f32 v23, v18;
	v18 =	vmax.f32 v23, v18;
	v23 =	vmax.f32 v62, v63  }
0x72: {  	s21 =	simm.s32 $0x80;
	s22 =	simm.s32 $0x400;
	v32 =	vld [tilespmem:s23+$0x4060];
	v21 =	vsel vm0, s20, v61;
	v17 =	vsel vm1, s20, v17;
	vm0 =	vgt.f32 v62, v63  }
.LBB2_6:
0x73: {  	p1 =	sne.s32 s22, $0x7E00;
	v33 =	vld [tilespmem:s21+$0x4070];
	v26 =	vsel vm0, s20, v26;
	vm0 =	vgt.f32 v31, v27;
	v27 =	vmax.f32 v31, v27  }
0x74: {  	v34 =	vld [tilespmem:s21+$0x4000];
	v25 =	vsel vm0, s20, v25;
	vm0 =	vgt.f32 v28, v12;
	v12 =	vmax.f32 v28, v12  }
0x75: {  	v35 =	vld [tilespmem:s21+$0x4010];
	v22 =	vsel vm0, s20, v22;
	vm0 =	vgt.f32 v29, v24;
	v24 =	vmax.f32 v29, v24  }
.Ltmp4:
0x76: {  	v31 =	vld [tilespmem:s21+$0x4020];
	v20 =	vsel vm0, s20, v20;
	vm0 =	vgt.f32 v30, v14;
	v14 =	vmax.f32 v30, v14;
	(pc) =	sbr.rel @p1 .LBB2_6-.Ltmp4, $4  }
0x77: {  	v11 =	vmax.f32 v19, v11;
	v28 =	vld [tilespmem:s21+$0x4030];
	vm1 =	vgt.f32 v32, v15;
	v15 =	vmax.f32 v32, v15  }
0x78: {  	v13 =	vsel vm0, s20, v13;
	v29 =	vld [tilespmem:s21+$0x4040];
	vm2 =	vgt.f32 v33, v11;
	v16 =	vsel vm1, s20, v16;
	s20 =	sadd.s32 $0x1, s20;
	v19 =	vmovc v33  }
0x79: {  	vm0 =	vgt.f32 v34, v18;
	v18 =	vmax.f32 v34, v18;
	v30 =	vld [tilespmem:s21+$0x4050];
	v21 =	vsel vm2, s20, v21  }
0x7a: {  	v17 =	vsel vm0, s20, v17;
	vm0 =	vgt.f32 v35, v23;
	v23 =	vmax.f32 v35, v23;
	v32 =	vld [tilespmem:s21+$0x4060];
	s21 =	sshra.s32 s22, $0x2;
	s22 =	sadd.s32 $0x200, s22  }
0x7b: {  	v33 =	vld [tilespmem:s21+$0x4070]  }
0x7c: {  	v34 =	vld [tilespmem:s21+$0x4000]  }
0x7d: {  	v35 =	vld [tilespmem:s21+$0x4010]  }
0x7e: {  	v26 =	vsel vm0, s20, v26;
	vm0 =	vgt.f32 v31, v27;
	v27 =	vmax.f32 v31, v27;
	v31 =	vld [tilespmem:s21+$0x4020]  }
0x7f: {  	v36 =	vld [tilespmem:s21+$0x4030];
	v11 =	vmax.f32 v19, v11;
	v25 =	vsel vm0, s20, v25;
	vm0 =	vgt.f32 v28, v12  }
0x80: {  	v37 =	vld [tilespmem:s21+$0x4050];
	v28 =	vmax.f32 v28, v12;
	v22 =	vsel vm0, s20, v22;
	vm0 =	vgt.f32 v29, v24  }
0x81: {  	v63 =	vld [tilespmem:s21+$0x4060];
	v24 =	vmax.f32 v29, v24;
	vm1 =	vgt.f32 v30, v14;
	v30 =	vmax.f32 v30, v14  }
0x82: {  	v29 =	vld [tilespmem:s21+$0x4040];
	_ =	swait.ge [sflag:s30], $0x2000;
	v20 =	vsel vm0, s20, v20;
	vm2 =	vgt.f32 v32, v15;
	v15 =	vmax.f32 v32, v15  }
0x83: {  	[sflag:s30] =	ssyncset.done $0x0;
	v38 =	vsel vm1, s20, v13;
	vm0 =	vgt.f32 v33, v11;
	vm1 =	vgt.f32 v34, v18  }
0x84: {  	s22 =	sadd.s32 $0x1, s20;
	s23 =	simm.s32 $0x0;
	[sflag:s30] =	ssyncadd.s32 $0xFFFFE000;
	v34 =	vmax.f32 v34, v18;
	v39 =	vsel vm2, s20, v16;
	v16 =	vmax.f32 v31, v27  }
0x85: {  	v12 =	vld [tilespmem:s23+$0x6070];
	v18 =	vmax.f32 v36, v28;
	v40 =	vsel vm0, s22, v21;
	vm0 =	vgt.f32 v35, v23  }
0x86: {  	v41 =	vsel vm1, s22, v17;
	v13 =	vsel vm0, s22, v26;
	vm0 =	vgt.f32 v31, v27;
	v26 =	vld [tilespmem:s23+$0x6010]  }
0x87: {  	v35 =	vmax.f32 v35, v23;
	v21 =	vmax.f32 v37, v30;
	v17 =	vsel vm0, s22, v25;
	v25 =	vld [tilespmem:s23+$0x6000]  }
0x88: {  	vm1 =	vgt.f32 v63, v15;
	v15 =	vmax.f32 v63, v15;
	vm0 =	vgt.f32 v36, v28  }
0x89: {  	v19 =	vmax.f32 v29, v24;
	v28 =	vld [tilespmem:s23+$0x6020];
	v14 =	vsel vm0, s22, v22;
	vm0 =	vgt.f32 v29, v24  }
0x8a: {  	v24 =	vmax.f32 v33, v11;
	v29 =	vld [tilespmem:s23+$0x6030];
	v20 =	vsel vm0, s22, v20;
	vm0 =	vgt.f32 v37, v30  }
0x8b: {  	s21 =	simm.s32 $0xC0;
	v23 =	vsel vm1, s22, v39;
	v30 =	vld [tilespmem:s23+$0x6040];
	v22 =	vsel vm0, s22, v38;
	vm0 =	vgt.f32 v12, v24  }
0x8c: {  	v31 =	vld [tilespmem:s23+$0x6050];
	v11 =	vsel vm0, s21, v40;
	vm0 =	vgt.f32 v26, v35;
	vm1 =	vgt.f32 v25, v34  }
0x8d: {  	s20 =	simm.s32 $0x80;
	v32 =	vld [tilespmem:s23+$0x6060];
	s22 =	simm.s32 $0x400;
	v26 =	vmax.f32 v26, v35;
	v25 =	vmax.f32 v25, v34;
	v27 =	vsel vm1, s21, v41  }
.LBB2_8:
0x8e: {  	p1 =	sne.s32 s22, $0x7E00;
	v33 =	vld [tilespmem:s20+$0x6070];
	v13 =	vsel vm0, s21, v13;
	vm0 =	vgt.f32 v28, v16;
	v16 =	vmax.f32 v28, v16  }
0x8f: {  	v34 =	vld [tilespmem:s20+$0x6000];
	v17 =	vsel vm0, s21, v17;
	vm0 =	vgt.f32 v29, v18;
	v18 =	vmax.f32 v29, v18  }
0x90: {  	v35 =	vld [tilespmem:s20+$0x6010];
	v14 =	vsel vm0, s21, v14;
	vm0 =	vgt.f32 v30, v19;
	v19 =	vmax.f32 v30, v19  }
.Ltmp5:
0x91: {  	v28 =	vld [tilespmem:s20+$0x6020];
	v20 =	vsel vm0, s21, v20;
	vm0 =	vgt.f32 v31, v21;
	v21 =	vmax.f32 v31, v21;
	(pc) =	sbr.rel @p1 .LBB2_8-.Ltmp5, $4  }
0x92: {  	v24 =	vmax.f32 v12, v24;
	v29 =	vld [tilespmem:s20+$0x6030];
	vm1 =	vgt.f32 v32, v15;
	v15 =	vmax.f32 v32, v15  }
0x93: {  	v22 =	vsel vm0, s21, v22;
	v30 =	vld [tilespmem:s20+$0x6040];
	vm2 =	vgt.f32 v33, v24;
	v23 =	vsel vm1, s21, v23;
	s21 =	sadd.s32 $0x1, s21;
	v12 =	vmovc v33  }
0x94: {  	vm0 =	vgt.f32 v34, v25;
	v25 =	vmax.f32 v34, v25;
	v31 =	vld [tilespmem:s20+$0x6050];
	v11 =	vsel vm2, s21, v11  }
0x95: {  	v27 =	vsel vm0, s21, v27;
	vm0 =	vgt.f32 v35, v26;
	v26 =	vmax.f32 v35, v26;
	v32 =	vld [tilespmem:s20+$0x6060];
	s20 =	sshra.s32 s22, $0x2;
	s22 =	sadd.s32 $0x200, s22  }
0x96: {  	v33 =	vld [tilespmem:s20+$0x6070];
	vm1 =	vgt.f32 v28, v16  }
0x97: {  	v13 =	vsel vm0, s21, v13;
	v16 =	vmax.f32 v28, v16;
	v28 =	vld [tilespmem:s20+$0x6000];
	v12 =	vmax.f32 v12, v24  }
0x98: {  	v17 =	vsel vm1, s21, v17;
	vm0 =	vgt.f32 v29, v18;
	v18 =	vmax.f32 v29, v18;
	v29 =	vld [tilespmem:s20+$0x6010]  }
0x99: {  	v34 =	vld [tilespmem:s20+$0x6030];
	vm1 =	vgt.f32 v30, v19;
	v14 =	vsel vm0, s21, v14;
	v19 =	vmax.f32 v30, v19  }
0x9a: {  	v30 =	vld [tilespmem:s20+$0x6020];
	v20 =	vsel vm1, s21, v20;
	vm1 =	vgt.f32 v31, v21;
	v31 =	vmax.f32 v31, v21  }
0x9b: {  	vm2 =	vgt.f32 v32, v15;
	v24 =	vmax.f32 v32, v15;
	v15 =	vsel vm1, s21, v22  }
0x9c: {  	s23 =	sadd.s32 $0x1, s21;
	vm0 =	vgt.f32 v33, v12;
	v22 =	vsel vm2, s21, v23;
	vm1 =	vgt.f32 v28, v25  }
0x9d: {  	v23 =	vmax.f32 v28, v25;
	v21 =	vsel vm1, s23, v27;
	vm1 =	vgt.f32 v29, v26  }
0x9e: {  	v28 =	vmax.f32 v34, v18;
	v26 =	vmax.f32 v29, v26;
	v13 =	vsel vm1, s23, v13  }
0x9f: {  	v25 =	vld [tilespmem:s20+$0x6040];
	vm1 =	vgt.f32 v30, v16;
	v16 =	vmax.f32 v30, v16;
	v27 =	vshll.u32 v21, $0x7  }
0xa0: {  	v21 =	vor.u32 $0x10, v0;
	v17 =	vsel vm1, s23, v17;
	v13 =	vshll.u32 v13, $0x7  }
0xa1: {  	vm1 =	vgt.f32 v34, v18;
	v27 =	vor.u32 v0, v27;
	v13 =	vor.u32 v21, v13  }
0xa2: {  	v14 =	vsel vm1, s23, v14;
	vm1 =	veq.f32 v26, v23;
	vm2 =	vlt.s32 v13, v27  }
0xa3: {  	v18 =	vor.u32 $0x20, v0;
	vm1 =	vmand vm1, vm2;
	vm2 =	vgt.f32 v26, v23  }
0xa4: {  	v17 =	vshll.u32 v17, $0x7;
	vm3 =	vgt.f32 v25, v19;
	vm1 =	vmor vm2, vm1  }
0xa5: {  	v17 =	vor.u32 v18, v17;
	v23 =	vsel vm1, v26, v23;
	v13 =	vsel vm1, v13, v27  }
0xa6: {  	v25 =	vmax.f32 v25, v19;
	vm1 =	veq.f32 v16, v23;
	vm2 =	vlt.s32 v17, v13  }
0xa7: {  	v29 =	vld [tilespmem:s20+$0x6050];
	v20 =	vsel vm3, s23, v20;
	vm3 =	vgt.f32 v16, v23;
	vm1 =	vmand vm1, vm2  }
0xa8: {  	v14 =	vshll.u32 v14, $0x7;
	v19 =	vor.u32 $0x30, v0;
	vm1 =	vmor vm3, vm1  }
0xa9: {  	v14 =	vor.u32 v19, v14;
	v16 =	vsel vm1, v16, v23;
	v13 =	vsel vm1, v17, v13  }
0xaa: {  	v26 =	vshll.u32 v20, $0x7;
	vm2 =	veq.f32 v28, v16;
	vm3 =	vlt.s32 v14, v13  }
0xab: {  	v20 =	vor.u32 $0x40, v0;
	v17 =	vld [tilespmem:s20+$0x6060];
	vm2 =	vmand vm2, vm3;
	vm3 =	vgt.f32 v28, v16  }
0xac: {  	vm1 =	vgt.f32 v29, v31;
	v23 =	vmax.f32 v29, v31;
	vm2 =	vmor vm3, vm2  }
0xad: {  	v16 =	vsel vm2, v28, v16;
	v13 =	vsel vm2, v14, v13;
	v14 =	vor.u32 v20, v26  }
0xae: {  	v15 =	vsel vm1, s23, v15;
	vm1 =	veq.f32 v25, v16;
	vm2 =	vlt.s32 v14, v13  }
0xaf: {  	v26 =	vshll.u32 v15, $0x7;
	vm1 =	vmand vm1, vm2;
	vm2 =	vgt.f32 v25, v16  }
0xb0: {  	v15 =	vor.u32 $0x50, v0;
	vm3 =	vgt.f32 v17, v24;
	vm1 =	vmor vm2, vm1  }
0xb1: {  	v25 =	vsel vm1, v25, v16;
	v13 =	vsel vm1, v14, v13;
	v14 =	vor.u32 v15, v26  }
0xb2: {  	v24 =	vmax.f32 v17, v24;
	vm1 =	veq.f32 v23, v25;
	vm2 =	vlt.s32 v14, v13  }
0xb3: {  	v16 =	vsel vm3, s23, v22;
	vm3 =	vgt.f32 v23, v25;
	vm1 =	vmand vm1, vm2  }
0xb4: {  	v17 =	vshll.u32 v16, $0x7;
	v16 =	vor.u32 $0x60, v0;
	vm1 =	vmor vm3, vm1  }
0xb5: {  	v22 =	vsel vm1, v23, v25;
	v13 =	vsel vm1, v14, v13;
	v14 =	vor.u32 v16, v17  }
0xb6: {  	v11 =	vsel vm0, s23, v11;
	vm0 =	veq.f32 v24, v22;
	vm1 =	vlt.s32 v14, v13  }
0xb7: {  	v12 =	vmax.f32 v33, v12;
	vm2 =	vgt.f32 v24, v22;
	vm0 =	vmand vm0, vm1  }
0xb8: {  	v11 =	vshll.u32 v11, $0x7;
	v17 =	vor.u32 $0x70, v0;
	vm0 =	vmor vm2, vm0  }
0xb9: {  	v11 =	vor.u32 v17, v11;
	v22 =	vsel vm0, v24, v22;
	v13 =	vsel vm0, v14, v13  }
0xba: {  	vm0 =	veq.f32 v12, v22;
	vm1 =	vlt.s32 v11, v13  }
0xbb: {  	vm2 =	vgt.f32 v12, v22;
	vm0 =	vmand vm0, vm1  }
0xbc: {  	vm0 =	vmor vm2, vm0  }
0xbd: {  	v12 =	vsel vm0, v12, v22;
	v11 =	vsel vm0, v11, v13  }
0xbe: {  	v13 =	vperm.xlane v12, v1;
	v14 =	vperm.xlane v11, v1  }
0xbf: {  	_ =	swait.ge [sflag:s31], $0x2000  }
0xc0: {  	[sflag:s31] =	ssyncset.done $0x0;
	vm0 =	veq.f32 v13, v12;
	vm1 =	vlt.s32 v14, v11  }
0xc1: {  	s22 =	simm.s32 $0x8040;
	[sflag:s31] =	ssyncadd.s32 $0xFFFFE000;
	vm2 =	vgt.f32 v13, v12;
	vm0 =	vmand vm0, vm1  }
0xc2: {  	v27 =	vld [tilespmem:s22+$0x20];
	vm0 =	vmor vm2, vm0  }
0xc3: {  	v63 =	vld [tilespmem:s22+$0xFFFFFFE0];
	v12 =	vsel vm0, v13, v12;
	v11 =	vsel vm0, v14, v11  }
0xc4: {  	v24 =	vld [tilespmem:s22+$0xFFFFFFC0];
	v13 =	vperm.xlane v12, v2;
	v14 =	vperm.xlane v11, v2  }
0xc5: {  	v26 =	vld [tilespmem:s22+$0x10]  }
0xc6: {  	v44 =	vld [tilespmem:s22+$0xFFFFFFD0];
	vm0 =	veq.f32 v13, v12;
	vm1 =	vlt.s32 v14, v11  }
0xc7: {  	vm2 =	vgt.f32 v13, v12;
	vm0 =	vmand vm0, vm1  }
0xc8: {  	v41 =	vimm.s32 $0x0;
	v25 =	vld [tilespmem:s22+$0x30];
	v22 =	vimm.f32 $-Inf;
	vm0 =	vmor vm2, vm0  }
0xc9: {  	v39 =	vmax.f32 v24, v22;
	v12 =	vsel vm0, v13, v12;
	v11 =	vsel vm0, v14, v11  }
0xca: {  	v35 =	vmax.f32 v26, v22;
	v13 =	vperm.xlane v12, v3;
	v14 =	vperm.xlane v11, v3  }
0xcb: {  	v23 =	vld [tilespmem:s22+$0xFFFFFFF0];
	v29 =	vmax.f32 v27, v22;
	v30 =	vmax.f32 v63, v22;
	vm3 =	vgt.f32 v44, v22  }
0xcc: {  	vm0 =	veq.f32 v13, v12;
	vm1 =	vlt.s32 v14, v11;
	vm2 =	vgt.f32 v13, v12  }
0xcd: {  	v40 =	vld [tilespmem:s22+$0x0];
	s23 =	simm.s32 $0x0;
	s22 =	simm.s32 $0x80C0;
	vm0 =	vmand vm0, vm1;
	vm1 =	vgt.f32 v24, v22;
	v24 =	vmax.f32 v25, v22  }
0xce: {  	v36 =	vld [tilespmem:s22+$0xFFFFFFF0];
	vm0 =	vmor vm2, vm0;
	v43 =	vsel vm1, s23, v41;
	vm1 =	vgt.f32 v26, v22  }
0xcf: {  	vm2 =	vgt.f32 v27, v22;
	v12 =	vsel vm0, v13, v12;
	v11 =	vsel vm0, v14, v11  }
0xd0: {  	v26 =	vld [tilespmem:s22+$0xFFFFFFC0];
	vm0 =	vgt.f32 v23, v22;
	v23 =	vmax.f32 v23, v22;
	v28 =	vsel vm1, s23, v41  }
0xd1: {  	v38 =	vld [tilespmem:s22+$0x30];
	vm1 =	vgt.f32 v25, v22;
	v34 =	vsel vm2, s23, v41;
	v14 =	vperm.xlane v12, v4  }
0xd2: {  	v46 =	vld [tilespmem:s22+$0x10];
	v13 =	vperm.xlane v11, v4;
	v31 =	vsel vm0, s23, v41;
	v32 =	vsel vm1, s23, v41  }
0xd3: {  	v37 =	vld [tilespmem:s22+$0x20];
	vm1 =	vgt.f32 v63, v22;
	vm0 =	vgt.f32 v40, v22;
	v25 =	vmax.f32 v36, v23  }
0xd4: {  	v42 =	vld [tilespmem:s22+$0xFFFFFFE0];
	v40 =	vmax.f32 v40, v22;
	v33 =	vsel vm0, s23, v41;
	vm0 =	vgt.f32 v36, v23  }
0xd5: {  	s20 =	simm.s32 $0x1;
	v36 =	vsel vm3, s23, v41;
	vm2 =	vgt.f32 v26, v39;
	v26 =	vmax.f32 v26, v39;
	v39 =	vld [tilespmem:s22+$0x0]  }
0xd6: {  	s21 =	simm.s32 $0x2;
	v47 =	vmovc v30;
	v45 =	vmovc v29;
	v23 =	vmax.f32 v38, v24;
	v41 =	vsel vm1, s23, v41;
	v27 =	vsel vm2, s20, v43;
	v43 =	vld [tilespmem:s22+$0xFFFFFFD0];
	s22 =	simm.s32 $0x8140  }
.LBB2_10:
0xd7: {  	v48 =	vld [tilespmem:s22+$0xFFFFFFF0];
	p1 =	sne.s32 s21, $0x3F;
	vm1 =	vgt.f32 v46, v35;
	v35 =	vmax.f32 v46, v35;
	v22 =	vmax.f32 v44, v22;
	s23 =	smov.u32 s21;
	s21 =	sadd.s32 $0x1, s21  }
0xd8: {  	v49 =	vld [tilespmem:s22+$0xFFFFFFC0];
	v28 =	vsel vm1, s20, v28;
	v29 =	vmax.f32 v37, v29;
	vm1 =	vgt.f32 v38, v24;
	v24 =	vmovc v23  }
0xd9: {  	v31 =	vsel vm0, s20, v31;
	v38 =	vld [tilespmem:s22+$0x30];
	v30 =	vmax.f32 v42, v30;
	v32 =	vsel vm1, s20, v32  }
.Ltmp6:
0xda: {  	vm2 =	vgt.f32 v37, v45;
	vm1 =	vgt.f32 v42, v47;
	v45 =	vmovc v29;
	v46 =	vld [tilespmem:s22+$0x10];
	vm0 =	vgt.f32 v39, v40;
	(pc) =	sbr.rel @p1 .LBB2_10-.Ltmp6, $4  }
0xdb: {  	v34 =	vsel vm2, s20, v34;
	v47 =	vmovc v30;
	v37 =	vld [tilespmem:s22+$0x20];
	vm3 =	vgt.f32 v43, v22;
	v33 =	vsel vm0, s20, v33;
	v44 =	vmovc v43  }
0xdc: {  	v42 =	vld [tilespmem:s22+$0xFFFFFFE0];
	vm0 =	vgt.f32 v48, v25;
	v25 =	vmax.f32 v48, v25;
	v36 =	vsel vm3, s20, v36  }
0xdd: {  	v40 =	vmax.f32 v39, v40;
	vm2 =	vgt.f32 v49, v26;
	v26 =	vmax.f32 v49, v26;
	v39 =	vld [tilespmem:s22+$0x0]  }
0xde: {  	v41 =	vsel vm1, s20, v41;
	s20 =	smov.u32 s23;
	v27 =	vsel vm2, s23, v27;
	v43 =	vld [tilespmem:s22+$0xFFFFFFD0];
	v23 =	vmax.f32 v38, v23;
	s22 =	sadd.s32 $0x80, s22  }
0xdf: {  	_ =	swait.ge [sflag:s1], $0x2000  }
0xe0: {  	[sflag:s1] =	ssyncset.done $0x0  }
0xe1: {  	s21 =	simm.s32 $0xA070;
	[sflag:s1] =	ssyncadd.s32 $0xFFFFE000  }
0xe2: {  	v55 =	vld [tilespmem:s21+$0xFFFFFFC0]  }
0xe3: {  	v56 =	vld [tilespmem:s21+$0xFFFFFF90]  }
0xe4: {  	vm1 =	vgt.f32 v46, v35;
	v54 =	vmax.f32 v46, v35;
	v48 =	vmax.f32 v42, v30;
	v30 =	vld [tilespmem:s21+$0xFFFFFFE0]  }
0xe5: {  	v22 =	vmax.f32 v44, v22;
	v31 =	vsel vm0, s20, v31;
	v28 =	vsel vm1, s20, v28;
	v59 =	vld [tilespmem:s21+$0xFFFFFFF0]  }
0xe6: {  	v29 =	vmax.f32 v37, v29;
	vm1 =	vgt.f32 v38, v24;
	vm2 =	vgt.f32 v37, v45;
	v61 =	vld [tilespmem:s21+$0xFFFFFFB0]  }
0xe7: {  	v32 =	vsel vm1, s20, v32;
	vm0 =	vgt.f32 v42, v47;
	v45 =	vsel vm2, s20, v34;
	v44 =	vld [tilespmem:s21+$0xFFFFFFA0]  }
0xe8: {  	v57 =	vld [tilespmem:s21+$0x0];
	vm1 =	vgt.f32 v39, v40;
	v60 =	vmax.f32 v39, v40;
	v41 =	vsel vm0, s20, v41  }
0xe9: {  	s22 =	simm.s32 $0xA0F0;
	vm3 =	vgt.f32 v43, v22;
	v58 =	vsel vm1, s20, v33;
	v24 =	vmax.f32 v43, v22;
	v22 =	vld [tilespmem:s21+$0xFFFFFFD0]  }
0xea: {  	v51 =	vld [tilespmem:s22+$0xFFFFFF90];
	v36 =	vsel vm3, s20, v36;
	vm0 =	vgt.f32 v55, v25;
	vm1 =	vgt.f32 v56, v26  }
0xeb: {  	v62 =	vmax.f32 v55, v25;
	v63 =	vmax.f32 v56, v26;
	v25 =	vmax.f32 v30, v54  }
0xec: {  	s23 =	simm.s32 $0x40;
	v50 =	vld [tilespmem:s22+$0xFFFFFFC0];
	v33 =	vmax.f32 v61, v48;
	vm2 =	vgt.f32 v59, v29;
	vm3 =	vgt.f32 v44, v24  }
0xed: {  	v49 =	vsel vm1, s23, v27;
	v27 =	vmax.f32 v57, v23;
	vm1 =	vgt.f32 v30, v54  }
0xee: {  	v38 =	vld [tilespmem:s22+$0x0];
	v30 =	vmax.f32 v59, v29;
	v34 =	vsel vm0, s23, v31;
	vm0 =	vgt.f32 v22, v60  }
0xef: {  	v46 =	vld [tilespmem:s22+$0xFFFFFFE0];
	v36 =	vsel vm3, s23, v36;
	v29 =	vmax.f32 v51, v63;
	v40 =	vmax.f32 v22, v60  }
0xf0: {  	v37 =	vld [tilespmem:s22+$0xFFFFFFF0];
	v26 =	vsel vm1, s23, v28;
	vm1 =	vgt.f32 v57, v23;
	v35 =	vsel vm0, s23, v58  }
0xf1: {  	v42 =	vld [tilespmem:s22+$0xFFFFFFB0];
	vm0 =	vgt.f32 v50, v62;
	v23 =	vmax.f32 v50, v62;
	v31 =	vsel vm1, s23, v32  }
0xf2: {  	v39 =	vld [tilespmem:s22+$0xFFFFFFD0];
	s20 =	simm.s32 $0x41;
	vm1 =	vgt.f32 v61, v48;
	v32 =	vsel vm2, s23, v45;
	vm2 =	vgt.f32 v51, v63  }
0xf3: {  	s21 =	simm.s32 $0x42;
	v43 =	vld [tilespmem:s22+$0xFFFFFFA0];
	s22 =	simm.s32 $0xA170;
	v47 =	vmovc v33;
	v22 =	vmax.f32 v38, v27;
	v45 =	vmovc v30;
	v28 =	vsel vm2, s20, v49;
	v41 =	vsel vm1, s23, v41  }
.LBB2_12:
0xf4: {  	v48 =	vld [tilespmem:s22+$0xFFFFFFC0];
	p1 =	sne.s32 s21, $0x7F;
	vm1 =	vgt.f32 v46, v25;
	v25 =	vmax.f32 v46, v25;
	v24 =	vmax.f32 v44, v24;
	s23 =	smov.u32 s21;
	s21 =	sadd.s32 $0x1, s21  }
0xf5: {  	v49 =	vld [tilespmem:s22+$0xFFFFFF90];
	v26 =	vsel vm1, s20, v26;
	v30 =	vmax.f32 v37, v30;
	vm1 =	vgt.f32 v38, v27;
	v27 =	vmovc v22  }
0xf6: {  	v34 =	vsel vm0, s20, v34;
	v38 =	vld [tilespmem:s22+$0x0];
	v33 =	vmax.f32 v42, v33;
	v31 =	vsel vm1, s20, v31  }
.Ltmp7:
0xf7: {  	vm2 =	vgt.f32 v37, v45;
	vm1 =	vgt.f32 v42, v47;
	v45 =	vmovc v30;
	v46 =	vld [tilespmem:s22+$0xFFFFFFE0];
	vm0 =	vgt.f32 v39, v40;
	(pc) =	sbr.rel @p1 .LBB2_12-.Ltmp7, $4  }
0xf8: {  	v32 =	vsel vm2, s20, v32;
	v47 =	vmovc v33;
	v37 =	vld [tilespmem:s22+$0xFFFFFFF0];
	vm3 =	vgt.f32 v43, v24;
	v35 =	vsel vm0, s20, v35;
	v44 =	vmovc v43  }
0xf9: {  	v42 =	vld [tilespmem:s22+$0xFFFFFFB0];
	vm0 =	vgt.f32 v48, v23;
	v23 =	vmax.f32 v48, v23;
	v36 =	vsel vm3, s20, v36  }
0xfa: {  	v40 =	vmax.f32 v39, v40;
	vm2 =	vgt.f32 v49, v29;
	v29 =	vmax.f32 v49, v29;
	v39 =	vld [tilespmem:s22+$0xFFFFFFD0]  }
0xfb: {  	v41 =	vsel vm1, s20, v41;
	s20 =	smov.u32 s23;
	v28 =	vsel vm2, s23, v28;
	v43 =	vld [tilespmem:s22+$0xFFFFFFA0];
	v22 =	vmax.f32 v38, v22;
	s22 =	sadd.s32 $0x80, s22  }
0xfc: {  	_ =	swait.ge [sflag:s0], $0x2000  }
0xfd: {  	[sflag:s0] =	ssyncset.done $0x0  }
0xfe: {  	vm1 =	vgt.f32 v46, v25;
	s23 =	simm.s32 $0x0;
	[sflag:s0] =	ssyncadd.s32 $0xFFFFE000  }
0xff: {  	v44 =	vmax.f32 v44, v24;
	v24 =	vsel vm1, s20, v26;
	v26 =	vmax.f32 v37, v30;
	v30 =	vld [tilespmem:s23+$0xC070]  }
0x100: {  	v25 =	vmax.f32 v46, v25;
	v60 =	vld [tilespmem:s23+$0xC000]  }
0x101: {  	vm1 =	vgt.f32 v38, v27;
	vm2 =	vgt.f32 v37, v45;
	v38 =	vmax.f32 v42, v33;
	v62 =	vld [tilespmem:s23+$0xC010]  }
0x102: {  	v33 =	vsel vm0, s20, v34;
	v61 =	vsel vm1, s20, v31;
	vm0 =	vgt.f32 v42, v47  }
0x103: {  	v27 =	vsel vm2, s20, v32;
	vm1 =	vgt.f32 v39, v40;
	v42 =	vld [tilespmem:s23+$0xC020];
	vm3 =	vgt.f32 v43, v44  }
0x104: {  	v31 =	vsel vm1, s20, v35;
	v35 =	vmax.f32 v39, v40;
	v39 =	vld [tilespmem:s23+$0xC030];
	v63 =	vmax.f32 v43, v44  }
0x105: {  	v40 =	vld [tilespmem:s23+$0xC040];
	v37 =	vsel vm3, s20, v36;
	v36 =	vsel vm0, s20, v41;
	vm0 =	vgt.f32 v30, v22  }
0x106: {  	s20 =	simm.s32 $0x80;
	v41 =	vld [tilespmem:s23+$0xC050];
	vm1 =	vgt.f32 v60, v29;
	v29 =	vmax.f32 v60, v29;
	v34 =	vmax.f32 v62, v63  }
0x107: {  	s21 =	simm.s32 $0x80;
	s22 =	simm.s32 $0x400;
	v43 =	vld [tilespmem:s23+$0xC060];
	v32 =	vsel vm0, s20, v61;
	v28 =	vsel vm1, s20, v28;
	vm0 =	vgt.f32 v62, v63  }
.LBB2_14:
0x108: {  	p1 =	sne.s32 s22, $0x7E00;
	v44 =	vld [tilespmem:s21+$0xC070];
	v37 =	vsel vm0, s20, v37;
	vm0 =	vgt.f32 v42, v38;
	v38 =	vmax.f32 v42, v38  }
0x109: {  	v45 =	vld [tilespmem:s21+$0xC000];
	v36 =	vsel vm0, s20, v36;
	vm0 =	vgt.f32 v39, v23;
	v23 =	vmax.f32 v39, v23  }
0x10a: {  	v46 =	vld [tilespmem:s21+$0xC010];
	v33 =	vsel vm0, s20, v33;
	vm0 =	vgt.f32 v40, v35;
	v35 =	vmax.f32 v40, v35  }
.Ltmp8:
0x10b: {  	v42 =	vld [tilespmem:s21+$0xC020];
	v31 =	vsel vm0, s20, v31;
	vm0 =	vgt.f32 v41, v25;
	v25 =	vmax.f32 v41, v25;
	(pc) =	sbr.rel @p1 .LBB2_14-.Ltmp8, $4  }
0x10c: {  	v22 =	vmax.f32 v30, v22;
	v39 =	vld [tilespmem:s21+$0xC030];
	vm1 =	vgt.f32 v43, v26;
	v26 =	vmax.f32 v43, v26  }
0x10d: {  	v24 =	vsel vm0, s20, v24;
	v40 =	vld [tilespmem:s21+$0xC040];
	vm2 =	vgt.f32 v44, v22;
	v27 =	vsel vm1, s20, v27;
	s20 =	sadd.s32 $0x1, s20;
	v30 =	vmovc v44  }
0x10e: {  	vm0 =	vgt.f32 v45, v29;
	v29 =	vmax.f32 v45, v29;
	v41 =	vld [tilespmem:s21+$0xC050];
	v32 =	vsel vm2, s20, v32  }
0x10f: {  	v28 =	vsel vm0, s20, v28;
	vm0 =	vgt.f32 v46, v34;
	v34 =	vmax.f32 v46, v34;
	v43 =	vld [tilespmem:s21+$0xC060];
	s21 =	sshra.s32 s22, $0x2;
	s22 =	sadd.s32 $0x200, s22  }
0x110: {  	v44 =	vld [tilespmem:s21+$0xC070]  }
0x111: {  	v45 =	vld [tilespmem:s21+$0xC000]  }
0x112: {  	v46 =	vld [tilespmem:s21+$0xC010]  }
0x113: {  	v56 =	vld [tilespmem:s21+$0xC020]  }
0x114: {  	v37 =	vsel vm0, s20, v37;
	vm0 =	vgt.f32 v42, v38;
	v63 =	vmax.f32 v42, v38;
	v47 =	vld [tilespmem:s21+$0xC030]  }
0x115: {  	v59 =	vld [tilespmem:s21+$0xC040];
	v22 =	vmax.f32 v30, v22;
	v36 =	vsel vm0, s20, v36;
	vm0 =	vgt.f32 v39, v23  }
0x116: {  	v48 =	vld [tilespmem:s21+$0xC050];
	v57 =	vmax.f32 v39, v23;
	v33 =	vsel vm0, s20, v33;
	vm0 =	vgt.f32 v40, v35  }
0x117: {  	v49 =	vld [tilespmem:s21+$0xC060];
	_ =	swait.ge [sflag:s2], $0x2000;
	v58 =	vmax.f32 v40, v35;
	vm1 =	vgt.f32 v41, v25;
	v60 =	vmax.f32 v41, v25  }
0x118: {  	[sflag:s2] =	ssyncset.done $0x0;
	v31 =	vsel vm0, s20, v31;
	vm2 =	vgt.f32 v43, v26;
	v61 =	vmax.f32 v43, v26  }
0x119: {  	s23 =	simm.s32 $0x0;
	[sflag:s2] =	ssyncadd.s32 $0xFFFFE000;
	v50 =	vsel vm1, s20, v24;
	vm0 =	vgt.f32 v44, v22;
	vm1 =	vgt.f32 v45, v29  }
0x11a: {  	s22 =	sadd.s32 $0x1, s20;
	v62 =	vld [tilespmem:s23+$0xE000];
	v45 =	vmax.f32 v45, v29;
	v51 =	vsel vm2, s20, v27;
	v26 =	vmax.f32 v56, v63  }
0x11b: {  	v30 =	vmax.f32 v59, v58;
	v24 =	vmax.f32 v44, v22;
	v52 =	vsel vm0, s22, v32  }
0x11c: {  	v53 =	vsel vm1, s22, v28;
	vm0 =	vgt.f32 v46, v34;
	v46 =	vmax.f32 v46, v34  }
0x11d: {  	v23 =	vld [tilespmem:s23+$0xE070];
	v28 =	vmax.f32 v47, v57;
	v25 =	vsel vm0, s22, v37;
	vm0 =	vgt.f32 v56, v63  }
0x11e: {  	v32 =	vmax.f32 v48, v60;
	vm1 =	vgt.f32 v49, v61;
	v63 =	vld [tilespmem:s23+$0xE010];
	v27 =	vsel vm0, s22, v36  }
0x11f: {  	v39 =	vld [tilespmem:s23+$0xE020];
	vm0 =	vgt.f32 v47, v57;
	v36 =	vsel vm1, s22, v51;
	vm1 =	vgt.f32 v62, v45  }
0x120: {  	v40 =	vld [tilespmem:s23+$0xE030];
	v34 =	vmax.f32 v62, v45;
	v29 =	vsel vm0, s22, v33;
	vm0 =	vgt.f32 v59, v58  }
0x121: {  	s21 =	simm.s32 $0xC0;
	v41 =	vld [tilespmem:s23+$0xE040];
	v33 =	vmax.f32 v49, v61;
	v31 =	vsel vm0, s22, v31;
	vm0 =	vgt.f32 v48, v60  }
0x122: {  	v42 =	vld [tilespmem:s23+$0xE050];
	v38 =	vsel vm1, s21, v53;
	v35 =	vsel vm0, s22, v50;
	vm0 =	vgt.f32 v23, v24  }
0x123: {  	v43 =	vld [tilespmem:s23+$0xE060];
	s20 =	simm.s32 $0x80;
	s22 =	simm.s32 $0x400;
	v22 =	vsel vm0, s21, v52;
	vm0 =	vgt.f32 v63, v46;
	v37 =	vmax.f32 v63, v46  }
.LBB2_16:
0x124: {  	p1 =	sne.s32 s22, $0x7E00;
	v44 =	vld [tilespmem:s20+$0xE070];
	v25 =	vsel vm0, s21, v25;
	vm0 =	vgt.f32 v39, v26;
	v26 =	vmax.f32 v39, v26  }
0x125: {  	v45 =	vld [tilespmem:s20+$0xE000];
	v27 =	vsel vm0, s21, v27;
	vm0 =	vgt.f32 v40, v28;
	v28 =	vmax.f32 v40, v28  }
0x126: {  	v46 =	vld [tilespmem:s20+$0xE010];
	v29 =	vsel vm0, s21, v29;
	vm0 =	vgt.f32 v41, v30;
	v30 =	vmax.f32 v41, v30  }
.Ltmp9:
0x127: {  	v39 =	vld [tilespmem:s20+$0xE020];
	v31 =	vsel vm0, s21, v31;
	vm0 =	vgt.f32 v42, v32;
	v32 =	vmax.f32 v42, v32;
	(pc) =	sbr.rel @p1 .LBB2_16-.Ltmp9, $4  }
0x128: {  	v24 =	vmax.f32 v23, v24;
	v40 =	vld [tilespmem:s20+$0xE030];
	vm1 =	vgt.f32 v43, v33;
	v33 =	vmax.f32 v43, v33  }
0x129: {  	v35 =	vsel vm0, s21, v35;
	v41 =	vld [tilespmem:s20+$0xE040];
	vm2 =	vgt.f32 v44, v24;
	v36 =	vsel vm1, s21, v36;
	s21 =	sadd.s32 $0x1, s21;
	v23 =	vmovc v44  }
0x12a: {  	vm0 =	vgt.f32 v45, v34;
	v34 =	vmax.f32 v45, v34;
	v42 =	vld [tilespmem:s20+$0xE050];
	v22 =	vsel vm2, s21, v22  }
0x12b: {  	v38 =	vsel vm0, s21, v38;
	vm0 =	vgt.f32 v46, v37;
	v37 =	vmax.f32 v46, v37;
	v43 =	vld [tilespmem:s20+$0xE060];
	s20 =	sshra.s32 s22, $0x2;
	s22 =	sadd.s32 $0x200, s22  }
0x12c: {  	v44 =	vld [tilespmem:s20+$0xE000]  }
0x12d: {  	v25 =	vsel vm0, s21, v25;
	vm11 =	vgt.f32 v39, v26;
	v53 =	vmax.f32 v39, v26;
	v54 =	vld [tilespmem:s20+$0xE010]  }
0x12e: {  	v23 =	vmax.f32 v23, v24;
	v27 =	vsel vm11, s21, v27;
	vm12 =	vgt.f32 v40, v28  }
0x12f: {  	v55 =	vmax.f32 v40, v28;
	v29 =	vsel vm12, s21, v29;
	vm13 =	vgt.f32 v41, v30  }
0x130: {  	v56 =	vmax.f32 v41, v30;
	v31 =	vsel vm13, s21, v31;
	vm14 =	vgt.f32 v42, v32  }
0x131: {  	v58 =	vld [tilespmem:s20+$0xE020];
	v57 =	vmax.f32 v42, v32;
	vm1 =	vgt.f32 v43, v33;
	v59 =	vmax.f32 v43, v33  }
0x132: {  	s23 =	sadd.s32 $0x1, s21;
	v35 =	vsel vm14, s21, v35;
	vm15 =	vgt.f32 v44, v34;
	vm9 =	vgt.f32 v54, v37  }
0x133: {  	v36 =	vsel vm1, s21, v36;
	v60 =	vsel vm15, s23, v38;
	v25 =	vsel vm9, s23, v25  }
0x134: {  	v61 =	vmax.f32 v44, v34;
	v24 =	vshll.u32 v60, $0x7;
	v25 =	vshll.u32 v25, $0x7  }
0x135: {  	v62 =	vld [tilespmem:s20+$0xE030];
	v63 =	vmax.f32 v54, v37;
	v24 =	vor.u32 v0, v24;
	v21 =	vor.u32 v21, v25  }
0x136: {  	vm10 =	vgt.f32 v58, v53;
	vm11 =	veq.f32 v63, v61;
	vm2 =	vlt.s32 v21, v24  }
0x137: {  	v41 =	vsel vm10, s23, v27;
	vm12 =	vgt.f32 v63, v61;
	vm1 =	vmand vm11, vm2  }
0x138: {  	v26 =	vmax.f32 v58, v53;
	v25 =	vshll.u32 v41, $0x7;
	vm0 =	vmor vm12, vm1  }
0x139: {  	v42 =	vld [tilespmem:s20+$0xE040];
	v18 =	vor.u32 v18, v25;
	v34 =	vsel vm0, v63, v61;
	v21 =	vsel vm0, v21, v24  }
0x13a: {  	vm13 =	vgt.f32 v62, v55;
	vm14 =	veq.f32 v26, v34;
	vm15 =	vlt.s32 v18, v21  }
0x13b: {  	v43 =	vsel vm13, s23, v29;
	vm9 =	vgt.f32 v26, v34;
	vm1 =	vmand vm14, vm15  }
0x13c: {  	v44 =	vmax.f32 v62, v55;
	v24 =	vshll.u32 v43, $0x7;
	vm0 =	vmor vm9, vm1  }
0x13d: {  	v45 =	vld [tilespmem:s20+$0xE050];
	v19 =	vor.u32 v19, v24;
	v26 =	vsel vm0, v26, v34;
	v18 =	vsel vm0, v18, v21  }
0x13e: {  	vm10 =	vgt.f32 v42, v56;
	vm11 =	veq.f32 v44, v26;
	vm12 =	vlt.s32 v19, v18  }
0x13f: {  	v46 =	vsel vm10, s23, v31;
	vm13 =	vgt.f32 v44, v26;
	vm1 =	vmand vm11, vm12  }
0x140: {  	v47 =	vmax.f32 v42, v56;
	v21 =	vshll.u32 v46, $0x7;
	vm0 =	vmor vm13, vm1  }
0x141: {  	v48 =	vld [tilespmem:s20+$0xE060];
	v49 =	vor.u32 v20, v21;
	v25 =	vsel vm0, v44, v26;
	v18 =	vsel vm0, v19, v18  }
0x142: {  	vm14 =	vgt.f32 v45, v57;
	vm15 =	veq.f32 v47, v25;
	vm9 =	vlt.s32 v49, v18  }
0x143: {  	v50 =	vsel vm14, s23, v35;
	vm10 =	vgt.f32 v47, v25;
	vm1 =	vmand vm15, vm9  }
0x144: {  	v51 =	vmax.f32 v45, v57;
	v20 =	vshll.u32 v50, $0x7;
	vm0 =	vmor vm10, vm1  }
0x145: {  	v52 =	vld [tilespmem:s20+$0xE070];
	v15 =	vor.u32 v15, v20;
	v24 =	vsel vm0, v47, v25;
	v18 =	vsel vm0, v49, v18  }
0x146: {  	vm11 =	vgt.f32 v48, v59;
	vm12 =	veq.f32 v51, v24;
	vm13 =	vlt.s32 v15, v18  }
0x147: {  	v53 =	vsel vm11, s23, v36;
	vm14 =	vgt.f32 v51, v24;
	vm1 =	vmand vm12, vm13  }
0x148: {  	v54 =	vmax.f32 v48, v59;
	v19 =	vshll.u32 v53, $0x7;
	vm0 =	vmor vm14, vm1  }
0x149: {  	v16 =	vor.u32 v16, v19;
	v21 =	vsel vm0, v51, v24;
	v15 =	vsel vm0, v15, v18  }
0x14a: {  	vm15 =	vgt.f32 v52, v23;
	vm9 =	veq.f32 v54, v21;
	vm10 =	vlt.s32 v16, v15  }
0x14b: {  	v55 =	vsel vm15, s23, v22;
	vm11 =	vgt.f32 v54, v21;
	vm1 =	vmand vm9, vm10  }
0x14c: {  	v56 =	vmax.f32 v52, v23;
	v18 =	vshll.u32 v55, $0x7;
	vm0 =	vmor vm11, vm1  }
0x14d: {  	v57 =	vor.u32 v17, v18;
	v20 =	vsel vm0, v54, v21;
	v15 =	vsel vm0, v16, v15  }
0x14e: {  	vm12 =	veq.f32 v56, v20;
	vm13 =	vlt.s32 v57, v15  }
0x14f: {  	vm14 =	vgt.f32 v56, v20;
	vm0 =	vmand vm12, vm13  }
0x150: {  	vm0 =	vmor vm14, vm0  }
0x151: {  	v58 =	vsel vm0, v56, v20;
	v15 =	vsel vm0, v57, v15  }
0x152: {  	v59 =	vperm.xlane v58, v1;
	v60 =	vperm.xlane v15, v1;
	_ =	sdelay $0x1  }
0x153: {  	vm15 =	veq.f32 v59, v58;
	vm9 =	vlt.s32 v60, v15  }
0x154: {  	vm10 =	vgt.f32 v59, v58;
	vm0 =	vmand vm15, vm9  }
0x155: {  	vm0 =	vmor vm10, vm0  }
0x156: {  	v16 =	vsel vm0, v59, v58;
	v15 =	vsel vm0, v60, v15  }
0x157: {  	v17 =	vperm.xlane v16, v2;
	v18 =	vperm.xlane v15, v2;
	_ =	sdelay $0x1  }
0x158: {  	vm11 =	veq.f32 v17, v16;
	vm12 =	vlt.s32 v18, v15  }
0x159: {  	vm13 =	vgt.f32 v17, v16;
	vm0 =	vmand vm11, vm12  }
0x15a: {  	vm0 =	vmor vm13, vm0  }
0x15b: {  	v16 =	vsel vm0, v17, v16;
	v15 =	vsel vm0, v18, v15  }
0x15c: {  	v17 =	vperm.xlane v16, v3;
	v18 =	vperm.xlane v15, v3;
	_ =	sdelay $0x1  }
0x15d: {  	vm14 =	veq.f32 v17, v16;
	vm15 =	vlt.s32 v18, v15  }
0x15e: {  	vm9 =	vgt.f32 v17, v16;
	vm0 =	vmand vm14, vm15  }
0x15f: {  	vm0 =	vmor vm9, vm0  }
0x160: {  	v16 =	vsel vm0, v17, v16;
	v15 =	vsel vm0, v18, v15  }
0x161: {  	v17 =	vperm.xlane v16, v4;
	v18 =	vperm.xlane v15, v4  }
0x162: {  	vm3 =	vgt.f32 v14, v12;
	vm10 =	veq.f32 v14, v12  }
0x163: {  	vm11 =	vlt.s32 v13, v11;
	vm12 =	veq.f32 v17, v16;
	vm13 =	vlt.s32 v18, v15  }
0x164: {  	vm0 =	vmand vm10, vm11;
	vm14 =	vgt.f32 v17, v16;
	vm1 =	vmand vm12, vm13  }
0x165: {  	vm0 =	vmor vm3, vm0;
	vm1 =	vmor vm14, vm1  }
0x166: {  	vm15 =	vmmov $0x1;
	v61 =	vsel vm0, v14, v12;
	v62 =	vsel vm1, v17, v16  }
0x167: {  	v11 =	vsel vm0, v13, v11;
	v63 =	vsel vm1, v18, v15;
	v12 =	vsel vm15, v61, v62  }
0x168: {  	v11 =	vsel vm15, v11, v63;
	[tilespmem:$0x10000] =	vst v12  }
0x169: {  	[tilespmem:$0x10080] =	vst v11  }
0x16a: {  	[spmem:s12] =	stream.linear.scatter [tilespmem:s14], [sflag:$0x9], $0x10, $0x38;
	[tilespmem:$0x10420] =	vst v63  }
0x16b: {  	_ =	swait.ge [sflag:s15], $0x10  }
0x16c: {  	[sflag:s15] =	ssyncset.done $0x0  }
0x16d: {  	[sflag:s15] =	ssyncadd.s32 $0xFFFFFFF0  }
0x16e: {  	[spmem:s13] =	stream.linear.scatter [tilespmem:s18], [sflag:$0x9], $0x10, $0x38;
	[tilespmem:$0x10420] =	vst v63  }
.Ltmp10:
0x16f: {  	_ =	swait.ge [sflag:s15], $0x10;
	(pc) =	sbr.rel @p0 .LBB2_19-.Ltmp10, $3  }
0x170: {  	[sflag:s15] =	ssyncset.done $0x0  }
0x171: {  	[sflag:s15] =	ssyncadd.s32 $0xFFFFFFF0  }
0x172: {  	[bflag:$0x0] =	sbarrier.arrive $0xFFFF;
	_ =	sdelay $0x1  }
0x173: {  	s20 =	rddreg [dreg:$0x3];
	s21 =	simm.s32 $0x10120  }
0x174: {  	[tilespmem:s21], [sflag:$0x9] =	stream.linear.gather [spmem:s20], $0x100, $0x38;
	[tilespmem:$0x10420] =	vst v63  }
0x175: {  	_ =	swait.ge [sflag:s15], $0x100  }
0x176: {  	[sflag:s15] =	ssyncset.done $0x0  }
0x177: {  	[sflag:s15] =	ssyncadd.s32 $0xFFFFFF00  }
0x178: {  	s23 =	simm.s32 $0x10220;
	s22 =	rddreg [dreg:$0x4]  }
0x179: {  	[tilespmem:s23], [sflag:$0x9] =	stream.linear.gather [spmem:s22], $0x100, $0x38;
	[tilespmem:$0x10420] =	vst v63  }
0x17a: {  	_ =	swait.ge [sflag:s15], $0x100  }
0x17b: {  	[sflag:s15] =	ssyncset.done $0x0  }
0x17c: {  	[sflag:s15] =	ssyncadd.s32 $0xFFFFFF00  }
0x17d: {  	v11 =	vld [tilespmem:$0x10120]  }
0x17e: {  	v12 =	vld [tilespmem:$0x10130]  }
0x17f: {  	v13 =	vld [tilespmem:$0x10140]  }
0x180: {  	v14 =	vld [tilespmem:$0x10150]  }
0x181: {  	v15 =	vld [tilespmem:$0x10160]  }
0x182: {  	v16 =	vld [tilespmem:$0x10170]  }
0x183: {  	v17 =	vld [tilespmem:$0x10180]  }
0x184: {  	v18 =	vld [tilespmem:$0x10190]  }
0x185: {  	v20 =	vld [tilespmem:$0x101A0]  }
0x186: {  	v21 =	vld [tilespmem:$0x101B0]  }
0x187: {  	v23 =	vld [tilespmem:$0x101C0]  }
0x188: {  	v24 =	vld [tilespmem:$0x101D0]  }
0x189: {  	v26 =	vld [tilespmem:$0x101E0]  }
0x18a: {  	v57 =	vld [tilespmem:$0x101F0]  }
0x18b: {  	v19 =	vcombine.low v6, v5;
	v22 =	vcombine.low v8, v7;
	v28 =	vld [tilespmem:$0x10200]  }
0x18c: {  	v25 =	vcombine.low v10, v9;
	v27 =	vcombine.low v5, v6;
	v59 =	vld [tilespmem:$0x10210]  }
0x18d: {  	vm0 =	vmmov $0x3;
	v62 =	vcombine.low v7, v8;
	v33 =	vcombine.low v9, v10;
	v29 =	vld [tilespmem:$0x10220]  }
0x18e: {  	v19 =	vand.u32 $0xF, v19;
	v22 =	vand.u32 $0xF, v22;
	v61 =	vld [tilespmem:$0x10230];
	v11 =	vperm.xlane v11, v0  }
0x18f: {  	v25 =	vand.u32 $0xF, v25;
	v30 =	vld [tilespmem:$0x10240];
	v12 =	vperm.xlane v12, v19;
	v56 =	vperm.xlane v13, v22  }
0x190: {  	v27 =	vand.u32 $0xF, v27;
	v63 =	vld [tilespmem:$0x10250];
	v58 =	vperm.xlane v14, v25;
	v15 =	vperm.xlane v15, v1  }
0x191: {  	vm1 =	vmmov $0xf;
	v31 =	vld [tilespmem:$0x10260];
	v60 =	vperm.xlane v16, v27;
	v20 =	vperm.xlane v20, v0  }
0x192: {  	vm2 =	vmmov $0x3f;
	v42 =	vld [tilespmem:$0x102A0];
	v21 =	vperm.xlane v21, v19;
	v23 =	vperm.xlane v23, v22  }
0x193: {  	v41 =	vand.u32 $0xF, v33;
	v44 =	vld [tilespmem:$0x102B0];
	v36 =	vperm.xlane v24, v25;
	v39 =	vperm.xlane v26, v1  }
0x194: {  	vm3 =	vmmov $0x3ff;
	v32 =	vld [tilespmem:$0x10270];
	v13 =	vperm.xlane v57, v27;
	v18 =	vperm.xlane v18, v41  }
0x195: {  	v51 =	vld [tilespmem:$0x102F0];
	v14 =	vperm.xlane v59, v41;
	v46 =	vperm.xlane v29, v0;
	v11 =	vsel vm0, v11, v12  }
0x196: {  	v40 =	vld [tilespmem:$0x10290];
	v16 =	vperm.xlane v61, v19;
	v48 =	vperm.xlane v30, v22;
	v11 =	vsel vm1, v11, v56  }
0x197: {  	v45 =	vld [tilespmem:$0x102C0];
	v50 =	vperm.xlane v31, v1;
	v52 =	vperm.xlane v42, v0;
	v11 =	vsel vm2, v11, v58  }
0x198: {  	v47 =	vld [tilespmem:$0x102D0];
	v19 =	vperm.xlane v44, v19;
	v11 =	vsel vm4, v11, v15;
	v15 =	vand.u32 $0xF, v62  }
0x199: {  	v49 =	vld [tilespmem:$0x102E0];
	v54 =	vperm.xlane v32, v27;
	v20 =	vsel vm0, v20, v21;
	v17 =	vperm.xlane v17, v15  }
0x19a: {  	v59 =	vperm.xlane v51, v27;
	v38 =	vsel vm1, v20, v23;
	v11 =	vsel vm3, v11, v60  }
0x19b: {  	v37 =	vld [tilespmem:$0x10280];
	v61 =	vperm.xlane v40, v41;
	v11 =	vsel vm5, v11, v17;
	v17 =	vsel vm2, v38, v36  }
0x19c: {  	v53 =	vld [tilespmem:$0x10300];
	v16 =	vsel vm0, v46, v16;
	v43 =	vperm.xlane v28, v15;
	v17 =	vsel vm4, v17, v39  }
0x19d: {  	v12 =	vperm.xlane v63, v25;
	v56 =	vperm.xlane v47, v25;
	v13 =	vsel vm3, v17, v13  }
0x19e: {  	v55 =	vld [tilespmem:$0x10310];
	v58 =	vperm.xlane v49, v1;
	v17 =	vperm.xlane v45, v22;
	v13 =	vsel vm5, v13, v43  }
0x19f: {  	v13 =	vsel vm6, v13, v14;
	v14 =	vsel vm1, v16, v48;
	v16 =	vsel vm0, v52, v19  }
0x1a0: {  	v60 =	vperm.xlane v37, v15;
	v12 =	vsel vm2, v14, v12;
	v57 =	vsel vm1, v16, v17  }
0x1a1: {  	v15 =	vperm.xlane v53, v15;
	v12 =	vsel vm4, v12, v50;
	v14 =	vsel vm2, v57, v56  }
0x1a2: {  	v11 =	vsel vm6, v11, v18;
	v12 =	vsel vm3, v12, v54;
	v14 =	vsel vm4, v14, v58  }
0x1a3: {  	v63 =	vperm.xlane v55, v41;
	[tilespmem:$0x10320] =	vst v11;
	v11 =	vsel vm5, v12, v60;
	v62 =	vsel vm3, v14, v59  }
0x1a4: {  	[tilespmem:$0x10330] =	vst v13;
	v11 =	vsel vm6, v11, v61;
	v12 =	vsel vm5, v62, v15  }
0x1a5: {  	[tilespmem:$0x103A0] =	vst v11;
	v11 =	vsel vm6, v12, v63  }
0x1a6: {  	s23 =	simm.s32 $0x10320;
	s22 =	rddreg [dreg:$0x6];
	[tilespmem:$0x103B0] =	vst v11  }
0x1a7: {  	[hbm4b:s22+s3] =	stream.linear.scatter [tilespmem:s23], [sflag:$0x9], $0x20, $0x38;
	[tilespmem:$0x10420] =	vst v63  }
0x1a8: {  	_ =	swait.ge [sflag:s15], $0x20  }
0x1a9: {  	s23 =	simm.s32 $0x103A0;
	[sflag:s15] =	ssyncset.done $0x0  }
.Ltmp11:
0x1aa: {  	s22 =	rddreg [dreg:$0x7];
	[sflag:s15] =	ssyncadd.s32 $0xFFFFFFE0;
	(pc) =	sbr.rel .LBB2_19-.Ltmp11, $4  }
0x1ab: {  	[hbm4b:s22+s3] =	stream.linear.scatter [tilespmem:s23], [sflag:$0x9], $0x20, $0x38;
	[tilespmem:$0x10420] =	vst v63  }
0x1ac: {  	_ =	swait.ge [sflag:s15], $0x20  }
0x1ad: {  	[sflag:s15] =	ssyncset.done $0x0  }
0x1ae: {  	[sflag:s15] =	ssyncadd.s32 $0xFFFFFFE0  }
.LBB2_20:
0x1af: {  	_ =	sfence.sel $0x180000  }
0x1b0: {  	[bflag:$0x0] =	sbarrier.arrive $0xFFFF  }
0x1b1: {  	_ =	strace $0x90000047  }
0x1b2: {  	[bflag:$0x2] =	sbarrier.arrive $0xFFFF  }
0x1b3: {  	s0 =	rddreg [dreg:$0x5]  }
0x1b4: {  	s0 =	sadd.s32 @!p0 $0x100000, s0  }
0x1b5: {  	[sflag:s0] =	ssyncadd.tile.s32 @!p0 $0x1;
	_ =	shalt  }
.Lfunc_end2:
_tile_overlayer_lowered:
.L_overlay_start_2:
0x1b6: {  	(tag) =	ssettag $0x2  }
0x1b7: {  	s0 =	rddreg [dreg:$0x0];
	s2 =	stileid.u32  }
0x1b8: {  	s1 =	rddreg [dreg:$0x1];
	p0 =	sne.s32 s2, $0x0  }
0x1b9: {  	s3 =	rddreg [dreg:$0x2];
	[bflag:$0x3] =	sbarrier.arrive $0xFFFF;
	s2 =	simm.s32 @!p0 $0x1C09  }
0x1ba: {  	[timem:s3], [sflag:s2] =	dma.local @!p0 [hbm:s0], s1  }
0x1bb: {  	s0 =	simm.s32 @!p0 $0x9  }
0x1bc: {  	_ =	swait.ge @!p0 [sflag:s0], s1  }
0x1bd: {  	s1 =	ssub.s32 @!p0 $0x0, s1;
	[sflag:s0] =	ssyncset.done @!p0 $0x0  }
0x1be: {  	[sflag:s0] =	ssyncadd.s32 @!p0 s1  }
0x1bf: {  	[bflag:$0x3] =	sbarrier.arrive $0xFFFF  }
0x1c0: {  	_ =	shalt  }

</sc_bundles>
